<compile_context>
chip_gen: v7x
topology: tpu7x:2x2x1
jax: 0.10.2.dev20260603
libtpu: 0.0.44.dev20260713+nightly
codegen_flags: <defaults>
</compile_context>

<pallas_src>
import functools

import jax
import jax.numpy as jnp
from jax import lax
from jax.experimental import pallas as pl
from jax.experimental.pallas import tpu as pltpu
from jax.experimental.pallas import tpu_sc as plsc

BINS = 256
B, T, C, H, W = 4, 8, 3, 512, 512
SLAB = H * W
NSLAB = B * T * C
NWORKERS = 32
SLABS_PER_WORKER = NSLAB // NWORKERS
CROWS = 32
CHUNK = CROWS * W
NCHUNK = SLAB // CHUNK
VPR = W // 16
NBUF = 2
VEC = 16
UNROLL = 32
MAGIC = 2.0 ** 23
MAGIC_INT = 8388608
HSTRIDE = BINS + 1
HWORDS = VEC * HSTRIDE

_N_PER_HIST = float(B * H * W)
_SCALE = 1.0 / ((_N_PER_HIST + 1e-6) * BINS * C * (T - 1))


def _hist_sc_kernel(x_hbm, out_hbm, *scratch):
    bufs = scratch[:NBUF]
    hist, redh = scratch[NBUF:NBUF + 2]
    sems = scratch[NBUF + 2:]
    wid = lax.axis_index("s") * 2 + lax.axis_index("c")

    lane = lax.iota(jnp.int32, VEC)
    lane_off = lane * HSTRIDE - 0x4B000000
    ones = jnp.full((VEC,), 1, jnp.int32)
    zeros = jnp.zeros((VEC,), jnp.int32)

    def do_vec(bufref, row, col):
        y = bufref[row, pl.ds(col, VEC)] * 255.0 + MAGIC
        idx = plsc.bitcast(y, jnp.int32) + lane_off
        plsc.addupdate_scatter(hist, [idx], ones)

    def process(bufref):
        @plsc.parallel_loop(0, CHUNK // VEC, unroll=UNROLL)
        def body(j):
            do_vec(bufref, j // VPR, (j % VPR) * VEC)

    def chunk_copy(s, c_idx, bufref, sem):
        src = x_hbm.at[s, pl.ds(c_idx * CROWS, CROWS), :]
        return pltpu.make_async_copy(src, bufref, sem)

    for i in range(SLABS_PER_WORKER):
        s = wid * SLABS_PER_WORKER + i

        for b in range(NBUF):
            chunk_copy(s, b, bufs[b], sems[b]).start()

        def zbody(k, carry):
            hist[pl.ds(k * VEC, VEC)] = zeros
            return carry
        lax.fori_loop(0, HWORDS // VEC, zbody, 0)

        def chunk_body(g, carry, s=s):
            for b in range(NBUF):
                chunk_copy(s, NBUF * g + b, bufs[b], sems[b]).wait()
                process(bufs[b])

                @pl.when(g < (NCHUNK // NBUF - 1))
                def _(b=b):
                    chunk_copy(s, NBUF * g + b + NBUF, bufs[b],
                               sems[b]).start()
            return carry
        lax.fori_loop(0, NCHUNK // NBUF, chunk_body, 0)

        def red_body(kb, carry):
            o = kb * VEC
            acc = hist[pl.ds(o, VEC)]
            for l in range(1, VEC):
                acc = acc + hist[pl.ds(l * HSTRIDE + o, VEC)]
            redh[pl.ds(o, VEC)] = acc
            return carry
        lax.fori_loop(0, BINS // VEC, red_body, 0)

        pltpu.sync_copy(redh, out_hbm.at[pl.ds(s * BINS, BINS)])


_hist_sc = functools.partial(
    pl.kernel,
    mesh=plsc.VectorSubcoreMesh(core_axis_name="c", subcore_axis_name="s"),
    out_type=jax.ShapeDtypeStruct((NSLAB * BINS,), jnp.int32),
    compiler_params=pltpu.CompilerParams(needs_layout_passes=False),
    scratch_types=(
        [pltpu.VMEM((CROWS, W), jnp.float32) for _ in range(NBUF)]
        + [
            pltpu.VMEM((HWORDS,), jnp.int32),
            pltpu.VMEM((BINS,), jnp.int32),
        ]
        + [pltpu.SemaphoreType.DMA for _ in range(NBUF)]
    ),
)(_hist_sc_kernel)


def _finish_tc_kernel(h_ref, o_ref):
    h = h_ref[...].astype(jnp.float32)
    hs = h[0:24] + h[24:48] + h[48:72] + h[72:96]
    d = jnp.abs(hs[0:21, :] - hs[3:24, :])
    o_ref[0, 0] = jnp.sum(d) * jnp.float32(_SCALE)


def kernel(x):
    planes = x.reshape(NSLAB, H, W)
    partials = _hist_sc(planes)
    res = pl.pallas_call(
        _finish_tc_kernel,
        out_shape=jax.ShapeDtypeStruct((1, 1), jnp.float32),
        out_specs=pl.BlockSpec(memory_space=pltpu.SMEM),
    )(partials.reshape(NSLAB, BINS))
    return res[0, 0]

# --- scband reference (transcript-rebuilt; emitter-appended) ---
"""Pipeline reference for scband-histogram-consistency-loss-89240830476725 (READ-ONLY COPY).

The authoritative reference and input builder live on the scoring server;
editing this copy changes nothing except your own understanding.
"""

import jax, jax.numpy as jnp
import numpy as np

BINS = 256
EPS = 1e-06


def setup_inputs(seed: int = 0) -> dict:
    key = jax.random.key(seed)
    x = jax.random.uniform(key, (4, 8, 3, 512, 512), dtype=jnp.float32)
    return {"x": x}


def _quantize(x):
    # torch: clamp((x*255).round().long(), 0, 255)
    return jnp.clip(jnp.round(x * 255.0), 0.0, 255.0).astype(jnp.int32)


def _histograms(x):
    # Per (time, channel) histogram over all batch*h*w elements.
    # quantized values are exact integers in [0,255]; torch.histc with
    # bins=256 over [0,255] puts integer k into bin k, so bincount is exact.
    b, t, c, h, w = x.shape
    q = _quantize(x)
    flat = jnp.transpose(q, (1, 2, 0, 3, 4)).reshape(t * c, b * h * w)
    hists = jax.vmap(lambda v: jnp.bincount(v, length=BINS))(flat)
    return hists.reshape(t, c, BINS).astype(jnp.float32)


def reference(x):
    t = x.shape[1]
    hists = _histograms(x)                                   # (t, c, 256)
    hn = hists / (jnp.sum(hists, axis=-1, keepdims=True) + EPS)
    # F.l1_loss(hist_{t-1}, hist_t) = mean over 256 bins of |diff|
    diff = jnp.mean(jnp.abs(hn[:-1] - hn[1:]), axis=-1)      # (t-1, c)
    per_frame = jnp.mean(diff, axis=1)                       # (t-1,)
    return jnp.mean(per_frame)

if __name__ == "__main__":
    import jax
    _d = setup_inputs()
    print(jax.jit(kernel)(*tuple(_d.values())))

</pallas_src>

<mosaic_0001>
#map = affine_map<(d0, d1) -> (0, 0, 0)>
#map1 = affine_map<(d0, d1) -> (0)>
module attributes {stable_mosaic.version = 14 : i64} {
  func.func @_hist_sc_kernel(%arg0: i32, %arg1: i32, %arg2: memref<96x512x512xf32, #tpu.memory_space<hbm>>, %arg3: memref<24576xi32, #tpu.memory_space<hbm>>, %arg4: memref<32x512xf32, #tpu.memory_space<vmem>>, %arg5: memref<32x512xf32, #tpu.memory_space<vmem>>, %arg6: memref<4112xi32, #tpu.memory_space<vmem>>, %arg7: memref<256xi32, #tpu.memory_space<vmem>>, %arg8: memref<!tpu.dma_semaphore, #tpu.memory_space<semaphore_mem>>, %arg9: memref<!tpu.dma_semaphore, #tpu.memory_space<semaphore_mem>>) attributes {dimension_semantics = [#tpu.dimension_semantics<core_parallel>, #tpu.dimension_semantics<subcore_parallel>], iteration_bounds = array<i64: 2, 16>, scalar_prefetch = 0 : i64, scratch_operands = 6 : i64, tpu.core_type = #tpu.core_type<sc_vector_subcore>, window_params = [{transform_indices = #map}, {transform_indices = #map1}]} {
    %mul3A = arith.constant 2 : i32
    %mul3A_0 = arith.muli %arg1, %mul3A : i32
    %add3A = arith.addi %mul3A_0, %arg0 : i32
    %iota3A = tpu.iota {dimensions = array<i32: 0>} : vector<16xi32>
    %mul3A_1 = arith.constant 257 : i32
    %mul3A_2 = vector.broadcast %mul3A_1 : i32 to vector<16xi32>
    %mul3A_3 = arith.muli %iota3A, %mul3A_2 : vector<16xi32>
    %sub3A = arith.constant 1258291200 : i32
    %sub3A_4 = vector.broadcast %sub3A : i32 to vector<16xi32>
    %sub3A_5 = arith.subi %mul3A_3, %sub3A_4 : vector<16xi32>
    %broadcast_in_dim3A = arith.constant 1 : i32
    %broadcast_in_dim3A_6 = vector.broadcast %broadcast_in_dim3A : i32 to vector<16xi32>
    %broadcast_in_dim3A_7 = arith.constant 0 : i32
    %broadcast_in_dim3A_8 = vector.broadcast %broadcast_in_dim3A_7 : i32 to vector<16xi32>
    %mul3A_9 = arith.constant 3 : i32
    %mul3A_10 = arith.muli %add3A, %mul3A_9 : i32
    %add3A_11 = arith.constant 0 : i32
    %add3A_12 = arith.addi %mul3A_10, %add3A_11 : i32
    %dma_start3A = arith.constant 0 : i32
    %dma_start3A_13 = arith.constant 0 : i32
    %dma_start3A_14 = tpu.memref_slice %arg2[%add3A_12, %dma_start3A, %dma_start3A_13] : memref<96x512x512xf32, #tpu.memory_space<hbm>> -> memref<1x32x512xf32, #tpu.memory_space<hbm>>
    %dma_start3A_15 = tpu.memref_squeeze %dma_start3A_14 : memref<1x32x512xf32, #tpu.memory_space<hbm>> -> memref<32x512xf32, #tpu.memory_space<hbm>>
    %dma_start3A_16 = arith.constant 0 : i32
    %dma_start3A_17 = arith.constant 0 : i32
    %dma_start3A_18 = tpu.memref_slice %arg2[%add3A_12, %dma_start3A_16, %dma_start3A_17] : memref<96x512x512xf32, #tpu.memory_space<hbm>> -> memref<1x32x512xf32, #tpu.memory_space<hbm>>
    %dma_start3A_19 = tpu.memref_squeeze %dma_start3A_18 : memref<1x32x512xf32, #tpu.memory_space<hbm>> -> memref<32x512xf32, #tpu.memory_space<hbm>>
    tpu.enqueue_dma source(%dma_start3A_19 : memref<32x512xf32, #tpu.memory_space<hbm>>) target(%arg4 : memref<32x512xf32, #tpu.memory_space<vmem>>) target_semaphore(%arg8 : memref<!tpu.dma_semaphore, #tpu.memory_space<semaphore_mem>>)
    %dma_start3A_20 = arith.constant 32 : i32
    %dma_start3A_21 = arith.constant 0 : i32
    %dma_start3A_22 = tpu.memref_slice %arg2[%add3A_12, %dma_start3A_20, %dma_start3A_21] : memref<96x512x512xf32, #tpu.memory_space<hbm>> -> memref<1x32x512xf32, #tpu.memory_space<hbm>>
    %dma_start3A_23 = tpu.memref_squeeze %dma_start3A_22 : memref<1x32x512xf32, #tpu.memory_space<hbm>> -> memref<32x512xf32, #tpu.memory_space<hbm>>
    %dma_start3A_24 = arith.constant 32 : i32
    %dma_start3A_25 = arith.constant 0 : i32
    %dma_start3A_26 = tpu.memref_slice %arg2[%add3A_12, %dma_start3A_24, %dma_start3A_25] : memref<96x512x512xf32, #tpu.memory_space<hbm>> -> memref<1x32x512xf32, #tpu.memory_space<hbm>>
    %dma_start3A_27 = tpu.memref_squeeze %dma_start3A_26 : memref<1x32x512xf32, #tpu.memory_space<hbm>> -> memref<32x512xf32, #tpu.memory_space<hbm>>
    tpu.enqueue_dma source(%dma_start3A_27 : memref<32x512xf32, #tpu.memory_space<hbm>>) target(%arg5 : memref<32x512xf32, #tpu.memory_space<vmem>>) target_semaphore(%arg9 : memref<!tpu.dma_semaphore, #tpu.memory_space<semaphore_mem>>)
    %scan3A = arith.constant 0 : i32
    %scan3A_28 = arith.constant 0 : i32
    %scan3A_29 = arith.constant 257 : i32
    %scan3A_30 = arith.addi %scan3A_28, %scan3A_29 : i32
    %scan3A_31 = arith.constant 1 : i32
    scf.for %scan3A_127 = %scan3A_28 to %scan3A_30 step %scan3A_31  : i32 {
      %mul3A_128 = arith.constant 16 : i32
      %mul3A_129 = arith.muli %scan3A_127, %mul3A_128 : i32
      %swap3A = arith.index_cast %mul3A_129 : i32 to index
      %swap3A_130 = tpu.vector_load %arg6[%swap3A] {strides = array<i32>} : memref<4112xi32, #tpu.memory_space<vmem>>, vector<16xi32>,
      tpu.vector_store %arg6[%swap3A], %broadcast_in_dim3A_8 {strides = array<i32>} : memref<4112xi32, #tpu.memory_space<vmem>>, vector<16xi32>,
    }
    %scan3A_32 = arith.constant 257 : i32
    %scan3A_33 = arith.constant 0 : i32
    %scan3A_34 = arith.constant 0 : i32
    %scan3A_35 = arith.constant 8 : i32
    %scan3A_36 = arith.addi %scan3A_34, %scan3A_35 : i32
    %scan3A_37 = arith.constant 1 : i32
    scf.for %scan3A_127 = %scan3A_34 to %scan3A_36 step %scan3A_37  : i32 {
      %mul3A_128 = arith.constant 2 : i32
      %mul3A_129 = arith.muli %mul3A_128, %scan3A_127 : i32
      %add3A_130 = arith.constant 0 : i32
      %add3A_131 = arith.addi %mul3A_129, %add3A_130 : i32
      %mul3A_132 = arith.constant 32 : i32
      %mul3A_133 = arith.muli %add3A_131, %mul3A_132 : i32
      %dma_wait3A = arith.constant 0 : i32
      %dma_wait3A_134 = tpu.memref_slice %arg2[%add3A_12, %mul3A_133, %dma_wait3A] : memref<96x512x512xf32, #tpu.memory_space<hbm>> -> memref<1x32x512xf32, #tpu.memory_space<hbm>>
      %dma_wait3A_135 = tpu.memref_squeeze %dma_wait3A_134 : memref<1x32x512xf32, #tpu.memory_space<hbm>> -> memref<32x512xf32, #tpu.memory_space<hbm>>
      %dma_wait3A_136 = arith.constant 0 : i32
      %dma_wait3A_137 = tpu.memref_slice %arg2[%add3A_12, %mul3A_133, %dma_wait3A_136] : memref<96x512x512xf32, #tpu.memory_space<hbm>> -> memref<1x32x512xf32, #tpu.memory_space<hbm>>
      %dma_wait3A_138 = tpu.memref_squeeze %dma_wait3A_137 : memref<1x32x512xf32, #tpu.memory_space<hbm>> -> memref<32x512xf32, #tpu.memory_space<hbm>>
      tpu.wait_dma2 semaphore(%arg8 : memref<!tpu.dma_semaphore, #tpu.memory_space<semaphore_mem>>) src(%dma_wait3A_138 : memref<32x512xf32, #tpu.memory_space<hbm>>) dst(%arg4 : memref<32x512xf32, #tpu.memory_space<vmem>>)
      %parallel_loop3A = arith.constant 0 : i32
      %parallel_loop3A_139 = arith.constant 1024 : i32
      %parallel_loop3A_140 = arith.constant 1 : i32
      scf.for %parallel_loop3A_163 = %parallel_loop3A to %parallel_loop3A_139 step %parallel_loop3A_140  : i32 {
        %parallel_loop3A_164 = arith.constant 32 : i32
        %parallel_loop3A_165 = arith.divsi %parallel_loop3A_163, %parallel_loop3A_164 : i32
        %parallel_loop3A_166 = arith.constant 0 : i32
        %parallel_loop3A_167 = arith.cmpi sgt, %parallel_loop3A_163, %parallel_loop3A_166 : i32
        %parallel_loop3A_168 = arith.extui %parallel_loop3A_167 : i1 to i32
        %parallel_loop3A_169 = arith.constant 0 : i32
        %parallel_loop3A_170 = arith.cmpi slt, %parallel_loop3A_163, %parallel_loop3A_169 : i32
        %parallel_loop3A_171 = arith.extui %parallel_loop3A_170 : i1 to i32
        %parallel_loop3A_172 = arith.subi %parallel_loop3A_168, %parallel_loop3A_171 : i32
        %parallel_loop3A_173 = arith.constant 0 : i32
        %parallel_loop3A_174 = arith.cmpi sgt, %parallel_loop3A_164, %parallel_loop3A_173 : i32
        %parallel_loop3A_175 = arith.extui %parallel_loop3A_174 : i1 to i32
        %parallel_loop3A_176 = arith.constant 0 : i32
        %parallel_loop3A_177 = arith.cmpi slt, %parallel_loop3A_164, %parallel_loop3A_176 : i32
        %parallel_loop3A_178 = arith.extui %parallel_loop3A_177 : i1 to i32
        %parallel_loop3A_179 = arith.subi %parallel_loop3A_175, %parallel_loop3A_178 : i32
        %parallel_loop3A_180 = arith.cmpi ne, %parallel_loop3A_172, %parallel_loop3A_179 : i32
        %parallel_loop3A_181 = arith.remsi %parallel_loop3A_163, %parallel_loop3A_164 : i32
        %parallel_loop3A_182 = arith.constant 0 : i32
        %parallel_loop3A_183 = arith.cmpi ne, %parallel_loop3A_181, %parallel_loop3A_182 : i32
        %parallel_loop3A_184 = arith.andi %parallel_loop3A_180, %parallel_loop3A_183 : i1
        %parallel_loop3A_185 = arith.constant 1 : i32
        %parallel_loop3A_186 = arith.subi %parallel_loop3A_165, %parallel_loop3A_185 : i32
        %parallel_loop3A_187 = arith.select %parallel_loop3A_184, %parallel_loop3A_186, %parallel_loop3A_165 : i32
        %parallel_loop3A_188 = arith.constant 32 : i32
        %parallel_loop3A_189 = arith.constant 0 : i32
        %parallel_loop3A_190 = arith.cmpi eq, %parallel_loop3A_188, %parallel_loop3A_189 : i32
        %parallel_loop3A_191 = arith.constant 1 : i32
        %parallel_loop3A_192 = arith.select %parallel_loop3A_190, %parallel_loop3A_191, %parallel_loop3A_188 : i32
        %parallel_loop3A_193 = arith.remsi %parallel_loop3A_163, %parallel_loop3A_192 : i32
        %parallel_loop3A_194 = arith.constant 0 : i32
        %parallel_loop3A_195 = arith.cmpi ne, %parallel_loop3A_193, %parallel_loop3A_194 : i32
        %parallel_loop3A_196 = arith.constant 0 : i32
        %parallel_loop3A_197 = arith.cmpi slt, %parallel_loop3A_193, %parallel_loop3A_196 : i32
        %parallel_loop3A_198 = arith.constant 0 : i32
        %parallel_loop3A_199 = arith.cmpi slt, %parallel_loop3A_192, %parallel_loop3A_198 : i32
        %parallel_loop3A_200 = arith.xori %parallel_loop3A_197, %parallel_loop3A_199 : i1
        %parallel_loop3A_201 = arith.andi %parallel_loop3A_200, %parallel_loop3A_195 : i1
        %parallel_loop3A_202 = arith.addi %parallel_loop3A_193, %parallel_loop3A_192 : i32
        %parallel_loop3A_203 = arith.select %parallel_loop3A_201, %parallel_loop3A_202, %parallel_loop3A_193 : i32
        %parallel_loop3A_204 = arith.constant 16 : i32
        %parallel_loop3A_205 = arith.muli %parallel_loop3A_203, %parallel_loop3A_204 : i32
        %parallel_loop3A_206 = arith.index_cast %parallel_loop3A_187 : i32 to index
        %parallel_loop3A_207 = arith.index_cast %parallel_loop3A_205 : i32 to index
        %parallel_loop3A_208 = tpu.vector_load %arg4[%parallel_loop3A_206, %parallel_loop3A_207] {strides = array<i32>} : memref<32x512xf32, #tpu.memory_space<vmem>>, vector<16xf32>,
        %parallel_loop3A_209 = arith.constant 2.550000e+02 : f32
        %parallel_loop3A_210 = vector.broadcast %parallel_loop3A_209 : f32 to vector<16xf32>
        %parallel_loop3A_211 = arith.mulf %parallel_loop3A_208, %parallel_loop3A_210 : vector<16xf32>
        %parallel_loop3A_212 = arith.constant 0x4B000000 : f32
        %parallel_loop3A_213 = vector.broadcast %parallel_loop3A_212 : f32 to vector<16xf32>
        %parallel_loop3A_214 = arith.addf %parallel_loop3A_211, %parallel_loop3A_213 : vector<16xf32>
        %parallel_loop3A_215 = vector.bitcast %parallel_loop3A_214 : vector<16xf32> to vector<16xi32>
        %parallel_loop3A_216 = arith.addi %parallel_loop3A_215, %sub3A_5 : vector<16xi32>
        tpu.vector_store_idx %arg6[%parallel_loop3A_216], %broadcast_in_dim3A_6 {add = true} : memref<4112xi32, #tpu.memory_space<vmem>>[vector<16xi32>], vector<16xi32>,
      } {sc.loop_unroll_factor = 32 : i64, sc.parallel_access}
      %lt3A = arith.constant 7 : i32
      %lt3A_141 = arith.cmpi slt, %scan3A_127, %lt3A : i32
      %convert_element_type3A = arith.extui %lt3A_141 : i1 to i32
      %cond3A = arith.constant 0 : i32
      %cond3A_142 = arith.cmpi ne, %convert_element_type3A, %cond3A : i32
      scf.if %cond3A_142 {
        %mul3A_163 = arith.constant 2 : i32
        %mul3A_164 = arith.muli %mul3A_163, %scan3A_127 : i32
        %add3A_165 = arith.constant 0 : i32
        %add3A_166 = arith.addi %mul3A_164, %add3A_165 : i32
        %add3A_167 = arith.constant 2 : i32
        %add3A_168 = arith.addi %add3A_166, %add3A_167 : i32
        %mul3A_169 = arith.constant 32 : i32
        %mul3A_170 = arith.muli %add3A_168, %mul3A_169 : i32
        %dma_start3A_171 = arith.constant 0 : i32
        %dma_start3A_172 = tpu.memref_slice %arg2[%add3A_12, %mul3A_170, %dma_start3A_171] : memref<96x512x512xf32, #tpu.memory_space<hbm>> -> memref<1x32x512xf32, #tpu.memory_space<hbm>>
        %dma_start3A_173 = tpu.memref_squeeze %dma_start3A_172 : memref<1x32x512xf32, #tpu.memory_space<hbm>> -> memref<32x512xf32, #tpu.memory_space<hbm>>
        %dma_start3A_174 = arith.constant 0 : i32
        %dma_start3A_175 = tpu.memref_slice %arg2[%add3A_12, %mul3A_170, %dma_start3A_174] : memref<96x512x512xf32, #tpu.memory_space<hbm>> -> memref<1x32x512xf32, #tpu.memory_space<hbm>>
        %dma_start3A_176 = tpu.memref_squeeze %dma_start3A_175 : memref<1x32x512xf32, #tpu.memory_space<hbm>> -> memref<32x512xf32, #tpu.memory_space<hbm>>
        tpu.enqueue_dma source(%dma_start3A_176 : memref<32x512xf32, #tpu.memory_space<hbm>>) target(%arg4 : memref<32x512xf32, #tpu.memory_space<vmem>>) target_semaphore(%arg8 : memref<!tpu.dma_semaphore, #tpu.memory_space<semaphore_mem>>)
      } else {
      }
      %mul3A_143 = arith.constant 2 : i32
      %mul3A_144 = arith.muli %mul3A_143, %scan3A_127 : i32
      %add3A_145 = arith.constant 1 : i32
      %add3A_146 = arith.addi %mul3A_144, %add3A_145 : i32
      %mul3A_147 = arith.constant 32 : i32
      %mul3A_148 = arith.muli %add3A_146, %mul3A_147 : i32
      %dma_wait3A_149 = arith.constant 0 : i32
      %dma_wait3A_150 = tpu.memref_slice %arg2[%add3A_12, %mul3A_148, %dma_wait3A_149] : memref<96x512x512xf32, #tpu.memory_space<hbm>> -> memref<1x32x512xf32, #tpu.memory_space<hbm>>
      %dma_wait3A_151 = tpu.memref_squeeze %dma_wait3A_150 : memref<1x32x512xf32, #tpu.memory_space<hbm>> -> memref<32x512xf32, #tpu.memory_space<hbm>>
      %dma_wait3A_152 = arith.constant 0 : i32
      %dma_wait3A_153 = tpu.memref_slice %arg2[%add3A_12, %mul3A_148, %dma_wait3A_152] : memref<96x512x512xf32, #tpu.memory_space<hbm>> -> memref<1x32x512xf32, #tpu.memory_space<hbm>>
      %dma_wait3A_154 = tpu.memref_squeeze %dma_wait3A_153 : memref<1x32x512xf32, #tpu.memory_space<hbm>> -> memref<32x512xf32, #tpu.memory_space<hbm>>
      tpu.wait_dma2 semaphore(%arg9 : memref<!tpu.dma_semaphore, #tpu.memory_space<semaphore_mem>>) src(%dma_wait3A_154 : memref<32x512xf32, #tpu.memory_space<hbm>>) dst(%arg5 : memref<32x512xf32, #tpu.memory_space<vmem>>)
      %parallel_loop3A_155 = arith.constant 0 : i32
      %parallel_loop3A_156 = arith.constant 1024 : i32
      %parallel_loop3A_157 = arith.constant 1 : i32
      scf.for %parallel_loop3A_163 = %parallel_loop3A_155 to %parallel_loop3A_156 step %parallel_loop3A_157  : i32 {
        %parallel_loop3A_164 = arith.constant 32 : i32
        %parallel_loop3A_165 = arith.divsi %parallel_loop3A_163, %parallel_loop3A_164 : i32
        %parallel_loop3A_166 = arith.constant 0 : i32
        %parallel_loop3A_167 = arith.cmpi sgt, %parallel_loop3A_163, %parallel_loop3A_166 : i32
        %parallel_loop3A_168 = arith.extui %parallel_loop3A_167 : i1 to i32
        %parallel_loop3A_169 = arith.constant 0 : i32
        %parallel_loop3A_170 = arith.cmpi slt, %parallel_loop3A_163, %parallel_loop3A_169 : i32
        %parallel_loop3A_171 = arith.extui %parallel_loop3A_170 : i1 to i32
        %parallel_loop3A_172 = arith.subi %parallel_loop3A_168, %parallel_loop3A_171 : i32
        %parallel_loop3A_173 = arith.constant 0 : i32
        %parallel_loop3A_174 = arith.cmpi sgt, %parallel_loop3A_164, %parallel_loop3A_173 : i32
        %parallel_loop3A_175 = arith.extui %parallel_loop3A_174 : i1 to i32
        %parallel_loop3A_176 = arith.constant 0 : i32
        %parallel_loop3A_177 = arith.cmpi slt, %parallel_loop3A_164, %parallel_loop3A_176 : i32
        %parallel_loop3A_178 = arith.extui %parallel_loop3A_177 : i1 to i32
        %parallel_loop3A_179 = arith.subi %parallel_loop3A_175, %parallel_loop3A_178 : i32
        %parallel_loop3A_180 = arith.cmpi ne, %parallel_loop3A_172, %parallel_loop3A_179 : i32
        %parallel_loop3A_181 = arith.remsi %parallel_loop3A_163, %parallel_loop3A_164 : i32
        %parallel_loop3A_182 = arith.constant 0 : i32
        %parallel_loop3A_183 = arith.cmpi ne, %parallel_loop3A_181, %parallel_loop3A_182 : i32
        %parallel_loop3A_184 = arith.andi %parallel_loop3A_180, %parallel_loop3A_183 : i1
        %parallel_loop3A_185 = arith.constant 1 : i32
        %parallel_loop3A_186 = arith.subi %parallel_loop3A_165, %parallel_loop3A_185 : i32
        %parallel_loop3A_187 = arith.select %parallel_loop3A_184, %parallel_loop3A_186, %parallel_loop3A_165 : i32
        %parallel_loop3A_188 = arith.constant 32 : i32
        %parallel_loop3A_189 = arith.constant 0 : i32
        %parallel_loop3A_190 = arith.cmpi eq, %parallel_loop3A_188, %parallel_loop3A_189 : i32
        %parallel_loop3A_191 = arith.constant 1 : i32
        %parallel_loop3A_192 = arith.select %parallel_loop3A_190, %parallel_loop3A_191, %parallel_loop3A_188 : i32
        %parallel_loop3A_193 = arith.remsi %parallel_loop3A_163, %parallel_loop3A_192 : i32
        %parallel_loop3A_194 = arith.constant 0 : i32
        %parallel_loop3A_195 = arith.cmpi ne, %parallel_loop3A_193, %parallel_loop3A_194 : i32
        %parallel_loop3A_196 = arith.constant 0 : i32
        %parallel_loop3A_197 = arith.cmpi slt, %parallel_loop3A_193, %parallel_loop3A_196 : i32
        %parallel_loop3A_198 = arith.constant 0 : i32
        %parallel_loop3A_199 = arith.cmpi slt, %parallel_loop3A_192, %parallel_loop3A_198 : i32
        %parallel_loop3A_200 = arith.xori %parallel_loop3A_197, %parallel_loop3A_199 : i1
        %parallel_loop3A_201 = arith.andi %parallel_loop3A_200, %parallel_loop3A_195 : i1
        %parallel_loop3A_202 = arith.addi %parallel_loop3A_193, %parallel_loop3A_192 : i32
        %parallel_loop3A_203 = arith.select %parallel_loop3A_201, %parallel_loop3A_202, %parallel_loop3A_193 : i32
        %parallel_loop3A_204 = arith.constant 16 : i32
        %parallel_loop3A_205 = arith.muli %parallel_loop3A_203, %parallel_loop3A_204 : i32
        %parallel_loop3A_206 = arith.index_cast %parallel_loop3A_187 : i32 to index
        %parallel_loop3A_207 = arith.index_cast %parallel_loop3A_205 : i32 to index
        %parallel_loop3A_208 = tpu.vector_load %arg5[%parallel_loop3A_206, %parallel_loop3A_207] {strides = array<i32>} : memref<32x512xf32, #tpu.memory_space<vmem>>, vector<16xf32>,
        %parallel_loop3A_209 = arith.constant 2.550000e+02 : f32
        %parallel_loop3A_210 = vector.broadcast %parallel_loop3A_209 : f32 to vector<16xf32>
        %parallel_loop3A_211 = arith.mulf %parallel_loop3A_208, %parallel_loop3A_210 : vector<16xf32>
        %parallel_loop3A_212 = arith.constant 0x4B000000 : f32
        %parallel_loop3A_213 = vector.broadcast %parallel_loop3A_212 : f32 to vector<16xf32>
        %parallel_loop3A_214 = arith.addf %parallel_loop3A_211, %parallel_loop3A_213 : vector<16xf32>
        %parallel_loop3A_215 = vector.bitcast %parallel_loop3A_214 : vector<16xf32> to vector<16xi32>
        %parallel_loop3A_216 = arith.addi %parallel_loop3A_215, %sub3A_5 : vector<16xi32>
        tpu.vector_store_idx %arg6[%parallel_loop3A_216], %broadcast_in_dim3A_6 {add = true} : memref<4112xi32, #tpu.memory_space<vmem>>[vector<16xi32>], vector<16xi32>,
      } {sc.loop_unroll_factor = 32 : i64, sc.parallel_access}
      %lt3A_158 = arith.constant 7 : i32
      %lt3A_159 = arith.cmpi slt, %scan3A_127, %lt3A_158 : i32
      %convert_element_type3A_160 = arith.extui %lt3A_159 : i1 to i32
      %cond3A_161 = arith.constant 0 : i32
      %cond3A_162 = arith.cmpi ne, %convert_element_type3A_160, %cond3A_161 : i32
      scf.if %cond3A_162 {
        %mul3A_163 = arith.constant 2 : i32
        %mul3A_164 = arith.muli %mul3A_163, %scan3A_127 : i32
        %add3A_165 = arith.constant 1 : i32
        %add3A_166 = arith.addi %mul3A_164, %add3A_165 : i32
        %add3A_167 = arith.constant 2 : i32
        %add3A_168 = arith.addi %add3A_166, %add3A_167 : i32
        %mul3A_169 = arith.constant 32 : i32
        %mul3A_170 = arith.muli %add3A_168, %mul3A_169 : i32
        %dma_start3A_171 = arith.constant 0 : i32
        %dma_start3A_172 = tpu.memref_slice %arg2[%add3A_12, %mul3A_170, %dma_start3A_171] : memref<96x512x512xf32, #tpu.memory_space<hbm>> -> memref<1x32x512xf32, #tpu.memory_space<hbm>>
        %dma_start3A_173 = tpu.memref_squeeze %dma_start3A_172 : memref<1x32x512xf32, #tpu.memory_space<hbm>> -> memref<32x512xf32, #tpu.memory_space<hbm>>
        %dma_start3A_174 = arith.constant 0 : i32
        %dma_start3A_175 = tpu.memref_slice %arg2[%add3A_12, %mul3A_170, %dma_start3A_174] : memref<96x512x512xf32, #tpu.memory_space<hbm>> -> memref<1x32x512xf32, #tpu.memory_space<hbm>>
        %dma_start3A_176 = tpu.memref_squeeze %dma_start3A_175 : memref<1x32x512xf32, #tpu.memory_space<hbm>> -> memref<32x512xf32, #tpu.memory_space<hbm>>
        tpu.enqueue_dma source(%dma_start3A_176 : memref<32x512xf32, #tpu.memory_space<hbm>>) target(%arg5 : memref<32x512xf32, #tpu.memory_space<vmem>>) target_semaphore(%arg9 : memref<!tpu.dma_semaphore, #tpu.memory_space<semaphore_mem>>)
      } else {
      }
    }
    %scan3A_38 = arith.constant 8 : i32
    %scan3A_39 = arith.constant 0 : i32
    %scan3A_40 = arith.constant 0 : i32
    %scan3A_41 = arith.constant 16 : i32
    %scan3A_42 = arith.addi %scan3A_40, %scan3A_41 : i32
    %scan3A_43 = arith.constant 1 : i32
    scf.for %scan3A_127 = %scan3A_40 to %scan3A_42 step %scan3A_43  : i32 {
      %mul3A_128 = arith.constant 16 : i32
      %mul3A_129 = arith.muli %scan3A_127, %mul3A_128 : i32
      %get3A = arith.index_cast %mul3A_129 : i32 to index
      %get3A_130 = tpu.vector_load %arg6[%get3A] {strides = array<i32>} : memref<4112xi32, #tpu.memory_space<vmem>>, vector<16xi32>,
      %add3A_131 = arith.constant 257 : i32
      %add3A_132 = arith.addi %add3A_131, %mul3A_129 : i32
      %get3A_133 = arith.index_cast %add3A_132 : i32 to index
      %get3A_134 = tpu.vector_load %arg6[%get3A_133] {strides = array<i32>} : memref<4112xi32, #tpu.memory_space<vmem>>, vector<16xi32>,
      %add3A_135 = arith.addi %get3A_130, %get3A_134 : vector<16xi32>
      %add3A_136 = arith.constant 514 : i32
      %add3A_137 = arith.addi %add3A_136, %mul3A_129 : i32
      %get3A_138 = arith.index_cast %add3A_137 : i32 to index
      %get3A_139 = tpu.vector_load %arg6[%get3A_138] {strides = array<i32>} : memref<4112xi32, #tpu.memory_space<vmem>>, vector<16xi32>,
      %add3A_140 = arith.addi %add3A_135, %get3A_139 : vector<16xi32>
      %add3A_141 = arith.constant 771 : i32
      %add3A_142 = arith.addi %add3A_141, %mul3A_129 : i32
      %get3A_143 = arith.index_cast %add3A_142 : i32 to index
      %get3A_144 = tpu.vector_load %arg6[%get3A_143] {strides = array<i32>} : memref<4112xi32, #tpu.memory_space<vmem>>, vector<16xi32>,
      %add3A_145 = arith.addi %add3A_140, %get3A_144 : vector<16xi32>
      %add3A_146 = arith.constant 1028 : i32
      %add3A_147 = arith.addi %add3A_146, %mul3A_129 : i32
      %get3A_148 = arith.index_cast %add3A_147 : i32 to index
      %get3A_149 = tpu.vector_load %arg6[%get3A_148] {strides = array<i32>} : memref<4112xi32, #tpu.memory_space<vmem>>, vector<16xi32>,
      %add3A_150 = arith.addi %add3A_145, %get3A_149 : vector<16xi32>
      %add3A_151 = arith.constant 1285 : i32
      %add3A_152 = arith.addi %add3A_151, %mul3A_129 : i32
      %get3A_153 = arith.index_cast %add3A_152 : i32 to index
      %get3A_154 = tpu.vector_load %arg6[%get3A_153] {strides = array<i32>} : memref<4112xi32, #tpu.memory_space<vmem>>, vector<16xi32>,
      %add3A_155 = arith.addi %add3A_150, %get3A_154 : vector<16xi32>
      %add3A_156 = arith.constant 1542 : i32
      %add3A_157 = arith.addi %add3A_156, %mul3A_129 : i32
      %get3A_158 = arith.index_cast %add3A_157 : i32 to index
      %get3A_159 = tpu.vector_load %arg6[%get3A_158] {strides = array<i32>} : memref<4112xi32, #tpu.memory_space<vmem>>, vector<16xi32>,
      %add3A_160 = arith.addi %add3A_155, %get3A_159 : vector<16xi32>
      %add3A_161 = arith.constant 1799 : i32
      %add3A_162 = arith.addi %add3A_161, %mul3A_129 : i32
      %get3A_163 = arith.index_cast %add3A_162 : i32 to index
      %get3A_164 = tpu.vector_load %arg6[%get3A_163] {strides = array<i32>} : memref<4112xi32, #tpu.memory_space<vmem>>, vector<16xi32>,
      %add3A_165 = arith.addi %add3A_160, %get3A_164 : vector<16xi32>
      %add3A_166 = arith.constant 2056 : i32
      %add3A_167 = arith.addi %add3A_166, %mul3A_129 : i32
      %get3A_168 = arith.index_cast %add3A_167 : i32 to index
      %get3A_169 = tpu.vector_load %arg6[%get3A_168] {strides = array<i32>} : memref<4112xi32, #tpu.memory_space<vmem>>, vector<16xi32>,
      %add3A_170 = arith.addi %add3A_165, %get3A_169 : vector<16xi32>
      %add3A_171 = arith.constant 2313 : i32
      %add3A_172 = arith.addi %add3A_171, %mul3A_129 : i32
      %get3A_173 = arith.index_cast %add3A_172 : i32 to index
      %get3A_174 = tpu.vector_load %arg6[%get3A_173] {strides = array<i32>} : memref<4112xi32, #tpu.memory_space<vmem>>, vector<16xi32>,
      %add3A_175 = arith.addi %add3A_170, %get3A_174 : vector<16xi32>
      %add3A_176 = arith.constant 2570 : i32
      %add3A_177 = arith.addi %add3A_176, %mul3A_129 : i32
      %get3A_178 = arith.index_cast %add3A_177 : i32 to index
      %get3A_179 = tpu.vector_load %arg6[%get3A_178] {strides = array<i32>} : memref<4112xi32, #tpu.memory_space<vmem>>, vector<16xi32>,
      %add3A_180 = arith.addi %add3A_175, %get3A_179 : vector<16xi32>
      %add3A_181 = arith.constant 2827 : i32
      %add3A_182 = arith.addi %add3A_181, %mul3A_129 : i32
      %get3A_183 = arith.index_cast %add3A_182 : i32 to index
      %get3A_184 = tpu.vector_load %arg6[%get3A_183] {strides = array<i32>} : memref<4112xi32, #tpu.memory_space<vmem>>, vector<16xi32>,
      %add3A_185 = arith.addi %add3A_180, %get3A_184 : vector<16xi32>
      %add3A_186 = arith.constant 3084 : i32
      %add3A_187 = arith.addi %add3A_186, %mul3A_129 : i32
      %get3A_188 = arith.index_cast %add3A_187 : i32 to index
      %get3A_189 = tpu.vector_load %arg6[%get3A_188] {strides = array<i32>} : memref<4112xi32, #tpu.memory_space<vmem>>, vector<16xi32>,
      %add3A_190 = arith.addi %add3A_185, %get3A_189 : vector<16xi32>
      %add3A_191 = arith.constant 3341 : i32
      %add3A_192 = arith.addi %add3A_191, %mul3A_129 : i32
      %get3A_193 = arith.index_cast %add3A_192 : i32 to index
      %get3A_194 = tpu.vector_load %arg6[%get3A_193] {strides = array<i32>} : memref<4112xi32, #tpu.memory_space<vmem>>, vector<16xi32>,
      %add3A_195 = arith.addi %add3A_190, %get3A_194 : vector<16xi32>
      %add3A_196 = arith.constant 3598 : i32
      %add3A_197 = arith.addi %add3A_196, %mul3A_129 : i32
      %get3A_198 = arith.index_cast %add3A_197 : i32 to index
      %get3A_199 = tpu.vector_load %arg6[%get3A_198] {strides = array<i32>} : memref<4112xi32, #tpu.memory_space<vmem>>, vector<16xi32>,
      %add3A_200 = arith.addi %add3A_195, %get3A_199 : vector<16xi32>
      %add3A_201 = arith.constant 3855 : i32
      %add3A_202 = arith.addi %add3A_201, %mul3A_129 : i32
      %get3A_203 = arith.index_cast %add3A_202 : i32 to index
      %get3A_204 = tpu.vector_load %arg6[%get3A_203] {strides = array<i32>} : memref<4112xi32, #tpu.memory_space<vmem>>, vector<16xi32>,
      %add3A_205 = arith.addi %add3A_200, %get3A_204 : vector<16xi32>
      %swap3A = arith.index_cast %mul3A_129 : i32 to index
      %swap3A_206 = tpu.vector_load %arg7[%swap3A] {strides = array<i32>} : memref<256xi32, #tpu.memory_space<vmem>>, vector<16xi32>,
      tpu.vector_store %arg7[%swap3A], %add3A_205 {strides = array<i32>} : memref<256xi32, #tpu.memory_space<vmem>>, vector<16xi32>,
    }
    %scan3A_44 = arith.constant 16 : i32
    %mul3A_45 = arith.constant 256 : i32
    %mul3A_46 = arith.muli %add3A_12, %mul3A_45 : i32
    "tpu.region"() ({
      %run_scoped3A = tpu.sem_alloc : memref<!tpu.dma_semaphore, #tpu.memory_space<semaphore_mem>>
      %dma_start3A_127 = tpu.memref_slice %arg3[%mul3A_46] : memref<24576xi32, #tpu.memory_space<hbm>> -> memref<256xi32, #tpu.memory_space<hbm>>
      %dma_start3A_128 = tpu.memref_slice %arg3[%mul3A_46] : memref<24576xi32, #tpu.memory_space<hbm>> -> memref<256xi32, #tpu.memory_space<hbm>>
      tpu.enqueue_dma source(%arg7 : memref<256xi32, #tpu.memory_space<vmem>>) target(%dma_start3A_128 : memref<256xi32, #tpu.memory_space<hbm>>) target_semaphore(%run_scoped3A : memref<!tpu.dma_semaphore, #tpu.memory_space<semaphore_mem>>)
      %dma_wait3A = tpu.memref_slice %arg3[%mul3A_46] : memref<24576xi32, #tpu.memory_space<hbm>> -> memref<256xi32, #tpu.memory_space<hbm>>
      %dma_wait3A_129 = tpu.memref_slice %arg3[%mul3A_46] : memref<24576xi32, #tpu.memory_space<hbm>> -> memref<256xi32, #tpu.memory_space<hbm>>
      tpu.wait_dma2 semaphore(%run_scoped3A : memref<!tpu.dma_semaphore, #tpu.memory_space<semaphore_mem>>) src(%arg7 : memref<256xi32, #tpu.memory_space<vmem>>) dst(%dma_wait3A_129 : memref<256xi32, #tpu.memory_space<hbm>>)
      tpu.yield
    }) : () -> ()
    %mul3A_47 = arith.constant 3 : i32
    %mul3A_48 = arith.muli %add3A, %mul3A_47 : i32
    %add3A_49 = arith.constant 1 : i32
    %add3A_50 = arith.addi %mul3A_48, %add3A_49 : i32
    %dma_start3A_51 = arith.constant 0 : i32
    %dma_start3A_52 = arith.constant 0 : i32
    %dma_start3A_53 = tpu.memref_slice %arg2[%add3A_50, %dma_start3A_51, %dma_start3A_52] : memref<96x512x512xf32, #tpu.memory_space<hbm>> -> memref<1x32x512xf32, #tpu.memory_space<hbm>>
    %dma_start3A_54 = tpu.memref_squeeze %dma_start3A_53 : memref<1x32x512xf32, #tpu.memory_space<hbm>> -> memref<32x512xf32, #tpu.memory_space<hbm>>
    %dma_start3A_55 = arith.constant 0 : i32
    %dma_start3A_56 = arith.constant 0 : i32
    %dma_start3A_57 = tpu.memref_slice %arg2[%add3A_50, %dma_start3A_55, %dma_start3A_56] : memref<96x512x512xf32, #tpu.memory_space<hbm>> -> memref<1x32x512xf32, #tpu.memory_space<hbm>>
    %dma_start3A_58 = tpu.memref_squeeze %dma_start3A_57 : memref<1x32x512xf32, #tpu.memory_space<hbm>> -> memref<32x512xf32, #tpu.memory_space<hbm>>
    tpu.enqueue_dma source(%dma_start3A_58 : memref<32x512xf32, #tpu.memory_space<hbm>>) target(%arg4 : memref<32x512xf32, #tpu.memory_space<vmem>>) target_semaphore(%arg8 : memref<!tpu.dma_semaphore, #tpu.memory_space<semaphore_mem>>)
    %dma_start3A_59 = arith.constant 32 : i32
    %dma_start3A_60 = arith.constant 0 : i32
    %dma_start3A_61 = tpu.memref_slice %arg2[%add3A_50, %dma_start3A_59, %dma_start3A_60] : memref<96x512x512xf32, #tpu.memory_space<hbm>> -> memref<1x32x512xf32, #tpu.memory_space<hbm>>
    %dma_start3A_62 = tpu.memref_squeeze %dma_start3A_61 : memref<1x32x512xf32, #tpu.memory_space<hbm>> -> memref<32x512xf32, #tpu.memory_space<hbm>>
    %dma_start3A_63 = arith.constant 32 : i32
    %dma_start3A_64 = arith.constant 0 : i32
    %dma_start3A_65 = tpu.memref_slice %arg2[%add3A_50, %dma_start3A_63, %dma_start3A_64] : memref<96x512x512xf32, #tpu.memory_space<hbm>> -> memref<1x32x512xf32, #tpu.memory_space<hbm>>
    %dma_start3A_66 = tpu.memref_squeeze %dma_start3A_65 : memref<1x32x512xf32, #tpu.memory_space<hbm>> -> memref<32x512xf32, #tpu.memory_space<hbm>>
    tpu.enqueue_dma source(%dma_start3A_66 : memref<32x512xf32, #tpu.memory_space<hbm>>) target(%arg5 : memref<32x512xf32, #tpu.memory_space<vmem>>) target_semaphore(%arg9 : memref<!tpu.dma_semaphore, #tpu.memory_space<semaphore_mem>>)
    %scan3A_67 = arith.constant 0 : i32
    %scan3A_68 = arith.constant 0 : i32
    %scan3A_69 = arith.constant 257 : i32
    %scan3A_70 = arith.addi %scan3A_68, %scan3A_69 : i32
    %scan3A_71 = arith.constant 1 : i32
    scf.for %scan3A_127 = %scan3A_68 to %scan3A_70 step %scan3A_71  : i32 {
      %mul3A_128 = arith.constant 16 : i32
      %mul3A_129 = arith.muli %scan3A_127, %mul3A_128 : i32
      %swap3A = arith.index_cast %mul3A_129 : i32 to index
      %swap3A_130 = tpu.vector_load %arg6[%swap3A] {strides = array<i32>} : memref<4112xi32, #tpu.memory_space<vmem>>, vector<16xi32>,
      tpu.vector_store %arg6[%swap3A], %broadcast_in_dim3A_8 {strides = array<i32>} : memref<4112xi32, #tpu.memory_space<vmem>>, vector<16xi32>,
    }
    %scan3A_72 = arith.constant 257 : i32
    %scan3A_73 = arith.constant 0 : i32
    %scan3A_74 = arith.constant 0 : i32
    %scan3A_75 = arith.constant 8 : i32
    %scan3A_76 = arith.addi %scan3A_74, %scan3A_75 : i32
    %scan3A_77 = arith.constant 1 : i32
    scf.for %scan3A_127 = %scan3A_74 to %scan3A_76 step %scan3A_77  : i32 {
      %mul3A_128 = arith.constant 2 : i32
      %mul3A_129 = arith.muli %mul3A_128, %scan3A_127 : i32
      %add3A_130 = arith.constant 0 : i32
      %add3A_131 = arith.addi %mul3A_129, %add3A_130 : i32
      %mul3A_132 = arith.constant 32 : i32
      %mul3A_133 = arith.muli %add3A_131, %mul3A_132 : i32
      %dma_wait3A = arith.constant 0 : i32
      %dma_wait3A_134 = tpu.memref_slice %arg2[%add3A_50, %mul3A_133, %dma_wait3A] : memref<96x512x512xf32, #tpu.memory_space<hbm>> -> memref<1x32x512xf32, #tpu.memory_space<hbm>>
      %dma_wait3A_135 = tpu.memref_squeeze %dma_wait3A_134 : memref<1x32x512xf32, #tpu.memory_space<hbm>> -> memref<32x512xf32, #tpu.memory_space<hbm>>
      %dma_wait3A_136 = arith.constant 0 : i32
      %dma_wait3A_137 = tpu.memref_slice %arg2[%add3A_50, %mul3A_133, %dma_wait3A_136] : memref<96x512x512xf32, #tpu.memory_space<hbm>> -> memref<1x32x512xf32, #tpu.memory_space<hbm>>
      %dma_wait3A_138 = tpu.memref_squeeze %dma_wait3A_137 : memref<1x32x512xf32, #tpu.memory_space<hbm>> -> memref<32x512xf32, #tpu.memory_space<hbm>>
      tpu.wait_dma2 semaphore(%arg8 : memref<!tpu.dma_semaphore, #tpu.memory_space<semaphore_mem>>) src(%dma_wait3A_138 : memref<32x512xf32, #tpu.memory_space<hbm>>) dst(%arg4 : memref<32x512xf32, #tpu.memory_space<vmem>>)
      %parallel_loop3A = arith.constant 0 : i32
      %parallel_loop3A_139 = arith.constant 1024 : i32
      %parallel_loop3A_140 = arith.constant 1 : i32
      scf.for %parallel_loop3A_163 = %parallel_loop3A to %parallel_loop3A_139 step %parallel_loop3A_140  : i32 {
        %parallel_loop3A_164 = arith.constant 32 : i32
        %parallel_loop3A_165 = arith.divsi %parallel_loop3A_163, %parallel_loop3A_164 : i32
        %parallel_loop3A_166 = arith.constant 0 : i32
        %parallel_loop3A_167 = arith.cmpi sgt, %parallel_loop3A_163, %parallel_loop3A_166 : i32
        %parallel_loop3A_168 = arith.extui %parallel_loop3A_167 : i1 to i32
        %parallel_loop3A_169 = arith.constant 0 : i32
        %parallel_loop3A_170 = arith.cmpi slt, %parallel_loop3A_163, %parallel_loop3A_169 : i32
        %parallel_loop3A_171 = arith.extui %parallel_loop3A_170 : i1 to i32
        %parallel_loop3A_172 = arith.subi %parallel_loop3A_168, %parallel_loop3A_171 : i32
        %parallel_loop3A_173 = arith.constant 0 : i32
        %parallel_loop3A_174 = arith.cmpi sgt, %parallel_loop3A_164, %parallel_loop3A_173 : i32
        %parallel_loop3A_175 = arith.extui %parallel_loop3A_174 : i1 to i32
        %parallel_loop3A_176 = arith.constant 0 : i32
        %parallel_loop3A_177 = arith.cmpi slt, %parallel_loop3A_164, %parallel_loop3A_176 : i32
        %parallel_loop3A_178 = arith.extui %parallel_loop3A_177 : i1 to i32
        %parallel_loop3A_179 = arith.subi %parallel_loop3A_175, %parallel_loop3A_178 : i32
        %parallel_loop3A_180 = arith.cmpi ne, %parallel_loop3A_172, %parallel_loop3A_179 : i32
        %parallel_loop3A_181 = arith.remsi %parallel_loop3A_163, %parallel_loop3A_164 : i32
        %parallel_loop3A_182 = arith.constant 0 : i32
        %parallel_loop3A_183 = arith.cmpi ne, %parallel_loop3A_181, %parallel_loop3A_182 : i32
        %parallel_loop3A_184 = arith.andi %parallel_loop3A_180, %parallel_loop3A_183 : i1
        %parallel_loop3A_185 = arith.constant 1 : i32
        %parallel_loop3A_186 = arith.subi %parallel_loop3A_165, %parallel_loop3A_185 : i32
        %parallel_loop3A_187 = arith.select %parallel_loop3A_184, %parallel_loop3A_186, %parallel_loop3A_165 : i32
        %parallel_loop3A_188 = arith.constant 32 : i32
        %parallel_loop3A_189 = arith.constant 0 : i32
        %parallel_loop3A_190 = arith.cmpi eq, %parallel_loop3A_188, %parallel_loop3A_189 : i32
        %parallel_loop3A_191 = arith.constant 1 : i32
        %parallel_loop3A_192 = arith.select %parallel_loop3A_190, %parallel_loop3A_191, %parallel_loop3A_188 : i32
        %parallel_loop3A_193 = arith.remsi %parallel_loop3A_163, %parallel_loop3A_192 : i32
        %parallel_loop3A_194 = arith.constant 0 : i32
        %parallel_loop3A_195 = arith.cmpi ne, %parallel_loop3A_193, %parallel_loop3A_194 : i32
        %parallel_loop3A_196 = arith.constant 0 : i32
        %parallel_loop3A_197 = arith.cmpi slt, %parallel_loop3A_193, %parallel_loop3A_196 : i32
        %parallel_loop3A_198 = arith.constant 0 : i32
        %parallel_loop3A_199 = arith.cmpi slt, %parallel_loop3A_192, %parallel_loop3A_198 : i32
        %parallel_loop3A_200 = arith.xori %parallel_loop3A_197, %parallel_loop3A_199 : i1
        %parallel_loop3A_201 = arith.andi %parallel_loop3A_200, %parallel_loop3A_195 : i1
        %parallel_loop3A_202 = arith.addi %parallel_loop3A_193, %parallel_loop3A_192 : i32
        %parallel_loop3A_203 = arith.select %parallel_loop3A_201, %parallel_loop3A_202, %parallel_loop3A_193 : i32
        %parallel_loop3A_204 = arith.constant 16 : i32
        %parallel_loop3A_205 = arith.muli %parallel_loop3A_203, %parallel_loop3A_204 : i32
        %parallel_loop3A_206 = arith.index_cast %parallel_loop3A_187 : i32 to index
        %parallel_loop3A_207 = arith.index_cast %parallel_loop3A_205 : i32 to index
        %parallel_loop3A_208 = tpu.vector_load %arg4[%parallel_loop3A_206, %parallel_loop3A_207] {strides = array<i32>} : memref<32x512xf32, #tpu.memory_space<vmem>>, vector<16xf32>,
        %parallel_loop3A_209 = arith.constant 2.550000e+02 : f32
        %parallel_loop3A_210 = vector.broadcast %parallel_loop3A_209 : f32 to vector<16xf32>
        %parallel_loop3A_211 = arith.mulf %parallel_loop3A_208, %parallel_loop3A_210 : vector<16xf32>
        %parallel_loop3A_212 = arith.constant 0x4B000000 : f32
        %parallel_loop3A_213 = vector.broadcast %parallel_loop3A_212 : f32 to vector<16xf32>
        %parallel_loop3A_214 = arith.addf %parallel_loop3A_211, %parallel_loop3A_213 : vector<16xf32>
        %parallel_loop3A_215 = vector.bitcast %parallel_loop3A_214 : vector<16xf32> to vector<16xi32>
        %parallel_loop3A_216 = arith.addi %parallel_loop3A_215, %sub3A_5 : vector<16xi32>
        tpu.vector_store_idx %arg6[%parallel_loop3A_216], %broadcast_in_dim3A_6 {add = true} : memref<4112xi32, #tpu.memory_space<vmem>>[vector<16xi32>], vector<16xi32>,
      } {sc.loop_unroll_factor = 32 : i64, sc.parallel_access}
      %lt3A = arith.constant 7 : i32
      %lt3A_141 = arith.cmpi slt, %scan3A_127, %lt3A : i32
      %convert_element_type3A = arith.extui %lt3A_141 : i1 to i32
      %cond3A = arith.constant 0 : i32
      %cond3A_142 = arith.cmpi ne, %convert_element_type3A, %cond3A : i32
      scf.if %cond3A_142 {
        %mul3A_163 = arith.constant 2 : i32
        %mul3A_164 = arith.muli %mul3A_163, %scan3A_127 : i32
        %add3A_165 = arith.constant 0 : i32
        %add3A_166 = arith.addi %mul3A_164, %add3A_165 : i32
        %add3A_167 = arith.constant 2 : i32
        %add3A_168 = arith.addi %add3A_166, %add3A_167 : i32
        %mul3A_169 = arith.constant 32 : i32
        %mul3A_170 = arith.muli %add3A_168, %mul3A_169 : i32
        %dma_start3A_171 = arith.constant 0 : i32
        %dma_start3A_172 = tpu.memref_slice %arg2[%add3A_50, %mul3A_170, %dma_start3A_171] : memref<96x512x512xf32, #tpu.memory_space<hbm>> -> memref<1x32x512xf32, #tpu.memory_space<hbm>>
        %dma_start3A_173 = tpu.memref_squeeze %dma_start3A_172 : memref<1x32x512xf32, #tpu.memory_space<hbm>> -> memref<32x512xf32, #tpu.memory_space<hbm>>
        %dma_start3A_174 = arith.constant 0 : i32
        %dma_start3A_175 = tpu.memref_slice %arg2[%add3A_50, %mul3A_170, %dma_start3A_174] : memref<96x512x512xf32, #tpu.memory_space<hbm>> -> memref<1x32x512xf32, #tpu.memory_space<hbm>>
        %dma_start3A_176 = tpu.memref_squeeze %dma_start3A_175 : memref<1x32x512xf32, #tpu.memory_space<hbm>> -> memref<32x512xf32, #tpu.memory_space<hbm>>
        tpu.enqueue_dma source(%dma_start3A_176 : memref<32x512xf32, #tpu.memory_space<hbm>>) target(%arg4 : memref<32x512xf32, #tpu.memory_space<vmem>>) target_semaphore(%arg8 : memref<!tpu.dma_semaphore, #tpu.memory_space<semaphore_mem>>)
      } else {
      }
      %mul3A_143 = arith.constant 2 : i32
      %mul3A_144 = arith.muli %mul3A_143, %scan3A_127 : i32
      %add3A_145 = arith.constant 1 : i32
      %add3A_146 = arith.addi %mul3A_144, %add3A_145 : i32
      %mul3A_147 = arith.constant 32 : i32
      %mul3A_148 = arith.muli %add3A_146, %mul3A_147 : i32
      %dma_wait3A_149 = arith.constant 0 : i32
      %dma_wait3A_150 = tpu.memref_slice %arg2[%add3A_50, %mul3A_148, %dma_wait3A_149] : memref<96x512x512xf32, #tpu.memory_space<hbm>> -> memref<1x32x512xf32, #tpu.memory_space<hbm>>
      %dma_wait3A_151 = tpu.memref_squeeze %dma_wait3A_150 : memref<1x32x512xf32, #tpu.memory_space<hbm>> -> memref<32x512xf32, #tpu.memory_space<hbm>>
      %dma_wait3A_152 = arith.constant 0 : i32
      %dma_wait3A_153 = tpu.memref_slice %arg2[%add3A_50, %mul3A_148, %dma_wait3A_152] : memref<96x512x512xf32, #tpu.memory_space<hbm>> -> memref<1x32x512xf32, #tpu.memory_space<hbm>>
      %dma_wait3A_154 = tpu.memref_squeeze %dma_wait3A_153 : memref<1x32x512xf32, #tpu.memory_space<hbm>> -> memref<32x512xf32, #tpu.memory_space<hbm>>
      tpu.wait_dma2 semaphore(%arg9 : memref<!tpu.dma_semaphore, #tpu.memory_space<semaphore_mem>>) src(%dma_wait3A_154 : memref<32x512xf32, #tpu.memory_space<hbm>>) dst(%arg5 : memref<32x512xf32, #tpu.memory_space<vmem>>)
      %parallel_loop3A_155 = arith.constant 0 : i32
      %parallel_loop3A_156 = arith.constant 1024 : i32
      %parallel_loop3A_157 = arith.constant 1 : i32
      scf.for %parallel_loop3A_163 = %parallel_loop3A_155 to %parallel_loop3A_156 step %parallel_loop3A_157  : i32 {
        %parallel_loop3A_164 = arith.constant 32 : i32
        %parallel_loop3A_165 = arith.divsi %parallel_loop3A_163, %parallel_loop3A_164 : i32
        %parallel_loop3A_166 = arith.constant 0 : i32
        %parallel_loop3A_167 = arith.cmpi sgt, %parallel_loop3A_163, %parallel_loop3A_166 : i32
        %parallel_loop3A_168 = arith.extui %parallel_loop3A_167 : i1 to i32
        %parallel_loop3A_169 = arith.constant 0 : i32
        %parallel_loop3A_170 = arith.cmpi slt, %parallel_loop3A_163, %parallel_loop3A_169 : i32
        %parallel_loop3A_171 = arith.extui %parallel_loop3A_170 : i1 to i32
        %parallel_loop3A_172 = arith.subi %parallel_loop3A_168, %parallel_loop3A_171 : i32
        %parallel_loop3A_173 = arith.constant 0 : i32
        %parallel_loop3A_174 = arith.cmpi sgt, %parallel_loop3A_164, %parallel_loop3A_173 : i32
        %parallel_loop3A_175 = arith.extui %parallel_loop3A_174 : i1 to i32
        %parallel_loop3A_176 = arith.constant 0 : i32
        %parallel_loop3A_177 = arith.cmpi slt, %parallel_loop3A_164, %parallel_loop3A_176 : i32
        %parallel_loop3A_178 = arith.extui %parallel_loop3A_177 : i1 to i32
        %parallel_loop3A_179 = arith.subi %parallel_loop3A_175, %parallel_loop3A_178 : i32
        %parallel_loop3A_180 = arith.cmpi ne, %parallel_loop3A_172, %parallel_loop3A_179 : i32
        %parallel_loop3A_181 = arith.remsi %parallel_loop3A_163, %parallel_loop3A_164 : i32
        %parallel_loop3A_182 = arith.constant 0 : i32
        %parallel_loop3A_183 = arith.cmpi ne, %parallel_loop3A_181, %parallel_loop3A_182 : i32
        %parallel_loop3A_184 = arith.andi %parallel_loop3A_180, %parallel_loop3A_183 : i1
        %parallel_loop3A_185 = arith.constant 1 : i32
        %parallel_loop3A_186 = arith.subi %parallel_loop3A_165, %parallel_loop3A_185 : i32
        %parallel_loop3A_187 = arith.select %parallel_loop3A_184, %parallel_loop3A_186, %parallel_loop3A_165 : i32
        %parallel_loop3A_188 = arith.constant 32 : i32
        %parallel_loop3A_189 = arith.constant 0 : i32
        %parallel_loop3A_190 = arith.cmpi eq, %parallel_loop3A_188, %parallel_loop3A_189 : i32
        %parallel_loop3A_191 = arith.constant 1 : i32
        %parallel_loop3A_192 = arith.select %parallel_loop3A_190, %parallel_loop3A_191, %parallel_loop3A_188 : i32
        %parallel_loop3A_193 = arith.remsi %parallel_loop3A_163, %parallel_loop3A_192 : i32
        %parallel_loop3A_194 = arith.constant 0 : i32
        %parallel_loop3A_195 = arith.cmpi ne, %parallel_loop3A_193, %parallel_loop3A_194 : i32
        %parallel_loop3A_196 = arith.constant 0 : i32
        %parallel_loop3A_197 = arith.cmpi slt, %parallel_loop3A_193, %parallel_loop3A_196 : i32
        %parallel_loop3A_198 = arith.constant 0 : i32
        %parallel_loop3A_199 = arith.cmpi slt, %parallel_loop3A_192, %parallel_loop3A_198 : i32
        %parallel_loop3A_200 = arith.xori %parallel_loop3A_197, %parallel_loop3A_199 : i1
        %parallel_loop3A_201 = arith.andi %parallel_loop3A_200, %parallel_loop3A_195 : i1
        %parallel_loop3A_202 = arith.addi %parallel_loop3A_193, %parallel_loop3A_192 : i32
        %parallel_loop3A_203 = arith.select %parallel_loop3A_201, %parallel_loop3A_202, %parallel_loop3A_193 : i32
        %parallel_loop3A_204 = arith.constant 16 : i32
        %parallel_loop3A_205 = arith.muli %parallel_loop3A_203, %parallel_loop3A_204 : i32
        %parallel_loop3A_206 = arith.index_cast %parallel_loop3A_187 : i32 to index
        %parallel_loop3A_207 = arith.index_cast %parallel_loop3A_205 : i32 to index
        %parallel_loop3A_208 = tpu.vector_load %arg5[%parallel_loop3A_206, %parallel_loop3A_207] {strides = array<i32>} : memref<32x512xf32, #tpu.memory_space<vmem>>, vector<16xf32>,
        %parallel_loop3A_209 = arith.constant 2.550000e+02 : f32
        %parallel_loop3A_210 = vector.broadcast %parallel_loop3A_209 : f32 to vector<16xf32>
        %parallel_loop3A_211 = arith.mulf %parallel_loop3A_208, %parallel_loop3A_210 : vector<16xf32>
        %parallel_loop3A_212 = arith.constant 0x4B000000 : f32
        %parallel_loop3A_213 = vector.broadcast %parallel_loop3A_212 : f32 to vector<16xf32>
        %parallel_loop3A_214 = arith.addf %parallel_loop3A_211, %parallel_loop3A_213 : vector<16xf32>
        %parallel_loop3A_215 = vector.bitcast %parallel_loop3A_214 : vector<16xf32> to vector<16xi32>
        %parallel_loop3A_216 = arith.addi %parallel_loop3A_215, %sub3A_5 : vector<16xi32>
        tpu.vector_store_idx %arg6[%parallel_loop3A_216], %broadcast_in_dim3A_6 {add = true} : memref<4112xi32, #tpu.memory_space<vmem>>[vector<16xi32>], vector<16xi32>,
      } {sc.loop_unroll_factor = 32 : i64, sc.parallel_access}
      %lt3A_158 = arith.constant 7 : i32
      %lt3A_159 = arith.cmpi slt, %scan3A_127, %lt3A_158 : i32
      %convert_element_type3A_160 = arith.extui %lt3A_159 : i1 to i32
      %cond3A_161 = arith.constant 0 : i32
      %cond3A_162 = arith.cmpi ne, %convert_element_type3A_160, %cond3A_161 : i32
      scf.if %cond3A_162 {
        %mul3A_163 = arith.constant 2 : i32
        %mul3A_164 = arith.muli %mul3A_163, %scan3A_127 : i32
        %add3A_165 = arith.constant 1 : i32
        %add3A_166 = arith.addi %mul3A_164, %add3A_165 : i32
        %add3A_167 = arith.constant 2 : i32
        %add3A_168 = arith.addi %add3A_166, %add3A_167 : i32
        %mul3A_169 = arith.constant 32 : i32
        %mul3A_170 = arith.muli %add3A_168, %mul3A_169 : i32
        %dma_start3A_171 = arith.constant 0 : i32
        %dma_start3A_172 = tpu.memref_slice %arg2[%add3A_50, %mul3A_170, %dma_start3A_171] : memref<96x512x512xf32, #tpu.memory_space<hbm>> -> memref<1x32x512xf32, #tpu.memory_space<hbm>>
        %dma_start3A_173 = tpu.memref_squeeze %dma_start3A_172 : memref<1x32x512xf32, #tpu.memory_space<hbm>> -> memref<32x512xf32, #tpu.memory_space<hbm>>
        %dma_start3A_174 = arith.constant 0 : i32
        %dma_start3A_175 = tpu.memref_slice %arg2[%add3A_50, %mul3A_170, %dma_start3A_174] : memref<96x512x512xf32, #tpu.memory_space<hbm>> -> memref<1x32x512xf32, #tpu.memory_space<hbm>>
        %dma_start3A_176 = tpu.memref_squeeze %dma_start3A_175 : memref<1x32x512xf32, #tpu.memory_space<hbm>> -> memref<32x512xf32, #tpu.memory_space<hbm>>
        tpu.enqueue_dma source(%dma_start3A_176 : memref<32x512xf32, #tpu.memory_space<hbm>>) target(%arg5 : memref<32x512xf32, #tpu.memory_space<vmem>>) target_semaphore(%arg9 : memref<!tpu.dma_semaphore, #tpu.memory_space<semaphore_mem>>)
      } else {
      }
    }
    %scan3A_78 = arith.constant 8 : i32
    %scan3A_79 = arith.constant 0 : i32
    %scan3A_80 = arith.constant 0 : i32
    %scan3A_81 = arith.constant 16 : i32
    %scan3A_82 = arith.addi %scan3A_80, %scan3A_81 : i32
    %scan3A_83 = arith.constant 1 : i32
    scf.for %scan3A_127 = %scan3A_80 to %scan3A_82 step %scan3A_83  : i32 {
      %mul3A_128 = arith.constant 16 : i32
      %mul3A_129 = arith.muli %scan3A_127, %mul3A_128 : i32
      %get3A = arith.index_cast %mul3A_129 : i32 to index
      %get3A_130 = tpu.vector_load %arg6[%get3A] {strides = array<i32>} : memref<4112xi32, #tpu.memory_space<vmem>>, vector<16xi32>,
      %add3A_131 = arith.constant 257 : i32
      %add3A_132 = arith.addi %add3A_131, %mul3A_129 : i32
      %get3A_133 = arith.index_cast %add3A_132 : i32 to index
      %get3A_134 = tpu.vector_load %arg6[%get3A_133] {strides = array<i32>} : memref<4112xi32, #tpu.memory_space<vmem>>, vector<16xi32>,
      %add3A_135 = arith.addi %get3A_130, %get3A_134 : vector<16xi32>
      %add3A_136 = arith.constant 514 : i32
      %add3A_137 = arith.addi %add3A_136, %mul3A_129 : i32
      %get3A_138 = arith.index_cast %add3A_137 : i32 to index
      %get3A_139 = tpu.vector_load %arg6[%get3A_138] {strides = array<i32>} : memref<4112xi32, #tpu.memory_space<vmem>>, vector<16xi32>,
      %add3A_140 = arith.addi %add3A_135, %get3A_139 : vector<16xi32>
      %add3A_141 = arith.constant 771 : i32
      %add3A_142 = arith.addi %add3A_141, %mul3A_129 : i32
      %get3A_143 = arith.index_cast %add3A_142 : i32 to index
      %get3A_144 = tpu.vector_load %arg6[%get3A_143] {strides = array<i32>} : memref<4112xi32, #tpu.memory_space<vmem>>, vector<16xi32>,
      %add3A_145 = arith.addi %add3A_140, %get3A_144 : vector<16xi32>
      %add3A_146 = arith.constant 1028 : i32
      %add3A_147 = arith.addi %add3A_146, %mul3A_129 : i32
      %get3A_148 = arith.index_cast %add3A_147 : i32 to index
      %get3A_149 = tpu.vector_load %arg6[%get3A_148] {strides = array<i32>} : memref<4112xi32, #tpu.memory_space<vmem>>, vector<16xi32>,
      %add3A_150 = arith.addi %add3A_145, %get3A_149 : vector<16xi32>
      %add3A_151 = arith.constant 1285 : i32
      %add3A_152 = arith.addi %add3A_151, %mul3A_129 : i32
      %get3A_153 = arith.index_cast %add3A_152 : i32 to index
      %get3A_154 = tpu.vector_load %arg6[%get3A_153] {strides = array<i32>} : memref<4112xi32, #tpu.memory_space<vmem>>, vector<16xi32>,
      %add3A_155 = arith.addi %add3A_150, %get3A_154 : vector<16xi32>
      %add3A_156 = arith.constant 1542 : i32
      %add3A_157 = arith.addi %add3A_156, %mul3A_129 : i32
      %get3A_158 = arith.index_cast %add3A_157 : i32 to index
      %get3A_159 = tpu.vector_load %arg6[%get3A_158] {strides = array<i32>} : memref<4112xi32, #tpu.memory_space<vmem>>, vector<16xi32>,
      %add3A_160 = arith.addi %add3A_155, %get3A_159 : vector<16xi32>
      %add3A_161 = arith.constant 1799 : i32
      %add3A_162 = arith.addi %add3A_161, %mul3A_129 : i32
      %get3A_163 = arith.index_cast %add3A_162 : i32 to index
      %get3A_164 = tpu.vector_load %arg6[%get3A_163] {strides = array<i32>} : memref<4112xi32, #tpu.memory_space<vmem>>, vector<16xi32>,
      %add3A_165 = arith.addi %add3A_160, %get3A_164 : vector<16xi32>
      %add3A_166 = arith.constant 2056 : i32
      %add3A_167 = arith.addi %add3A_166, %mul3A_129 : i32
      %get3A_168 = arith.index_cast %add3A_167 : i32 to index
      %get3A_169 = tpu.vector_load %arg6[%get3A_168] {strides = array<i32>} : memref<4112xi32, #tpu.memory_space<vmem>>, vector<16xi32>,
      %add3A_170 = arith.addi %add3A_165, %get3A_169 : vector<16xi32>
      %add3A_171 = arith.constant 2313 : i32
      %add3A_172 = arith.addi %add3A_171, %mul3A_129 : i32
      %get3A_173 = arith.index_cast %add3A_172 : i32 to index
      %get3A_174 = tpu.vector_load %arg6[%get3A_173] {strides = array<i32>} : memref<4112xi32, #tpu.memory_space<vmem>>, vector<16xi32>,
      %add3A_175 = arith.addi %add3A_170, %get3A_174 : vector<16xi32>
      %add3A_176 = arith.constant 2570 : i32
      %add3A_177 = arith.addi %add3A_176, %mul3A_129 : i32
      %get3A_178 = arith.index_cast %add3A_177 : i32 to index
      %get3A_179 = tpu.vector_load %arg6[%get3A_178] {strides = array<i32>} : memref<4112xi32, #tpu.memory_space<vmem>>, vector<16xi32>,
      %add3A_180 = arith.addi %add3A_175, %get3A_179 : vector<16xi32>
      %add3A_181 = arith.constant 2827 : i32
      %add3A_182 = arith.addi %add3A_181, %mul3A_129 : i32
      %get3A_183 = arith.index_cast %add3A_182 : i32 to index
      %get3A_184 = tpu.vector_load %arg6[%get3A_183] {strides = array<i32>} : memref<4112xi32, #tpu.memory_space<vmem>>, vector<16xi32>,
      %add3A_185 = arith.addi %add3A_180, %get3A_184 : vector<16xi32>
      %add3A_186 = arith.constant 3084 : i32
      %add3A_187 = arith.addi %add3A_186, %mul3A_129 : i32
      %get3A_188 = arith.index_cast %add3A_187 : i32 to index
      %get3A_189 = tpu.vector_load %arg6[%get3A_188] {strides = array<i32>} : memref<4112xi32, #tpu.memory_space<vmem>>, vector<16xi32>,
      %add3A_190 = arith.addi %add3A_185, %get3A_189 : vector<16xi32>
      %add3A_191 = arith.constant 3341 : i32
      %add3A_192 = arith.addi %add3A_191, %mul3A_129 : i32
      %get3A_193 = arith.index_cast %add3A_192 : i32 to index
      %get3A_194 = tpu.vector_load %arg6[%get3A_193] {strides = array<i32>} : memref<4112xi32, #tpu.memory_space<vmem>>, vector<16xi32>,
      %add3A_195 = arith.addi %add3A_190, %get3A_194 : vector<16xi32>
      %add3A_196 = arith.constant 3598 : i32
      %add3A_197 = arith.addi %add3A_196, %mul3A_129 : i32
      %get3A_198 = arith.index_cast %add3A_197 : i32 to index
      %get3A_199 = tpu.vector_load %arg6[%get3A_198] {strides = array<i32>} : memref<4112xi32, #tpu.memory_space<vmem>>, vector<16xi32>,
      %add3A_200 = arith.addi %add3A_195, %get3A_199 : vector<16xi32>
      %add3A_201 = arith.constant 3855 : i32
      %add3A_202 = arith.addi %add3A_201, %mul3A_129 : i32
      %get3A_203 = arith.index_cast %add3A_202 : i32 to index
      %get3A_204 = tpu.vector_load %arg6[%get3A_203] {strides = array<i32>} : memref<4112xi32, #tpu.memory_space<vmem>>, vector<16xi32>,
      %add3A_205 = arith.addi %add3A_200, %get3A_204 : vector<16xi32>
      %swap3A = arith.index_cast %mul3A_129 : i32 to index
      %swap3A_206 = tpu.vector_load %arg7[%swap3A] {strides = array<i32>} : memref<256xi32, #tpu.memory_space<vmem>>, vector<16xi32>,
      tpu.vector_store %arg7[%swap3A], %add3A_205 {strides = array<i32>} : memref<256xi32, #tpu.memory_space<vmem>>, vector<16xi32>,
    }
    %scan3A_84 = arith.constant 16 : i32
    %mul3A_85 = arith.constant 256 : i32
    %mul3A_86 = arith.muli %add3A_50, %mul3A_85 : i32
    "tpu.region"() ({
      %run_scoped3A = tpu.sem_alloc : memref<!tpu.dma_semaphore, #tpu.memory_space<semaphore_mem>>
      %dma_start3A_127 = tpu.memref_slice %arg3[%mul3A_86] : memref<24576xi32, #tpu.memory_space<hbm>> -> memref<256xi32, #tpu.memory_space<hbm>>
      %dma_start3A_128 = tpu.memref_slice %arg3[%mul3A_86] : memref<24576xi32, #tpu.memory_space<hbm>> -> memref<256xi32, #tpu.memory_space<hbm>>
      tpu.enqueue_dma source(%arg7 : memref<256xi32, #tpu.memory_space<vmem>>) target(%dma_start3A_128 : memref<256xi32, #tpu.memory_space<hbm>>) target_semaphore(%run_scoped3A : memref<!tpu.dma_semaphore, #tpu.memory_space<semaphore_mem>>)
      %dma_wait3A = tpu.memref_slice %arg3[%mul3A_86] : memref<24576xi32, #tpu.memory_space<hbm>> -> memref<256xi32, #tpu.memory_space<hbm>>
      %dma_wait3A_129 = tpu.memref_slice %arg3[%mul3A_86] : memref<24576xi32, #tpu.memory_space<hbm>> -> memref<256xi32, #tpu.memory_space<hbm>>
      tpu.wait_dma2 semaphore(%run_scoped3A : memref<!tpu.dma_semaphore, #tpu.memory_space<semaphore_mem>>) src(%arg7 : memref<256xi32, #tpu.memory_space<vmem>>) dst(%dma_wait3A_129 : memref<256xi32, #tpu.memory_space<hbm>>)
      tpu.yield
    }) : () -> ()
    %mul3A_87 = arith.constant 3 : i32
    %mul3A_88 = arith.muli %add3A, %mul3A_87 : i32
    %add3A_89 = arith.constant 2 : i32
    %add3A_90 = arith.addi %mul3A_88, %add3A_89 : i32
    %dma_start3A_91 = arith.constant 0 : i32
    %dma_start3A_92 = arith.constant 0 : i32
    %dma_start3A_93 = tpu.memref_slice %arg2[%add3A_90, %dma_start3A_91, %dma_start3A_92] : memref<96x512x512xf32, #tpu.memory_space<hbm>> -> memref<1x32x512xf32, #tpu.memory_space<hbm>>
    %dma_start3A_94 = tpu.memref_squeeze %dma_start3A_93 : memref<1x32x512xf32, #tpu.memory_space<hbm>> -> memref<32x512xf32, #tpu.memory_space<hbm>>
    %dma_start3A_95 = arith.constant 0 : i32
    %dma_start3A_96 = arith.constant 0 : i32
    %dma_start3A_97 = tpu.memref_slice %arg2[%add3A_90, %dma_start3A_95, %dma_start3A_96] : memref<96x512x512xf32, #tpu.memory_space<hbm>> -> memref<1x32x512xf32, #tpu.memory_space<hbm>>
    %dma_start3A_98 = tpu.memref_squeeze %dma_start3A_97 : memref<1x32x512xf32, #tpu.memory_space<hbm>> -> memref<32x512xf32, #tpu.memory_space<hbm>>
    tpu.enqueue_dma source(%dma_start3A_98 : memref<32x512xf32, #tpu.memory_space<hbm>>) target(%arg4 : memref<32x512xf32, #tpu.memory_space<vmem>>) target_semaphore(%arg8 : memref<!tpu.dma_semaphore, #tpu.memory_space<semaphore_mem>>)
    %dma_start3A_99 = arith.constant 32 : i32
    %dma_start3A_100 = arith.constant 0 : i32
    %dma_start3A_101 = tpu.memref_slice %arg2[%add3A_90, %dma_start3A_99, %dma_start3A_100] : memref<96x512x512xf32, #tpu.memory_space<hbm>> -> memref<1x32x512xf32, #tpu.memory_space<hbm>>
    %dma_start3A_102 = tpu.memref_squeeze %dma_start3A_101 : memref<1x32x512xf32, #tpu.memory_space<hbm>> -> memref<32x512xf32, #tpu.memory_space<hbm>>
    %dma_start3A_103 = arith.constant 32 : i32
    %dma_start3A_104 = arith.constant 0 : i32
    %dma_start3A_105 = tpu.memref_slice %arg2[%add3A_90, %dma_start3A_103, %dma_start3A_104] : memref<96x512x512xf32, #tpu.memory_space<hbm>> -> memref<1x32x512xf32, #tpu.memory_space<hbm>>
    %dma_start3A_106 = tpu.memref_squeeze %dma_start3A_105 : memref<1x32x512xf32, #tpu.memory_space<hbm>> -> memref<32x512xf32, #tpu.memory_space<hbm>>
    tpu.enqueue_dma source(%dma_start3A_106 : memref<32x512xf32, #tpu.memory_space<hbm>>) target(%arg5 : memref<32x512xf32, #tpu.memory_space<vmem>>) target_semaphore(%arg9 : memref<!tpu.dma_semaphore, #tpu.memory_space<semaphore_mem>>)
    %scan3A_107 = arith.constant 0 : i32
    %scan3A_108 = arith.constant 0 : i32
    %scan3A_109 = arith.constant 257 : i32
    %scan3A_110 = arith.addi %scan3A_108, %scan3A_109 : i32
    %scan3A_111 = arith.constant 1 : i32
    scf.for %scan3A_127 = %scan3A_108 to %scan3A_110 step %scan3A_111  : i32 {
      %mul3A_128 = arith.constant 16 : i32
      %mul3A_129 = arith.muli %scan3A_127, %mul3A_128 : i32
      %swap3A = arith.index_cast %mul3A_129 : i32 to index
      %swap3A_130 = tpu.vector_load %arg6[%swap3A] {strides = array<i32>} : memref<4112xi32, #tpu.memory_space<vmem>>, vector<16xi32>,
      tpu.vector_store %arg6[%swap3A], %broadcast_in_dim3A_8 {strides = array<i32>} : memref<4112xi32, #tpu.memory_space<vmem>>, vector<16xi32>,
    }
    %scan3A_112 = arith.constant 257 : i32
    %scan3A_113 = arith.constant 0 : i32
    %scan3A_114 = arith.constant 0 : i32
    %scan3A_115 = arith.constant 8 : i32
    %scan3A_116 = arith.addi %scan3A_114, %scan3A_115 : i32
    %scan3A_117 = arith.constant 1 : i32
    scf.for %scan3A_127 = %scan3A_114 to %scan3A_116 step %scan3A_117  : i32 {
      %mul3A_128 = arith.constant 2 : i32
      %mul3A_129 = arith.muli %mul3A_128, %scan3A_127 : i32
      %add3A_130 = arith.constant 0 : i32
      %add3A_131 = arith.addi %mul3A_129, %add3A_130 : i32
      %mul3A_132 = arith.constant 32 : i32
      %mul3A_133 = arith.muli %add3A_131, %mul3A_132 : i32
      %dma_wait3A = arith.constant 0 : i32
      %dma_wait3A_134 = tpu.memref_slice %arg2[%add3A_90, %mul3A_133, %dma_wait3A] : memref<96x512x512xf32, #tpu.memory_space<hbm>> -> memref<1x32x512xf32, #tpu.memory_space<hbm>>
      %dma_wait3A_135 = tpu.memref_squeeze %dma_wait3A_134 : memref<1x32x512xf32, #tpu.memory_space<hbm>> -> memref<32x512xf32, #tpu.memory_space<hbm>>
      %dma_wait3A_136 = arith.constant 0 : i32
      %dma_wait3A_137 = tpu.memref_slice %arg2[%add3A_90, %mul3A_133, %dma_wait3A_136] : memref<96x512x512xf32, #tpu.memory_space<hbm>> -> memref<1x32x512xf32, #tpu.memory_space<hbm>>
      %dma_wait3A_138 = tpu.memref_squeeze %dma_wait3A_137 : memref<1x32x512xf32, #tpu.memory_space<hbm>> -> memref<32x512xf32, #tpu.memory_space<hbm>>
      tpu.wait_dma2 semaphore(%arg8 : memref<!tpu.dma_semaphore, #tpu.memory_space<semaphore_mem>>) src(%dma_wait3A_138 : memref<32x512xf32, #tpu.memory_space<hbm>>) dst(%arg4 : memref<32x512xf32, #tpu.memory_space<vmem>>)
      %parallel_loop3A = arith.constant 0 : i32
      %parallel_loop3A_139 = arith.constant 1024 : i32
      %parallel_loop3A_140 = arith.constant 1 : i32
      scf.for %parallel_loop3A_163 = %parallel_loop3A to %parallel_loop3A_139 step %parallel_loop3A_140  : i32 {
        %parallel_loop3A_164 = arith.constant 32 : i32
        %parallel_loop3A_165 = arith.divsi %parallel_loop3A_163, %parallel_loop3A_164 : i32
        %parallel_loop3A_166 = arith.constant 0 : i32
        %parallel_loop3A_167 = arith.cmpi sgt, %parallel_loop3A_163, %parallel_loop3A_166 : i32
        %parallel_loop3A_168 = arith.extui %parallel_loop3A_167 : i1 to i32
        %parallel_loop3A_169 = arith.constant 0 : i32
        %parallel_loop3A_170 = arith.cmpi slt, %parallel_loop3A_163, %parallel_loop3A_169 : i32
        %parallel_loop3A_171 = arith.extui %parallel_loop3A_170 : i1 to i32
        %parallel_loop3A_172 = arith.subi %parallel_loop3A_168, %parallel_loop3A_171 : i32
        %parallel_loop3A_173 = arith.constant 0 : i32
        %parallel_loop3A_174 = arith.cmpi sgt, %parallel_loop3A_164, %parallel_loop3A_173 : i32
        %parallel_loop3A_175 = arith.extui %parallel_loop3A_174 : i1 to i32
        %parallel_loop3A_176 = arith.constant 0 : i32
        %parallel_loop3A_177 = arith.cmpi slt, %parallel_loop3A_164, %parallel_loop3A_176 : i32
        %parallel_loop3A_178 = arith.extui %parallel_loop3A_177 : i1 to i32
        %parallel_loop3A_179 = arith.subi %parallel_loop3A_175, %parallel_loop3A_178 : i32
        %parallel_loop3A_180 = arith.cmpi ne, %parallel_loop3A_172, %parallel_loop3A_179 : i32
        %parallel_loop3A_181 = arith.remsi %parallel_loop3A_163, %parallel_loop3A_164 : i32
        %parallel_loop3A_182 = arith.constant 0 : i32
        %parallel_loop3A_183 = arith.cmpi ne, %parallel_loop3A_181, %parallel_loop3A_182 : i32
        %parallel_loop3A_184 = arith.andi %parallel_loop3A_180, %parallel_loop3A_183 : i1
        %parallel_loop3A_185 = arith.constant 1 : i32
        %parallel_loop3A_186 = arith.subi %parallel_loop3A_165, %parallel_loop3A_185 : i32
        %parallel_loop3A_187 = arith.select %parallel_loop3A_184, %parallel_loop3A_186, %parallel_loop3A_165 : i32
        %parallel_loop3A_188 = arith.constant 32 : i32
        %parallel_loop3A_189 = arith.constant 0 : i32
        %parallel_loop3A_190 = arith.cmpi eq, %parallel_loop3A_188, %parallel_loop3A_189 : i32
        %parallel_loop3A_191 = arith.constant 1 : i32
        %parallel_loop3A_192 = arith.select %parallel_loop3A_190, %parallel_loop3A_191, %parallel_loop3A_188 : i32
        %parallel_loop3A_193 = arith.remsi %parallel_loop3A_163, %parallel_loop3A_192 : i32
        %parallel_loop3A_194 = arith.constant 0 : i32
        %parallel_loop3A_195 = arith.cmpi ne, %parallel_loop3A_193, %parallel_loop3A_194 : i32
        %parallel_loop3A_196 = arith.constant 0 : i32
        %parallel_loop3A_197 = arith.cmpi slt, %parallel_loop3A_193, %parallel_loop3A_196 : i32
        %parallel_loop3A_198 = arith.constant 0 : i32
        %parallel_loop3A_199 = arith.cmpi slt, %parallel_loop3A_192, %parallel_loop3A_198 : i32
        %parallel_loop3A_200 = arith.xori %parallel_loop3A_197, %parallel_loop3A_199 : i1
        %parallel_loop3A_201 = arith.andi %parallel_loop3A_200, %parallel_loop3A_195 : i1
        %parallel_loop3A_202 = arith.addi %parallel_loop3A_193, %parallel_loop3A_192 : i32
        %parallel_loop3A_203 = arith.select %parallel_loop3A_201, %parallel_loop3A_202, %parallel_loop3A_193 : i32
        %parallel_loop3A_204 = arith.constant 16 : i32
        %parallel_loop3A_205 = arith.muli %parallel_loop3A_203, %parallel_loop3A_204 : i32
        %parallel_loop3A_206 = arith.index_cast %parallel_loop3A_187 : i32 to index
        %parallel_loop3A_207 = arith.index_cast %parallel_loop3A_205 : i32 to index
        %parallel_loop3A_208 = tpu.vector_load %arg4[%parallel_loop3A_206, %parallel_loop3A_207] {strides = array<i32>} : memref<32x512xf32, #tpu.memory_space<vmem>>, vector<16xf32>,
        %parallel_loop3A_209 = arith.constant 2.550000e+02 : f32
        %parallel_loop3A_210 = vector.broadcast %parallel_loop3A_209 : f32 to vector<16xf32>
        %parallel_loop3A_211 = arith.mulf %parallel_loop3A_208, %parallel_loop3A_210 : vector<16xf32>
        %parallel_loop3A_212 = arith.constant 0x4B000000 : f32
        %parallel_loop3A_213 = vector.broadcast %parallel_loop3A_212 : f32 to vector<16xf32>
        %parallel_loop3A_214 = arith.addf %parallel_loop3A_211, %parallel_loop3A_213 : vector<16xf32>
        %parallel_loop3A_215 = vector.bitcast %parallel_loop3A_214 : vector<16xf32> to vector<16xi32>
        %parallel_loop3A_216 = arith.addi %parallel_loop3A_215, %sub3A_5 : vector<16xi32>
        tpu.vector_store_idx %arg6[%parallel_loop3A_216], %broadcast_in_dim3A_6 {add = true} : memref<4112xi32, #tpu.memory_space<vmem>>[vector<16xi32>], vector<16xi32>,
      } {sc.loop_unroll_factor = 32 : i64, sc.parallel_access}
      %lt3A = arith.constant 7 : i32
      %lt3A_141 = arith.cmpi slt, %scan3A_127, %lt3A : i32
      %convert_element_type3A = arith.extui %lt3A_141 : i1 to i32
      %cond3A = arith.constant 0 : i32
      %cond3A_142 = arith.cmpi ne, %convert_element_type3A, %cond3A : i32
      scf.if %cond3A_142 {
        %mul3A_163 = arith.constant 2 : i32
        %mul3A_164 = arith.muli %mul3A_163, %scan3A_127 : i32
        %add3A_165 = arith.constant 0 : i32
        %add3A_166 = arith.addi %mul3A_164, %add3A_165 : i32
        %add3A_167 = arith.constant 2 : i32
        %add3A_168 = arith.addi %add3A_166, %add3A_167 : i32
        %mul3A_169 = arith.constant 32 : i32
        %mul3A_170 = arith.muli %add3A_168, %mul3A_169 : i32
        %dma_start3A_171 = arith.constant 0 : i32
        %dma_start3A_172 = tpu.memref_slice %arg2[%add3A_90, %mul3A_170, %dma_start3A_171] : memref<96x512x512xf32, #tpu.memory_space<hbm>> -> memref<1x32x512xf32, #tpu.memory_space<hbm>>
        %dma_start3A_173 = tpu.memref_squeeze %dma_start3A_172 : memref<1x32x512xf32, #tpu.memory_space<hbm>> -> memref<32x512xf32, #tpu.memory_space<hbm>>
        %dma_start3A_174 = arith.constant 0 : i32
        %dma_start3A_175 = tpu.memref_slice %arg2[%add3A_90, %mul3A_170, %dma_start3A_174] : memref<96x512x512xf32, #tpu.memory_space<hbm>> -> memref<1x32x512xf32, #tpu.memory_space<hbm>>
        %dma_start3A_176 = tpu.memref_squeeze %dma_start3A_175 : memref<1x32x512xf32, #tpu.memory_space<hbm>> -> memref<32x512xf32, #tpu.memory_space<hbm>>
        tpu.enqueue_dma source(%dma_start3A_176 : memref<32x512xf32, #tpu.memory_space<hbm>>) target(%arg4 : memref<32x512xf32, #tpu.memory_space<vmem>>) target_semaphore(%arg8 : memref<!tpu.dma_semaphore, #tpu.memory_space<semaphore_mem>>)
      } else {
      }
      %mul3A_143 = arith.constant 2 : i32
      %mul3A_144 = arith.muli %mul3A_143, %scan3A_127 : i32
      %add3A_145 = arith.constant 1 : i32
      %add3A_146 = arith.addi %mul3A_144, %add3A_145 : i32
      %mul3A_147 = arith.constant 32 : i32
      %mul3A_148 = arith.muli %add3A_146, %mul3A_147 : i32
      %dma_wait3A_149 = arith.constant 0 : i32
      %dma_wait3A_150 = tpu.memref_slice %arg2[%add3A_90, %mul3A_148, %dma_wait3A_149] : memref<96x512x512xf32, #tpu.memory_space<hbm>> -> memref<1x32x512xf32, #tpu.memory_space<hbm>>
      %dma_wait3A_151 = tpu.memref_squeeze %dma_wait3A_150 : memref<1x32x512xf32, #tpu.memory_space<hbm>> -> memref<32x512xf32, #tpu.memory_space<hbm>>
      %dma_wait3A_152 = arith.constant 0 : i32
      %dma_wait3A_153 = tpu.memref_slice %arg2[%add3A_90, %mul3A_148, %dma_wait3A_152] : memref<96x512x512xf32, #tpu.memory_space<hbm>> -> memref<1x32x512xf32, #tpu.memory_space<hbm>>
      %dma_wait3A_154 = tpu.memref_squeeze %dma_wait3A_153 : memref<1x32x512xf32, #tpu.memory_space<hbm>> -> memref<32x512xf32, #tpu.memory_space<hbm>>
      tpu.wait_dma2 semaphore(%arg9 : memref<!tpu.dma_semaphore, #tpu.memory_space<semaphore_mem>>) src(%dma_wait3A_154 : memref<32x512xf32, #tpu.memory_space<hbm>>) dst(%arg5 : memref<32x512xf32, #tpu.memory_space<vmem>>)
      %parallel_loop3A_155 = arith.constant 0 : i32
      %parallel_loop3A_156 = arith.constant 1024 : i32
      %parallel_loop3A_157 = arith.constant 1 : i32
      scf.for %parallel_loop3A_163 = %parallel_loop3A_155 to %parallel_loop3A_156 step %parallel_loop3A_157  : i32 {
        %parallel_loop3A_164 = arith.constant 32 : i32
        %parallel_loop3A_165 = arith.divsi %parallel_loop3A_163, %parallel_loop3A_164 : i32
        %parallel_loop3A_166 = arith.constant 0 : i32
        %parallel_loop3A_167 = arith.cmpi sgt, %parallel_loop3A_163, %parallel_loop3A_166 : i32
        %parallel_loop3A_168 = arith.extui %parallel_loop3A_167 : i1 to i32
        %parallel_loop3A_169 = arith.constant 0 : i32
        %parallel_loop3A_170 = arith.cmpi slt, %parallel_loop3A_163, %parallel_loop3A_169 : i32
        %parallel_loop3A_171 = arith.extui %parallel_loop3A_170 : i1 to i32
        %parallel_loop3A_172 = arith.subi %parallel_loop3A_168, %parallel_loop3A_171 : i32
        %parallel_loop3A_173 = arith.constant 0 : i32
        %parallel_loop3A_174 = arith.cmpi sgt, %parallel_loop3A_164, %parallel_loop3A_173 : i32
        %parallel_loop3A_175 = arith.extui %parallel_loop3A_174 : i1 to i32
        %parallel_loop3A_176 = arith.constant 0 : i32
        %parallel_loop3A_177 = arith.cmpi slt, %parallel_loop3A_164, %parallel_loop3A_176 : i32
        %parallel_loop3A_178 = arith.extui %parallel_loop3A_177 : i1 to i32
        %parallel_loop3A_179 = arith.subi %parallel_loop3A_175, %parallel_loop3A_178 : i32
        %parallel_loop3A_180 = arith.cmpi ne, %parallel_loop3A_172, %parallel_loop3A_179 : i32
        %parallel_loop3A_181 = arith.remsi %parallel_loop3A_163, %parallel_loop3A_164 : i32
        %parallel_loop3A_182 = arith.constant 0 : i32
        %parallel_loop3A_183 = arith.cmpi ne, %parallel_loop3A_181, %parallel_loop3A_182 : i32
        %parallel_loop3A_184 = arith.andi %parallel_loop3A_180, %parallel_loop3A_183 : i1
        %parallel_loop3A_185 = arith.constant 1 : i32
        %parallel_loop3A_186 = arith.subi %parallel_loop3A_165, %parallel_loop3A_185 : i32
        %parallel_loop3A_187 = arith.select %parallel_loop3A_184, %parallel_loop3A_186, %parallel_loop3A_165 : i32
        %parallel_loop3A_188 = arith.constant 32 : i32
        %parallel_loop3A_189 = arith.constant 0 : i32
        %parallel_loop3A_190 = arith.cmpi eq, %parallel_loop3A_188, %parallel_loop3A_189 : i32
        %parallel_loop3A_191 = arith.constant 1 : i32
        %parallel_loop3A_192 = arith.select %parallel_loop3A_190, %parallel_loop3A_191, %parallel_loop3A_188 : i32
        %parallel_loop3A_193 = arith.remsi %parallel_loop3A_163, %parallel_loop3A_192 : i32
        %parallel_loop3A_194 = arith.constant 0 : i32
        %parallel_loop3A_195 = arith.cmpi ne, %parallel_loop3A_193, %parallel_loop3A_194 : i32
        %parallel_loop3A_196 = arith.constant 0 : i32
        %parallel_loop3A_197 = arith.cmpi slt, %parallel_loop3A_193, %parallel_loop3A_196 : i32
        %parallel_loop3A_198 = arith.constant 0 : i32
        %parallel_loop3A_199 = arith.cmpi slt, %parallel_loop3A_192, %parallel_loop3A_198 : i32
        %parallel_loop3A_200 = arith.xori %parallel_loop3A_197, %parallel_loop3A_199 : i1
        %parallel_loop3A_201 = arith.andi %parallel_loop3A_200, %parallel_loop3A_195 : i1
        %parallel_loop3A_202 = arith.addi %parallel_loop3A_193, %parallel_loop3A_192 : i32
        %parallel_loop3A_203 = arith.select %parallel_loop3A_201, %parallel_loop3A_202, %parallel_loop3A_193 : i32
        %parallel_loop3A_204 = arith.constant 16 : i32
        %parallel_loop3A_205 = arith.muli %parallel_loop3A_203, %parallel_loop3A_204 : i32
        %parallel_loop3A_206 = arith.index_cast %parallel_loop3A_187 : i32 to index
        %parallel_loop3A_207 = arith.index_cast %parallel_loop3A_205 : i32 to index
        %parallel_loop3A_208 = tpu.vector_load %arg5[%parallel_loop3A_206, %parallel_loop3A_207] {strides = array<i32>} : memref<32x512xf32, #tpu.memory_space<vmem>>, vector<16xf32>,
        %parallel_loop3A_209 = arith.constant 2.550000e+02 : f32
        %parallel_loop3A_210 = vector.broadcast %parallel_loop3A_209 : f32 to vector<16xf32>
        %parallel_loop3A_211 = arith.mulf %parallel_loop3A_208, %parallel_loop3A_210 : vector<16xf32>
        %parallel_loop3A_212 = arith.constant 0x4B000000 : f32
        %parallel_loop3A_213 = vector.broadcast %parallel_loop3A_212 : f32 to vector<16xf32>
        %parallel_loop3A_214 = arith.addf %parallel_loop3A_211, %parallel_loop3A_213 : vector<16xf32>
        %parallel_loop3A_215 = vector.bitcast %parallel_loop3A_214 : vector<16xf32> to vector<16xi32>
        %parallel_loop3A_216 = arith.addi %parallel_loop3A_215, %sub3A_5 : vector<16xi32>
        tpu.vector_store_idx %arg6[%parallel_loop3A_216], %broadcast_in_dim3A_6 {add = true} : memref<4112xi32, #tpu.memory_space<vmem>>[vector<16xi32>], vector<16xi32>,
      } {sc.loop_unroll_factor = 32 : i64, sc.parallel_access}
      %lt3A_158 = arith.constant 7 : i32
      %lt3A_159 = arith.cmpi slt, %scan3A_127, %lt3A_158 : i32
      %convert_element_type3A_160 = arith.extui %lt3A_159 : i1 to i32
      %cond3A_161 = arith.constant 0 : i32
      %cond3A_162 = arith.cmpi ne, %convert_element_type3A_160, %cond3A_161 : i32
      scf.if %cond3A_162 {
        %mul3A_163 = arith.constant 2 : i32
        %mul3A_164 = arith.muli %mul3A_163, %scan3A_127 : i32
        %add3A_165 = arith.constant 1 : i32
        %add3A_166 = arith.addi %mul3A_164, %add3A_165 : i32
        %add3A_167 = arith.constant 2 : i32
        %add3A_168 = arith.addi %add3A_166, %add3A_167 : i32
        %mul3A_169 = arith.constant 32 : i32
        %mul3A_170 = arith.muli %add3A_168, %mul3A_169 : i32
        %dma_start3A_171 = arith.constant 0 : i32
        %dma_start3A_172 = tpu.memref_slice %arg2[%add3A_90, %mul3A_170, %dma_start3A_171] : memref<96x512x512xf32, #tpu.memory_space<hbm>> -> memref<1x32x512xf32, #tpu.memory_space<hbm>>
        %dma_start3A_173 = tpu.memref_squeeze %dma_start3A_172 : memref<1x32x512xf32, #tpu.memory_space<hbm>> -> memref<32x512xf32, #tpu.memory_space<hbm>>
        %dma_start3A_174 = arith.constant 0 : i32
        %dma_start3A_175 = tpu.memref_slice %arg2[%add3A_90, %mul3A_170, %dma_start3A_174] : memref<96x512x512xf32, #tpu.memory_space<hbm>> -> memref<1x32x512xf32, #tpu.memory_space<hbm>>
        %dma_start3A_176 = tpu.memref_squeeze %dma_start3A_175 : memref<1x32x512xf32, #tpu.memory_space<hbm>> -> memref<32x512xf32, #tpu.memory_space<hbm>>
        tpu.enqueue_dma source(%dma_start3A_176 : memref<32x512xf32, #tpu.memory_space<hbm>>) target(%arg5 : memref<32x512xf32, #tpu.memory_space<vmem>>) target_semaphore(%arg9 : memref<!tpu.dma_semaphore, #tpu.memory_space<semaphore_mem>>)
      } else {
      }
    }
    %scan3A_118 = arith.constant 8 : i32
    %scan3A_119 = arith.constant 0 : i32
    %scan3A_120 = arith.constant 0 : i32
    %scan3A_121 = arith.constant 16 : i32
    %scan3A_122 = arith.addi %scan3A_120, %scan3A_121 : i32
    %scan3A_123 = arith.constant 1 : i32
    scf.for %scan3A_127 = %scan3A_120 to %scan3A_122 step %scan3A_123  : i32 {
      %mul3A_128 = arith.constant 16 : i32
      %mul3A_129 = arith.muli %scan3A_127, %mul3A_128 : i32
      %get3A = arith.index_cast %mul3A_129 : i32 to index
      %get3A_130 = tpu.vector_load %arg6[%get3A] {strides = array<i32>} : memref<4112xi32, #tpu.memory_space<vmem>>, vector<16xi32>,
      %add3A_131 = arith.constant 257 : i32
      %add3A_132 = arith.addi %add3A_131, %mul3A_129 : i32
      %get3A_133 = arith.index_cast %add3A_132 : i32 to index
      %get3A_134 = tpu.vector_load %arg6[%get3A_133] {strides = array<i32>} : memref<4112xi32, #tpu.memory_space<vmem>>, vector<16xi32>,
      %add3A_135 = arith.addi %get3A_130, %get3A_134 : vector<16xi32>
      %add3A_136 = arith.constant 514 : i32
      %add3A_137 = arith.addi %add3A_136, %mul3A_129 : i32
      %get3A_138 = arith.index_cast %add3A_137 : i32 to index
      %get3A_139 = tpu.vector_load %arg6[%get3A_138] {strides = array<i32>} : memref<4112xi32, #tpu.memory_space<vmem>>, vector<16xi32>,
      %add3A_140 = arith.addi %add3A_135, %get3A_139 : vector<16xi32>
      %add3A_141 = arith.constant 771 : i32
      %add3A_142 = arith.addi %add3A_141, %mul3A_129 : i32
      %get3A_143 = arith.index_cast %add3A_142 : i32 to index
      %get3A_144 = tpu.vector_load %arg6[%get3A_143] {strides = array<i32>} : memref<4112xi32, #tpu.memory_space<vmem>>, vector<16xi32>,
      %add3A_145 = arith.addi %add3A_140, %get3A_144 : vector<16xi32>
      %add3A_146 = arith.constant 1028 : i32
      %add3A_147 = arith.addi %add3A_146, %mul3A_129 : i32
      %get3A_148 = arith.index_cast %add3A_147 : i32 to index
      %get3A_149 = tpu.vector_load %arg6[%get3A_148] {strides = array<i32>} : memref<4112xi32, #tpu.memory_space<vmem>>, vector<16xi32>,
      %add3A_150 = arith.addi %add3A_145, %get3A_149 : vector<16xi32>
      %add3A_151 = arith.constant 1285 : i32
      %add3A_152 = arith.addi %add3A_151, %mul3A_129 : i32
      %get3A_153 = arith.index_cast %add3A_152 : i32 to index
      %get3A_154 = tpu.vector_load %arg6[%get3A_153] {strides = array<i32>} : memref<4112xi32, #tpu.memory_space<vmem>>, vector<16xi32>,
      %add3A_155 = arith.addi %add3A_150, %get3A_154 : vector<16xi32>
      %add3A_156 = arith.constant 1542 : i32
      %add3A_157 = arith.addi %add3A_156, %mul3A_129 : i32
      %get3A_158 = arith.index_cast %add3A_157 : i32 to index
      %get3A_159 = tpu.vector_load %arg6[%get3A_158] {strides = array<i32>} : memref<4112xi32, #tpu.memory_space<vmem>>, vector<16xi32>,
      %add3A_160 = arith.addi %add3A_155, %get3A_159 : vector<16xi32>
      %add3A_161 = arith.constant 1799 : i32
      %add3A_162 = arith.addi %add3A_161, %mul3A_129 : i32
      %get3A_163 = arith.index_cast %add3A_162 : i32 to index
      %get3A_164 = tpu.vector_load %arg6[%get3A_163] {strides = array<i32>} : memref<4112xi32, #tpu.memory_space<vmem>>, vector<16xi32>,
      %add3A_165 = arith.addi %add3A_160, %get3A_164 : vector<16xi32>
      %add3A_166 = arith.constant 2056 : i32
      %add3A_167 = arith.addi %add3A_166, %mul3A_129 : i32
      %get3A_168 = arith.index_cast %add3A_167 : i32 to index
      %get3A_169 = tpu.vector_load %arg6[%get3A_168] {strides = array<i32>} : memref<4112xi32, #tpu.memory_space<vmem>>, vector<16xi32>,
      %add3A_170 = arith.addi %add3A_165, %get3A_169 : vector<16xi32>
      %add3A_171 = arith.constant 2313 : i32
      %add3A_172 = arith.addi %add3A_171, %mul3A_129 : i32
      %get3A_173 = arith.index_cast %add3A_172 : i32 to index
      %get3A_174 = tpu.vector_load %arg6[%get3A_173] {strides = array<i32>} : memref<4112xi32, #tpu.memory_space<vmem>>, vector<16xi32>,
      %add3A_175 = arith.addi %add3A_170, %get3A_174 : vector<16xi32>
      %add3A_176 = arith.constant 2570 : i32
      %add3A_177 = arith.addi %add3A_176, %mul3A_129 : i32
      %get3A_178 = arith.index_cast %add3A_177 : i32 to index
      %get3A_179 = tpu.vector_load %arg6[%get3A_178] {strides = array<i32>} : memref<4112xi32, #tpu.memory_space<vmem>>, vector<16xi32>,
      %add3A_180 = arith.addi %add3A_175, %get3A_179 : vector<16xi32>
      %add3A_181 = arith.constant 2827 : i32
      %add3A_182 = arith.addi %add3A_181, %mul3A_129 : i32
      %get3A_183 = arith.index_cast %add3A_182 : i32 to index
      %get3A_184 = tpu.vector_load %arg6[%get3A_183] {strides = array<i32>} : memref<4112xi32, #tpu.memory_space<vmem>>, vector<16xi32>,
      %add3A_185 = arith.addi %add3A_180, %get3A_184 : vector<16xi32>
      %add3A_186 = arith.constant 3084 : i32
      %add3A_187 = arith.addi %add3A_186, %mul3A_129 : i32
      %get3A_188 = arith.index_cast %add3A_187 : i32 to index
      %get3A_189 = tpu.vector_load %arg6[%get3A_188] {strides = array<i32>} : memref<4112xi32, #tpu.memory_space<vmem>>, vector<16xi32>,
      %add3A_190 = arith.addi %add3A_185, %get3A_189 : vector<16xi32>
      %add3A_191 = arith.constant 3341 : i32
      %add3A_192 = arith.addi %add3A_191, %mul3A_129 : i32
      %get3A_193 = arith.index_cast %add3A_192 : i32 to index
      %get3A_194 = tpu.vector_load %arg6[%get3A_193] {strides = array<i32>} : memref<4112xi32, #tpu.memory_space<vmem>>, vector<16xi32>,
      %add3A_195 = arith.addi %add3A_190, %get3A_194 : vector<16xi32>
      %add3A_196 = arith.constant 3598 : i32
      %add3A_197 = arith.addi %add3A_196, %mul3A_129 : i32
      %get3A_198 = arith.index_cast %add3A_197 : i32 to index
      %get3A_199 = tpu.vector_load %arg6[%get3A_198] {strides = array<i32>} : memref<4112xi32, #tpu.memory_space<vmem>>, vector<16xi32>,
      %add3A_200 = arith.addi %add3A_195, %get3A_199 : vector<16xi32>
      %add3A_201 = arith.constant 3855 : i32
      %add3A_202 = arith.addi %add3A_201, %mul3A_129 : i32
      %get3A_203 = arith.index_cast %add3A_202 : i32 to index
      %get3A_204 = tpu.vector_load %arg6[%get3A_203] {strides = array<i32>} : memref<4112xi32, #tpu.memory_space<vmem>>, vector<16xi32>,
      %add3A_205 = arith.addi %add3A_200, %get3A_204 : vector<16xi32>
      %swap3A = arith.index_cast %mul3A_129 : i32 to index
      %swap3A_206 = tpu.vector_load %arg7[%swap3A] {strides = array<i32>} : memref<256xi32, #tpu.memory_space<vmem>>, vector<16xi32>,
      tpu.vector_store %arg7[%swap3A], %add3A_205 {strides = array<i32>} : memref<256xi32, #tpu.memory_space<vmem>>, vector<16xi32>,
    }
    %scan3A_124 = arith.constant 16 : i32
    %mul3A_125 = arith.constant 256 : i32
    %mul3A_126 = arith.muli %add3A_90, %mul3A_125 : i32
    "tpu.region"() ({
      %run_scoped3A = tpu.sem_alloc : memref<!tpu.dma_semaphore, #tpu.memory_space<semaphore_mem>>
      %dma_start3A_127 = tpu.memref_slice %arg3[%mul3A_126] : memref<24576xi32, #tpu.memory_space<hbm>> -> memref<256xi32, #tpu.memory_space<hbm>>
      %dma_start3A_128 = tpu.memref_slice %arg3[%mul3A_126] : memref<24576xi32, #tpu.memory_space<hbm>> -> memref<256xi32, #tpu.memory_space<hbm>>
      tpu.enqueue_dma source(%arg7 : memref<256xi32, #tpu.memory_space<vmem>>) target(%dma_start3A_128 : memref<256xi32, #tpu.memory_space<hbm>>) target_semaphore(%run_scoped3A : memref<!tpu.dma_semaphore, #tpu.memory_space<semaphore_mem>>)
      %dma_wait3A = tpu.memref_slice %arg3[%mul3A_126] : memref<24576xi32, #tpu.memory_space<hbm>> -> memref<256xi32, #tpu.memory_space<hbm>>
      %dma_wait3A_129 = tpu.memref_slice %arg3[%mul3A_126] : memref<24576xi32, #tpu.memory_space<hbm>> -> memref<256xi32, #tpu.memory_space<hbm>>
      tpu.wait_dma2 semaphore(%run_scoped3A : memref<!tpu.dma_semaphore, #tpu.memory_space<semaphore_mem>>) src(%arg7 : memref<256xi32, #tpu.memory_space<vmem>>) dst(%dma_wait3A_129 : memref<256xi32, #tpu.memory_space<hbm>>)
      tpu.yield
    }) : () -> ()
    return
  }
}

module attributes {stable_mosaic.version = 14 : i64} {
  func.func @_finish_tc_kernel(%arg0: memref<96x256xi32, #tpu.memory_space<vmem>>, %arg1: memref<1x1xf32, #tpu.memory_space<smem>>) attributes {dimension_semantics = [], scalar_prefetch = 0 : i64, scratch_operands = 0 : i64, tpu.core_type = #tpu.core_type<tc>} {
    %get3A = arith.constant 0 : index
    %get3A_0 = arith.constant 0 : index
    %get3A_1 = vector.load %arg0[%get3A, %get3A_0] : memref<96x256xi32, #tpu.memory_space<vmem>>, vector<96x256xi32>
    %convert_element_type3A = arith.sitofp %get3A_1 : vector<96x256xi32> to vector<96x256xf32>
    %slice3A = vector.extract_strided_slice %convert_element_type3A {offsets = [0, 0], sizes = [24, 256], strides = [1, 1]} : vector<96x256xf32> to vector<24x256xf32>
    %slice3A_2 = vector.extract_strided_slice %convert_element_type3A {offsets = [24, 0], sizes = [24, 256], strides = [1, 1]} : vector<96x256xf32> to vector<24x256xf32>
    %add3A = arith.addf %slice3A, %slice3A_2 : vector<24x256xf32>
    %slice3A_3 = vector.extract_strided_slice %convert_element_type3A {offsets = [48, 0], sizes = [24, 256], strides = [1, 1]} : vector<96x256xf32> to vector<24x256xf32>
    %add3A_4 = arith.addf %add3A, %slice3A_3 : vector<24x256xf32>
    %slice3A_5 = vector.extract_strided_slice %convert_element_type3A {offsets = [72, 0], sizes = [24, 256], strides = [1, 1]} : vector<96x256xf32> to vector<24x256xf32>
    %add3A_6 = arith.addf %add3A_4, %slice3A_5 : vector<24x256xf32>
    %slice3A_7 = vector.extract_strided_slice %add3A_6 {offsets = [0, 0], sizes = [21, 256], strides = [1, 1]} : vector<24x256xf32> to vector<21x256xf32>
    %slice3A_8 = vector.extract_strided_slice %add3A_6 {offsets = [3, 0], sizes = [21, 256], strides = [1, 1]} : vector<24x256xf32> to vector<21x256xf32>
    %sub3A = arith.subf %slice3A_7, %slice3A_8 : vector<21x256xf32>
    %abs3A = math.absf %sub3A : vector<21x256xf32>
    %reduce_sum3A = vector.shape_cast %abs3A : vector<21x256xf32> to vector<1x21x256xf32>
    %reduce_sum3A_9 = arith.constant dense<0.000000e+00> : vector<1xf32>
    %reduce_sum3A_10 = vector.multi_reduction <add>, %reduce_sum3A, %reduce_sum3A_9 [1, 2] : vector<1x21x256xf32> to vector<1xf32>
    %reduce_sum3A_11 = vector.shape_cast %reduce_sum3A_10 : vector<1xf32> to vector<1x1x1xf32>
    %reduce_sum3A_12 = vector.extract %reduce_sum3A_11[0, 0, 0] : f32 from vector<1x1x1xf32>
    %mul3A = arith.constant 1.77394779E-10 : f32
    %mul3A_13 = arith.mulf %reduce_sum3A_12, %mul3A : f32
    %swap3A = arith.constant 0 : index
    %swap3A_14 = arith.constant 0 : index
    %swap3A_15 = memref.load %arg1[%swap3A, %swap3A_14] : memref<1x1xf32, #tpu.memory_space<smem>>
    memref.store %mul3A_13, %arg1[%swap3A, %swap3A_14] : memref<1x1xf32, #tpu.memory_space<smem>>
    return
  }
}

</mosaic_0001>

<sc_bundles>
// kernel: kernel.4.cloned.1.call-start
scs
__scs_entry_jumppad:
0x0: {  	(pc) =	sbr.rel $0x88, $3  }
0x1: {  	(tag) =	ssettag $0x0;
	lr =	simm.s32 $0x1  }
0x2: {  	[smem:$0x3FA0] =	sst lr;
	_ =	strace $0xD0000000  }
0x3: {  	_ = 	snop  }
0x4: {  	_ = 	snop  }
0x5: {  	_ = 	snop  }
0x6: {  	_ = 	snop  }
0x7: {  	_ = 	snop  }
__scs_overlays_trampoline_lowered:
0x8: {  	[smem:$0x3FAF] =	sst s0  }
0x9: {  	[smem:$0x3FB0] =	sst s1  }
0xa: {  	[smem:$0x3FB1] =	sst s2  }
0xb: {  	[smem:$0x3FB2] =	sst s3  }
0xc: {  	[smem:$0x3FB3] =	sst s4  }
0xd: {  	[smem:$0x3FB4] =	sst s5  }
0xe: {  	[smem:$0x3FB5] =	sst s6  }
0xf: {  	[smem:$0x3FB6] =	sst s7  }
0x10: {  	[smem:$0x3FB7] =	sst s8  }
0x11: {  	[smem:$0x3FB8] =	sst s9;
	s0 =	simm.s32 @!p0 $0x0  }
0x12: {  	s1 =	sld [smem:$0x3F9E];
	s0 =	simm.s32 @p0 $0x1  }
0x13: {  	[smem:$0x3FB9] =	sst s0;
	s0 =	simm.s32 @!p1 $0x0  }
0x14: {  	s2 =	sld [smem:$0x3F9D];
	s0 =	simm.s32 @p1 $0x1  }
0x15: {  	[smem:$0x3FBA] =	sst s0;
	s0 =	simm.s32 @!p2 $0x0  }
0x16: {  	s3 =	sld [smem:$0x3FDB];
	s0 =	simm.s32 @p2 $0x1  }
0x17: {  	s4 =	simm.s32 $0x1BF5;
	[smem:$0x3FBC] =	sst s0  }
0x18: {  	s0 =	sld [smem:$0x3F9F];
	_ =	swait.ge [sflag:s4], $0x0  }
0x19: {  	s7 =	sld [smem:$0x3FA0]  }
0x1a: {  	s8 =	sadd.s32 $0xFFFFE003, lr  }
0x1b: {  	s9 =	sadd.s32 $0xFFFFFEF7, lr;
	s5 =	simm.s32 $0xFFFFFFFF;
	p2 =	slt.u32 s8, $0xFFFFF086  }
0x1c: {  	p1 =	slt.u32 s9, $0xF7A;
	s5 =	simm.s32 @!p2 $0x0  }
0x1d: {  	s5 =	simm.s32 @p1 $0x1;
	p0 =	seq.s32 s7, s2  }
0x1e: {  	s7 =	smul.u32 @!p0 $0xF7A, s2;
	p2 =	seq.s32 @!p0 s5, $0x0  }
0x1f: {  	s9 =	smul.u32 $0xF7A, s1;
	s8 =	simm.s32 @!p0 $0x1BF5;
	p2 =	por !p2, p0  }
0x20: {  	[sflag:s8] =	ssyncset.s32 @!p0 $0xFFFFF086;
	s6 =	sadd.s32 @!p0 s3, s7;
	s7 =	simm.s32 @!p0 $0x108  }
0x21: {  	s3 =	sadd.s32 s3, s9;
	s6 =	sadd.s32 @!p0 $0x88, s6;
	s7 =	simm.s32 @p2 $0x1082  }
0x22: {  	[simem:s7], [sflag:s8] =	dma.local @!p0 [hbm:s6], $0xF7A  }
0x23: {  	s9 =	sor.u32 $0xD0000000, s2;
	s6 =	simm.s32 $0x108;
	_ =	swait.ge @!p0 [sflag:s8], $0x0  }
0x24: {  	s3 =	sadd.s32 $0x88, s3;
	s6 =	simm.s32 @!p1 $0x1082;
	[sflag:s4] =	ssyncset.s32 $0xFFFFF086  }
0x25: {  	[simem:s6], [sflag:s4] =	dma.local [hbm:s3], $0xF7A  }
0x26: {  	[smem:$0x3FA0] =	sst s1;
	(tag) =	ssettag s2;
	_ =	strace s9  }
0x27: {  	s1 =	sld [smem:$0x3FB0]  }
0x28: {  	s2 =	sld [smem:$0x3FB1]  }
0x29: {  	s4 =	sld [smem:$0x3FB3]  }
0x2a: {  	p0 =	seq.s32 s5, $0x0;
	s5 =	sld [smem:$0x3FB4]  }
0x2b: {  	s6 =	sld [smem:$0x3FB5]  }
0x2c: {  	s7 =	sld [smem:$0x3FB6]  }
0x2d: {  	s3 =	simm.s32 $0x108;
	s8 =	sld [smem:$0x3FB7]  }
0x2e: {  	s3 =	simm.s32 @!p0 $0x1082;
	s9 =	sld [smem:$0x3FB8]  }
0x2f: {  	lr =	sadd.s32 s0, s3;
	s0 =	sld [smem:$0x3FAF]  }
0x30: {  	s3 =	sld [smem:$0x3FB2]  }
0x31: {  	[smem:$0x3FBB] =	sst s10  }
0x32: {  	s10 =	sld [smem:$0x3FB9];
	_ =	sdelay $0x3  }
0x33: {  	p0 =	seq.s32 s10, $0x1;
	s10 =	sld [smem:$0x3FBB];
	_ =	sdelay $0x3  }
0x34: {  	[smem:$0x3FBB] =	sst s10  }
0x35: {  	s10 =	sld [smem:$0x3FBA];
	_ =	sdelay $0x3  }
0x36: {  	p1 =	seq.s32 s10, $0x1;
	s10 =	sld [smem:$0x3FBB];
	_ =	sdelay $0x3  }
0x37: {  	[smem:$0x3FBB] =	sst s10  }
0x38: {  	s10 =	sld [smem:$0x3FBC]  }
0x39: {  	_ = 	snop;
	(pc) =	sbr.ind lr, $3  }
0x3a: {  	_ = 	snop  }
0x3b: {  	_ = 	snop  }
0x3c: {  	p2 =	seq.s32 s10, $0x1;
	s10 =	sld [smem:$0x3FBB]  }
0x3d: {  	_ =	shalt  }
0x3e: {  	_ =	shalt  }
0x3f: {  	_ =	shalt  }
0x40: {  	_ =	shalt  }
0x41: {  	_ =	shalt  }
0x42: {  	_ =	shalt  }
0x43: {  	_ =	shalt  }
0x44: {  	_ =	shalt  }
0x45: {  	_ =	shalt  }
0x46: {  	_ =	shalt  }
0x47: {  	_ =	shalt  }
0x48: {  	_ =	shalt  }
0x49: {  	_ =	shalt  }
0x4a: {  	_ =	shalt  }
0x4b: {  	_ =	shalt  }
0x4c: {  	_ =	shalt  }
0x4d: {  	_ =	shalt  }
0x4e: {  	_ =	shalt  }
0x4f: {  	_ =	shalt  }
0x50: {  	_ =	shalt  }
0x51: {  	_ =	shalt  }
0x52: {  	_ =	shalt  }
0x53: {  	_ =	shalt  }
0x54: {  	_ =	shalt  }
0x55: {  	_ =	shalt  }
0x56: {  	_ =	shalt  }
0x57: {  	_ =	shalt  }
0x58: {  	_ =	shalt  }
0x59: {  	_ =	shalt  }
0x5a: {  	_ =	shalt  }
0x5b: {  	_ =	shalt  }
0x5c: {  	_ =	shalt  }
0x5d: {  	_ =	shalt  }
0x5e: {  	_ =	shalt  }
0x5f: {  	_ =	shalt  }
0x60: {  	_ =	shalt  }
0x61: {  	_ =	shalt  }
0x62: {  	_ =	shalt  }
0x63: {  	_ =	shalt  }
0x64: {  	_ =	shalt  }
0x65: {  	_ =	shalt  }
0x66: {  	_ =	shalt  }
0x67: {  	_ =	shalt  }
0x68: {  	_ =	shalt  }
0x69: {  	_ =	shalt  }
0x6a: {  	_ =	shalt  }
0x6b: {  	_ =	shalt  }
0x6c: {  	_ =	shalt  }
0x6d: {  	_ =	shalt  }
0x6e: {  	_ =	shalt  }
0x6f: {  	_ =	shalt  }
0x70: {  	_ =	shalt  }
0x71: {  	_ =	shalt  }
0x72: {  	_ =	shalt  }
0x73: {  	_ =	shalt  }
0x74: {  	_ =	shalt  }
0x75: {  	_ =	shalt  }
0x76: {  	_ =	shalt  }
0x77: {  	_ =	shalt  }
0x78: {  	_ =	shalt  }
0x79: {  	_ =	shalt  }
0x7a: {  	_ =	shalt  }
0x7b: {  	_ =	shalt  }
0x7c: {  	_ =	shalt  }
0x7d: {  	_ =	shalt  }
0x7e: {  	_ =	shalt  }
0x7f: {  	_ =	shalt  }
0x80: {  	_ =	shalt  }
0x81: {  	_ =	shalt  }
0x82: {  	_ =	shalt  }
0x83: {  	_ =	shalt  }
0x84: {  	_ =	shalt  }
0x85: {  	_ =	shalt  }
0x86: {  	_ =	shalt  }
0x87: {  	_ =	shalt  }
.Lfunc_end0:
.L_simem_size_0:
called_computation_lowered:
.L_overlay_start_0:
0x88: {  	s2 =	sld [smem:$0x3FD9]  }
0x89: {  	s3 =	sld [smem:$0x3FFE];
	_ =	sdelay $0x1  }
0x8a: {  	s1 =	srdreg.scid  }
0x8b: {  	s0 =	sand.u32 $0x1, s1  }
0x8c: {  	s17 =	sshll.u32 s0, $0xA;
	s2 =	sadd.s32 s3, s2  }
0x8d: {  	s2 =	sadd.s32 s2, s17  }
0x8e: {  	[smem:$0x3FC7] =	sst s2  }
0x8f: {  	_ = 	snop  }
0x90: {  	s2 =	sld [smem:$0x3FC9];
	(tm) =	ssettm $0x1  }
0x91: {  	s18 =	sld [smem:$0x3FFB];
	_ =	sdelay $0x3  }
0x92: {  	_ =	strace s18  }
0x93: {  	s3 =	sld [smem:$0x3FFC];
	_ =	sdelay $0x3  }
0x94: {  	_ =	strace s3  }
0x95: {  	s3 =	sld [smem:$0x3FFD];
	_ =	sdelay $0x3  }
0x96: {  	_ =	strace s3  }
0x97: {  	_ =	strace $0x8FFFFFFF  }
0x98: {  	s19 =	sld [smem:$0x3FDB];
	_ =	sdelay $0x1  }
0x99: {  	s4 =	simm.s32 $_scs_section_size  }
0x9a: {  	s5 =	simm.s32 $_size__tile_overlayer_lowered;
	s6 =	simm.s32 $_tile_overlayer_lowered  }
0x9b: {  	s22 =	simm.s32 $0x1BFF;
	s21 =	sshll.u32 s6, $0x1;
	s3 =	sadd.s32 s4, s19  }
0x9c: {  	s7 =	simm.s32 $0x0;
	s20 =	sshll.u32 s5, $0x1;
	s5 =	sadd.s32 s21, s3  }
0x9d: {  	[timem:s7], [sflag:s22] =	dma.local [hbm:s5], s20  }
0x9e: {  	_ =	swait.ge [sflag:s22], s20  }
0x9f: {  	s4 =	ssub.s32 $0x0, s20;
	[sflag:s22] =	ssyncset.done $0x0  }
0xa0: {  	[sflag:s22] =	ssyncadd.s32 s4;
	_ =	sdelay $0x1  }
0xa1: {  	s23 =	simm.s32 $0x1B8B  }
0xa2: {  	_ =	swait.ge [sflag:s23], $0x1  }
0xa3: {  	[sflag:s23] =	ssyncset.done $0x0  }
0xa4: {  	s25 =	simm.s32 $0x1B8E;
	s24 =	sld [smem:$0x3FFE];
	[sflag:s23] =	ssyncadd.s32 $0xFFFFFFFF  }
0xa5: {  	s26 =	simm.s32 $execute0_lowered;
	[smem:$0x3FD2] =	sst s25  }
0xa6: {  	s5 =	sshll.u32 s26, $0x1;
	_ =	strace $0x80000046;
	[dreg:$0x1] =	wrdreg $0xFFFFFFFF  }
0xa7: {  	s28 =	simm.s32 $_size_execute0_lowered;
	s3 =	sadd.s32 s3, s5;
	[dreg:$0x0] =	wrdreg $0x0  }
0xa8: {  	s5 =	sshll.u32 s28, $0x1;
	[dreg:$0x2] =	wrdreg s3  }
0xa9: {  	[dreg:$0x3] =	wrdreg s5  }
0xaa: {  	[dreg:$0x4] =	wrdreg $0xC0  }
0xab: {  	_ =	task [dreg:s7], $0x5FFFF  }
0xac: {  	[dreg:$0x1] =	wrdreg $0xFFFFFFFF  }
0xad: {  	[dreg:$0x0] =	wrdreg $0x60  }
0xae: {  	[dreg:$0x2] =	wrdreg s2  }
0xaf: {  	[dreg:$0x3] =	wrdreg s24  }
0xb0: {  	[dreg:$0x4] =	wrdreg $0x9  }
0xb1: {  	_ =	task.clear_ibuf [dreg:s7], $0x5FFFF;
	_ =	strace $0x90000046  }
0xb2: {  	s29 =	simm.s32 $0x9;
	_ =	strace $0x80000048  }
0xb3: {  	_ =	swait.ge [sflag:s29], $0x1  }
0xb4: {  	[sflag:s29] =	ssyncadd.s32 $0xFFFFFFFF  }
0xb5: {  	_ =	strace $0x90000048  }
0xb6: {  	_ =	sfence  }
0xb7: {  	s30 =	sld [smem:$0x0];
	_ =	sdelay $0x2  }
0xb8: {  	s31 =	sshll.u32 s1, $0xD;
	s1 =	sshrl.u32 s1, $0x2  }
0xb9: {  	s3 =	sand.u32 $0x4000, s31;
	s1 =	sadd.s32 s1, s30  }
0xba: {  	s0 =	sor.u32 s3, s0;
	s1 =	sshll.u32 s1, $0x11  }
0xbb: {  	s0 =	sor.u32 s1, s0  }
0xbc: {  	s0 =	sadd.s32 $0x8F2B, s0  }
0xbd: {  	[sflag:s0] =	ssyncadd.remote.s32 $0x1  }
0xbe: {  	_ =	sfence.sel $0xFFFF  }
0xbf: {  	[dreg:$0x0] =	wrdreg $0xFFFFFFFF;
	(pc) =	sbr.abs _section_cstart, $3  }
0xc0: {  	[dreg:$0x1] =	wrdreg $0xFFFFFFFF  }
0xc1: {  	_ =	task.clear_ibuf [dreg:s7], $0x2FFFF;
	_ =	strace $0x9FFFFFFF  }
0xc2: {  	(tm) =	ssettm $0x7FFFFFFF  }
0xc3: {  	_ =	shalt  }
tec
execute0_lowered:
.L_overlay_start_1:
0x0: {  	(tag) =	ssettag $0x1  }
0x1: {  	s2 =	rddreg [dreg:$0x0]  }
0x2: {  	s0 =	srdreg.scid;
	s3 =	stileid.u32  }
0x3: {  	s1 =	rddreg [dreg:$0x1];
	s20 =	simm.s32 $0x4000;
	s21 =	simm.s32 $0x1  }
0x4: {  	s22 =	simm.s32 $0x8000;
	s23 =	simm.s32 $0x2;
	s24 =	simm.s32 $0x9080  }
0x5: {  	s25 =	simm.s32 $0x3;
	s0 =	sand.u32 $0x1, s0;
	s4 =	sshll.u32 s3, $0x1  }
0x6: {  	s26 =	simm.s32 $0x0;
	s3 =	simm.s32 $0x0;
	s5 =	sor.u32 s0, s4  }
0x7: {  	s1 =	sadd.s32 $0x400, s1;
	s15 =	sadd.s32 $0x800, s2;
	s7 =	smul.u32 $0xC0000, s5  }
0x8: {  	[smem:$0x7FF] =	sst s3;
	s0 =	ssub.s32 $0x2, s0;
	s12 =	smul.u32 $0x3, s5  }
0x9: {  	_ =	strace $0x80000047;
	s30 =	sshrl.u32 s0, $0x1;
	s8 =	smul.u32 $0x60, s5  }
0xa: {  	s0 =	ssub.s32 s0, s30;
	s6 =	sshrl.u32 s7, $0x3;
	s13 =	sadd.s32 $0x1, s12  }
0xb: {  	s8 =	sadd.s32 s1, s8;
	s18 =	sadd.s32 $0x2, s12;
	s19 =	smax.u32 s0, $0x1  }
0xc: {  	s31 =	sadd.s32 s2, s6;
	s5 =	sadd.s32 s6, s15;
	s6 =	sor.u32 $0x8000, s7  }
0xd: {  	s7 =	sor.u32 $0xC000, s7;
	s10 =	sshll.u32 s13, $0xF;
	s14 =	sshll.u32 s13, $0x12  }
0xe: {  	s13 =	sshll.u32 s13, $0x5;
	s16 =	sshll.u32 s18, $0xF;
	s17 =	sshll.u32 s18, $0x12  }
0xf: {  	v0 =	vlaneseq.u32;
	s18 =	sshll.u32 s18, $0x5;
	[dreg:$0x3] =	wrdreg s31;
	s9 =	sadd.s32 s2, s10  }
0x10: {  	v1 =	vmul.u32 $0x101, v0;
	s10 =	sadd.s32 s10, s15;
	s11 =	sor.u32 $0x8000, s14;
	s12 =	sor.u32 $0xC000, s14  }
0x11: {  	s13 =	sadd.s32 s1, s13;
	s14 =	sadd.s32 s2, s16;
	s15 =	sadd.s32 s16, s15  }
0x12: {  	v2 =	vimm.s32 $0x1;
	v0 =	vimm.s32 $0x0;
	v1 =	vor.u32 $0xB5000000, v1;
	s16 =	sor.u32 $0x8000, s17;
	s17 =	sor.u32 $0xC000, s17;
	s18 =	sadd.s32 s1, s18  }
.LBB2_1:
0x13: {  	s0 =	rddreg [dreg:$0x3]  }
0x14: {  	[tilespmem:s3], [sflag:$0x1] =	stream.linear.gather [hbm4b:s0+s3], $0x4000, $0x38;
	[tilespmem:$0x9180] =	vst v63  }
0x15: {  	s1 =	simm.s32 $0x0;
	s0 =	simm.s32 $0x40  }
0x16: {  	[tilespmem:s20], [sflag:$0x2] =	stream.linear.gather [hbm4b:s5+s3], $0x4000, $0x38;
	[tilespmem:$0x9180] =	vst v63  }
.LBB2_2:
0x17: {  	p0 =	sne.s32 s0, $0x4000;
	[tilespmem:s1+$0x8000] =	vst v0;
	s1 =	smov.u32 s0;
	s0 =	sadd.s32 $0x40, s0  }
.Ltmp0:
0x18: {  	(pc) =	sbr.rel @p0 .LBB2_2-.Ltmp0, $2  }
0x19: {  	_ =	sdelay $0x2  }
0x1a: {  	s1 =	sshra.s32 s1, $0x2  }
0x1b: {  	[tilespmem:s1+$0x8000] =	vst v0;
	s28 =	simm.s32 $0x0;
	s29 =	simm.s32 $0x0  }
.LBB2_4:
0x1c: {  	_ =	swait.ge [sflag:s21], $0x4000  }
0x1d: {  	s0 =	sand.u32 $0x3000, s28;
	s1 =	sand.u32 $0x380, s28;
	[sflag:s21] =	ssyncset.done $0x0  }
0x1e: {  	s0 =	sor.u32 s1, s0;
	[sflag:s21] =	ssyncadd.s32 $0xFFFFC000  }
0x1f: {  	v3 =	vld [tilespmem:s0+$0xC70]  }
0x20: {  	v4 =	vld [tilespmem:s0+$0x0]  }
0x21: {  	v5 =	vld [tilespmem:s0+$0x10]  }
0x22: {  	v6 =	vld [tilespmem:s0+$0x20]  }
0x23: {  	v7 =	vld [tilespmem:s0+$0x30]  }
0x24: {  	v8 =	vld [tilespmem:s0+$0x40]  }
0x25: {  	v9 =	vld [tilespmem:s0+$0x50]  }
0x26: {  	v10 =	vld [tilespmem:s0+$0x60]  }
0x27: {  	v11 =	vld [tilespmem:s0+$0x70]  }
0x28: {  	v12 =	vld [tilespmem:s0+$0x400]  }
0x29: {  	v13 =	vld [tilespmem:s0+$0x410]  }
0x2a: {  	v14 =	vld [tilespmem:s0+$0x420]  }
0x2b: {  	v15 =	vld [tilespmem:s0+$0x430]  }
0x2c: {  	v16 =	vld [tilespmem:s0+$0x440]  }
0x2d: {  	v17 =	vld [tilespmem:s0+$0x460]  }
0x2e: {  	v18 =	vld [tilespmem:s0+$0x470]  }
0x2f: {  	v19 =	vld [tilespmem:s0+$0x800]  }
0x30: {  	v20 =	vld [tilespmem:s0+$0x810]  }
0x31: {  	v21 =	vld [tilespmem:s0+$0x820]  }
0x32: {  	v22 =	vld [tilespmem:s0+$0x830]  }
0x33: {  	v23 =	vld [tilespmem:s0+$0x840]  }
0x34: {  	v24 =	vld [tilespmem:s0+$0x850];
	v3 =	vmul.f32 $2.550000000e+02, v3  }
0x35: {  	v25 =	vld [tilespmem:s0+$0x860]  }
0x36: {  	v26 =	vld [tilespmem:s0+$0x870];
	v3 =	vadd.f32 $8.388608000e+06, v3  }
0x37: {  	v27 =	vld [tilespmem:s0+$0xC00];
	v4 =	vmul.f32 $2.550000000e+02, v4  }
0x38: {  	v28 =	vld [tilespmem:s0+$0xC10];
	v5 =	vmul.f32 $2.550000000e+02, v5;
	v3 =	vadd.s32 v1, v3  }
0x39: {  	v29 =	vld [tilespmem:s0+$0xC20];
	v6 =	vmul.f32 $2.550000000e+02, v6;
	v7 =	vmul.f32 $2.550000000e+02, v7;
	v4 =	vadd.f32 $8.388608000e+06, v4  }
0x3a: {  	v30 =	vld [tilespmem:s0+$0xC30];
	v8 =	vmul.f32 $2.550000000e+02, v8;
	v9 =	vmul.f32 $2.550000000e+02, v9;
	v5 =	vadd.f32 $8.388608000e+06, v5  }
0x3b: {  	v31 =	vld [tilespmem:s0+$0xC40];
	v10 =	vmul.f32 $2.550000000e+02, v10;
	v6 =	vadd.f32 $8.388608000e+06, v6;
	v4 =	vadd.s32 v1, v4  }
0x3c: {  	v32 =	vld [tilespmem:s0+$0xC50];
	v11 =	vmul.f32 $2.550000000e+02, v11;
	v7 =	vadd.f32 $8.388608000e+06, v7;
	v5 =	vadd.s32 v1, v5  }
0x3d: {  	v56 =	vmul.f32 $2.550000000e+02, v14;
	v8 =	vadd.f32 $8.388608000e+06, v8;
	v6 =	vadd.s32 v1, v6;
	[tilespmem:v3+s22+$0x0] =	vst.idx.add.s32.msk $0xffff, v2  }
0x3e: {  	v58 =	vmul.f32 $2.550000000e+02, v15;
	v9 =	vadd.f32 $8.388608000e+06, v9;
	v7 =	vadd.s32 v1, v7;
	v3 =	vld [tilespmem:s0+$0x450]  }
0x3f: {  	v33 =	vld [tilespmem:s0+$0xC60];
	v13 =	vmul.f32 $2.550000000e+02, v13;
	v59 =	vadd.f32 $8.388608000e+06, v56;
	v8 =	vadd.s32 v1, v8  }
0x40: {  	v12 =	vmul.f32 $2.550000000e+02, v12;
	v61 =	vadd.f32 $8.388608000e+06, v58;
	v9 =	vadd.s32 v1, v9;
	[tilespmem:v4+s22+$0x0] =	vst.idx.add.s32.msk $0xffff, v2  }
0x41: {  	v60 =	vmul.f32 $2.550000000e+02, v16;
	v57 =	vadd.f32 $8.388608000e+06, v13;
	v62 =	vadd.s32 v1, v59;
	[tilespmem:v5+s22+$0x0] =	vst.idx.add.s32.msk $0xffff, v2  }
0x42: {  	v16 =	vmul.f32 $2.550000000e+02, v17;
	v10 =	vadd.f32 $8.388608000e+06, v10;
	v17 =	vadd.s32 v1, v61;
	[tilespmem:v6+s22+$0x0] =	vst.idx.add.s32.msk $0xffff, v2  }
0x43: {  	v11 =	vadd.f32 $8.388608000e+06, v11;
	[tilespmem:v7+s22+$0x0] =	vst.idx.add.s32.msk $0xffff, v2;
	v7 =	vadd.s32 v1, v57;
	v3 =	vmul.f32 $2.550000000e+02, v3  }
0x44: {  	v35 =	vmul.f32 $2.550000000e+02, v19;
	v55 =	vadd.f32 $8.388608000e+06, v12;
	v4 =	vadd.s32 v1, v10;
	[tilespmem:v8+s22+$0x0] =	vst.idx.add.s32.msk $0xffff, v2  }
0x45: {  	v5 =	vadd.s32 v1, v11;
	[tilespmem:v9+s22+$0x0] =	vst.idx.add.s32.msk $0xffff, v2;
	v3 =	vadd.f32 $8.388608000e+06, v3  }
0x46: {  	v36 =	vmul.f32 $2.550000000e+02, v20;
	v37 =	vadd.f32 $8.388608000e+06, v35;
	v6 =	vadd.s32 v1, v55;
	[tilespmem:v62+s22+$0x0] =	vst.idx.add.s32.msk $0xffff, v2  }
0x47: {  	v63 =	vadd.f32 $8.388608000e+06, v60;
	[tilespmem:v17+s22+$0x0] =	vst.idx.add.s32.msk $0xffff, v2;
	v3 =	vadd.s32 v1, v3  }
0x48: {  	v39 =	vmul.f32 $2.550000000e+02, v22;
	v40 =	vadd.s32 v1, v37;
	[tilespmem:v7+s22+$0x0] =	vst.idx.add.s32.msk $0xffff, v2;
	v7 =	vadd.f32 $8.388608000e+06, v36  }
0x49: {  	v18 =	vmul.f32 $2.550000000e+02, v18;
	v34 =	vadd.f32 $8.388608000e+06, v16;
	[tilespmem:v4+s22+$0x0] =	vst.idx.add.s32.msk $0xffff, v2;
	v4 =	vadd.s32 v1, v63  }
0x4a: {  	v38 =	vmul.f32 $2.550000000e+02, v21;
	v43 =	vadd.f32 $8.388608000e+06, v39;
	[tilespmem:v5+s22+$0x0] =	vst.idx.add.s32.msk $0xffff, v2;
	v7 =	vadd.s32 v1, v7  }
0x4b: {  	v48 =	vmul.f32 $2.550000000e+02, v26;
	v5 =	vadd.f32 $8.388608000e+06, v18;
	[tilespmem:v6+s22+$0x0] =	vst.idx.add.s32.msk $0xffff, v2;
	v6 =	vadd.s32 v1, v34  }
0x4c: {  	v42 =	vmul.f32 $2.550000000e+02, v23;
	v41 =	vadd.f32 $8.388608000e+06, v38;
	[tilespmem:v3+s22+$0x0] =	vst.idx.add.s32.msk $0xffff, v2;
	v3 =	vadd.s32 v1, v43  }
0x4d: {  	v52 =	vmul.f32 $2.550000000e+02, v28;
	v51 =	vadd.f32 $8.388608000e+06, v48;
	[tilespmem:v40+s22+$0x0] =	vst.idx.add.s32.msk $0xffff, v2;
	v5 =	vadd.s32 v1, v5  }
0x4e: {  	v44 =	vmul.f32 $2.550000000e+02, v24;
	v45 =	vadd.f32 $8.388608000e+06, v42;
	[tilespmem:v4+s22+$0x0] =	vst.idx.add.s32.msk $0xffff, v2;
	v4 =	vadd.s32 v1, v41  }
0x4f: {  	v50 =	vmul.f32 $2.550000000e+02, v27;
	v56 =	vadd.f32 $8.388608000e+06, v52;
	[tilespmem:v7+s22+$0x0] =	vst.idx.add.s32.msk $0xffff, v2;
	v7 =	vadd.s32 v1, v51  }
0x50: {  	v46 =	vmul.f32 $2.550000000e+02, v25;
	v47 =	vadd.f32 $8.388608000e+06, v44;
	[tilespmem:v6+s22+$0x0] =	vst.idx.add.s32.msk $0xffff, v2;
	v6 =	vadd.s32 v1, v45  }
0x51: {  	v54 =	vadd.f32 $8.388608000e+06, v50;
	v59 =	vmul.f32 $2.550000000e+02, v31;
	[tilespmem:v3+s22+$0x0] =	vst.idx.add.s32.msk $0xffff, v2;
	v3 =	vadd.s32 v1, v56  }
0x52: {  	v49 =	vadd.f32 $8.388608000e+06, v46;
	v55 =	vmul.f32 $2.550000000e+02, v29;
	[tilespmem:v5+s22+$0x0] =	vst.idx.add.s32.msk $0xffff, v2;
	v5 =	vadd.s32 v1, v47  }
0x53: {  	v61 =	vadd.f32 $8.388608000e+06, v59;
	v57 =	vmul.f32 $2.550000000e+02, v30;
	[tilespmem:v4+s22+$0x0] =	vst.idx.add.s32.msk $0xffff, v2;
	v4 =	vadd.s32 v1, v54  }
0x54: {  	v53 =	vadd.s32 v1, v49;
	v58 =	vadd.f32 $8.388608000e+06, v55;
	[tilespmem:v7+s22+$0x0] =	vst.idx.add.s32.msk $0xffff, v2;
	v7 =	vmul.f32 $2.550000000e+02, v32  }
0x55: {  	v62 =	vadd.s32 v1, v61;
	v60 =	vadd.f32 $8.388608000e+06, v57;
	v63 =	vmul.f32 $2.550000000e+02, v33;
	[tilespmem:v6+s22+$0x0] =	vst.idx.add.s32.msk $0xffff, v2  }
0x56: {  	v6 =	vadd.s32 v1, v58;
	[tilespmem:v3+s22+$0x0] =	vst.idx.add.s32.msk $0xffff, v2;
	v3 =	vadd.f32 $8.388608000e+06, v7  }
0x57: {  	[tilespmem:v5+s22+$0x0] =	vst.idx.add.s32.msk $0xffff, v2;
	v5 =	vadd.s32 v1, v60;
	v7 =	vadd.f32 $8.388608000e+06, v63  }
0x58: {  	[tilespmem:v4+s22+$0x0] =	vst.idx.add.s32.msk $0xffff, v2;
	v4 =	vadd.s32 v1, v3  }
0x59: {  	[tilespmem:v53+s22+$0x0] =	vst.idx.add.s32.msk $0xffff, v2;
	v3 =	vadd.s32 v1, v7  }
0x5a: {  	[tilespmem:v62+s22+$0x0] =	vst.idx.add.s32.msk $0xffff, v2  }
0x5b: {  	[tilespmem:v6+s22+$0x0] =	vst.idx.add.s32.msk $0xffff, v2  }
0x5c: {  	s30 =	simm.s32 $0x0;
	s31 =	simm.s32 $0x80;
	s1 =	simm.s32 $0x200;
	[tilespmem:v5+s22+$0x0] =	vst.idx.add.s32.msk $0xffff, v2  }
.LBB2_5:
0x5d: {  	s0 =	sand.u32 $0x3000, s1;
	s4 =	sand.u32 $0x380, s31;
	s30 =	sadd.s32 $0x20, s30;
	[tilespmem:v4+s22+$0x0] =	vst.idx.add.s32.msk $0xffff, v2  }
0x5e: {  	s0 =	sor.u32 s4, s0;
	p0 =	slt.u32 s30, $0x3E0;
	[tilespmem:v3+s22+$0x0] =	vst.idx.add.s32.msk $0xffff, v2  }
0x5f: {  	v3 =	vld [tilespmem:s0+$0xC70]  }
0x60: {  	v4 =	vld [tilespmem:s0+$0x0]  }
0x61: {  	v5 =	vld [tilespmem:s0+$0x10]  }
0x62: {  	v6 =	vld [tilespmem:s0+$0x20]  }
0x63: {  	v7 =	vld [tilespmem:s0+$0x30]  }
0x64: {  	v8 =	vld [tilespmem:s0+$0x40];
	v3 =	vmul.f32 $2.550000000e+02, v3  }
0x65: {  	v4 =	vmul.f32 $2.550000000e+02, v4;
	v9 =	vld [tilespmem:s0+$0x50]  }
0x66: {  	v5 =	vmul.f32 $2.550000000e+02, v5;
	v10 =	vld [tilespmem:s0+$0x60];
	v3 =	vadd.f32 $8.388608000e+06, v3  }
0x67: {  	v4 =	vadd.f32 $8.388608000e+06, v4;
	v6 =	vmul.f32 $2.550000000e+02, v6;
	v11 =	vld [tilespmem:s0+$0x70]  }
0x68: {  	v5 =	vadd.f32 $8.388608000e+06, v5;
	v7 =	vmul.f32 $2.550000000e+02, v7;
	v12 =	vld [tilespmem:s0+$0x400];
	v3 =	vadd.s32 v1, v3  }
0x69: {  	v4 =	vadd.s32 v1, v4;
	v6 =	vadd.f32 $8.388608000e+06, v6;
	v8 =	vmul.f32 $2.550000000e+02, v8;
	v13 =	vld [tilespmem:s0+$0x410]  }
0x6a: {  	v5 =	vadd.s32 v1, v5;
	v7 =	vadd.f32 $8.388608000e+06, v7;
	v9 =	vmul.f32 $2.550000000e+02, v9;
	v14 =	vld [tilespmem:s0+$0x420]  }
0x6b: {  	v6 =	vadd.s32 v1, v6;
	v8 =	vadd.f32 $8.388608000e+06, v8;
	v10 =	vmul.f32 $2.550000000e+02, v10;
	v15 =	vld [tilespmem:s0+$0x430]  }
0x6c: {  	v7 =	vadd.s32 v1, v7;
	v9 =	vadd.f32 $8.388608000e+06, v9;
	v11 =	vmul.f32 $2.550000000e+02, v11;
	v16 =	vld [tilespmem:s0+$0x440]  }
0x6d: {  	v8 =	vadd.s32 v1, v8;
	v10 =	vadd.f32 $8.388608000e+06, v10;
	v12 =	vmul.f32 $2.550000000e+02, v12;
	[tilespmem:v3+s22+$0x0] =	vst.idx.add.s32.msk $0xffff, v2  }
0x6e: {  	v3 =	vadd.s32 v1, v9;
	v9 =	vadd.f32 $8.388608000e+06, v11;
	v11 =	vmul.f32 $2.550000000e+02, v13;
	v13 =	vld [tilespmem:s0+$0x450]  }
0x6f: {  	v10 =	vadd.s32 v1, v10;
	v12 =	vadd.f32 $8.388608000e+06, v12;
	v14 =	vmul.f32 $2.550000000e+02, v14;
	v17 =	vld [tilespmem:s0+$0x460]  }
0x70: {  	v9 =	vadd.s32 v1, v9;
	v11 =	vadd.f32 $8.388608000e+06, v11;
	v15 =	vmul.f32 $2.550000000e+02, v15;
	v18 =	vld [tilespmem:s0+$0x470]  }
0x71: {  	v12 =	vadd.s32 v1, v12;
	v14 =	vadd.f32 $8.388608000e+06, v14;
	v16 =	vmul.f32 $2.550000000e+02, v16;
	v19 =	vld [tilespmem:s0+$0x800]  }
0x72: {  	v11 =	vadd.s32 v1, v11;
	v15 =	vadd.f32 $8.388608000e+06, v15;
	v20 =	vld [tilespmem:s0+$0x810]  }
0x73: {  	v14 =	vadd.s32 v1, v14;
	v16 =	vadd.f32 $8.388608000e+06, v16;
	v13 =	vmul.f32 $2.550000000e+02, v13;
	v21 =	vld [tilespmem:s0+$0x820]  }
0x74: {  	v15 =	vadd.s32 v1, v15;
	v17 =	vmul.f32 $2.550000000e+02, v17;
	v22 =	vld [tilespmem:s0+$0x830]  }
0x75: {  	v16 =	vadd.s32 v1, v16;
	v13 =	vadd.f32 $8.388608000e+06, v13;
	v18 =	vmul.f32 $2.550000000e+02, v18;
	v23 =	vld [tilespmem:s0+$0x840]  }
0x76: {  	v17 =	vadd.f32 $8.388608000e+06, v17;
	v19 =	vmul.f32 $2.550000000e+02, v19;
	v24 =	vld [tilespmem:s0+$0x850]  }
0x77: {  	v13 =	vadd.s32 v1, v13;
	v18 =	vadd.f32 $8.388608000e+06, v18;
	v20 =	vmul.f32 $2.550000000e+02, v20;
	v25 =	vld [tilespmem:s0+$0x860]  }
0x78: {  	v17 =	vadd.s32 v1, v17;
	v19 =	vadd.f32 $8.388608000e+06, v19;
	v21 =	vmul.f32 $2.550000000e+02, v21;
	v26 =	vld [tilespmem:s0+$0x870]  }
0x79: {  	v18 =	vadd.s32 v1, v18;
	v20 =	vadd.f32 $8.388608000e+06, v20;
	v22 =	vmul.f32 $2.550000000e+02, v22;
	v27 =	vld [tilespmem:s0+$0xC00]  }
0x7a: {  	v19 =	vadd.s32 v1, v19;
	v21 =	vadd.f32 $8.388608000e+06, v21;
	v23 =	vmul.f32 $2.550000000e+02, v23;
	v28 =	vld [tilespmem:s0+$0xC10]  }
0x7b: {  	v20 =	vadd.s32 v1, v20;
	v22 =	vadd.f32 $8.388608000e+06, v22;
	v24 =	vmul.f32 $2.550000000e+02, v24;
	v29 =	vld [tilespmem:s0+$0xC20]  }
0x7c: {  	v21 =	vadd.s32 v1, v21;
	v23 =	vadd.f32 $8.388608000e+06, v23;
	v25 =	vmul.f32 $2.550000000e+02, v25;
	v30 =	vld [tilespmem:s0+$0xC30]  }
0x7d: {  	v22 =	vadd.s32 v1, v22;
	v24 =	vadd.f32 $8.388608000e+06, v24;
	v26 =	vmul.f32 $2.550000000e+02, v26;
	v31 =	vld [tilespmem:s0+$0xC40]  }
0x7e: {  	v23 =	vadd.s32 v1, v23;
	v25 =	vadd.f32 $8.388608000e+06, v25;
	v27 =	vmul.f32 $2.550000000e+02, v27;
	v32 =	vld [tilespmem:s0+$0xC50]  }
0x7f: {  	v24 =	vadd.s32 v1, v24;
	v26 =	vadd.f32 $8.388608000e+06, v26;
	v28 =	vmul.f32 $2.550000000e+02, v28;
	v33 =	vld [tilespmem:s0+$0xC60]  }
0x80: {  	[tilespmem:v4+s22+$0x0] =	vst.idx.add.s32.msk $0xffff, v2;
	v25 =	vadd.s32 v1, v25;
	v4 =	vadd.f32 $8.388608000e+06, v27;
	v27 =	vmul.f32 $2.550000000e+02, v29  }
0x81: {  	[tilespmem:v5+s22+$0x0] =	vst.idx.add.s32.msk $0xffff, v2;
	v5 =	vadd.s32 v1, v26;
	v26 =	vadd.f32 $8.388608000e+06, v28;
	v28 =	vmul.f32 $2.550000000e+02, v30  }
0x82: {  	[tilespmem:v6+s22+$0x0] =	vst.idx.add.s32.msk $0xffff, v2;
	v6 =	vadd.s32 v1, v4;
	v4 =	vadd.f32 $8.388608000e+06, v27;
	v27 =	vmul.f32 $2.550000000e+02, v31  }
0x83: {  	[tilespmem:v7+s22+$0x0] =	vst.idx.add.s32.msk $0xffff, v2;
	v7 =	vadd.s32 v1, v26;
	v26 =	vadd.f32 $8.388608000e+06, v28;
	v28 =	vmul.f32 $2.550000000e+02, v32  }
0x84: {  	[tilespmem:v8+s22+$0x0] =	vst.idx.add.s32.msk $0xffff, v2;
	v8 =	vadd.s32 v1, v4;
	v4 =	vadd.f32 $8.388608000e+06, v27;
	v27 =	vmul.f32 $2.550000000e+02, v33  }
0x85: {  	[tilespmem:v3+s22+$0x0] =	vst.idx.add.s32.msk $0xffff, v2;
	v26 =	vadd.s32 v1, v26;
	v3 =	vadd.f32 $8.388608000e+06, v28  }
0x86: {  	[tilespmem:v10+s22+$0x0] =	vst.idx.add.s32.msk $0xffff, v2;
	v10 =	vadd.s32 v1, v4;
	v27 =	vadd.f32 $8.388608000e+06, v27  }
0x87: {  	[tilespmem:v9+s22+$0x0] =	vst.idx.add.s32.msk $0xffff, v2;
	v4 =	vadd.s32 v1, v3  }
0x88: {  	[tilespmem:v12+s22+$0x0] =	vst.idx.add.s32.msk $0xffff, v2;
	v3 =	vadd.s32 v1, v27  }
0x89: {  	[tilespmem:v11+s22+$0x0] =	vst.idx.add.s32.msk $0xffff, v2  }
0x8a: {  	[tilespmem:v14+s22+$0x0] =	vst.idx.add.s32.msk $0xffff, v2  }
0x8b: {  	[tilespmem:v15+s22+$0x0] =	vst.idx.add.s32.msk $0xffff, v2  }
0x8c: {  	[tilespmem:v16+s22+$0x0] =	vst.idx.add.s32.msk $0xffff, v2  }
0x8d: {  	[tilespmem:v13+s22+$0x0] =	vst.idx.add.s32.msk $0xffff, v2  }
0x8e: {  	[tilespmem:v17+s22+$0x0] =	vst.idx.add.s32.msk $0xffff, v2  }
0x8f: {  	[tilespmem:v18+s22+$0x0] =	vst.idx.add.s32.msk $0xffff, v2  }
0x90: {  	[tilespmem:v19+s22+$0x0] =	vst.idx.add.s32.msk $0xffff, v2  }
0x91: {  	[tilespmem:v20+s22+$0x0] =	vst.idx.add.s32.msk $0xffff, v2  }
0x92: {  	[tilespmem:v21+s22+$0x0] =	vst.idx.add.s32.msk $0xffff, v2  }
0x93: {  	[tilespmem:v22+s22+$0x0] =	vst.idx.add.s32.msk $0xffff, v2  }
0x94: {  	[tilespmem:v23+s22+$0x0] =	vst.idx.add.s32.msk $0xffff, v2  }
0x95: {  	[tilespmem:v24+s22+$0x0] =	vst.idx.add.s32.msk $0xffff, v2  }
0x96: {  	[tilespmem:v25+s22+$0x0] =	vst.idx.add.s32.msk $0xffff, v2  }
0x97: {  	[tilespmem:v5+s22+$0x0] =	vst.idx.add.s32.msk $0xffff, v2  }
.Ltmp1:
0x98: {  	[tilespmem:v6+s22+$0x0] =	vst.idx.add.s32.msk $0xffff, v2;
	(pc) =	sbr.rel @p0 .LBB2_5-.Ltmp1, $4  }
0x99: {  	[tilespmem:v7+s22+$0x0] =	vst.idx.add.s32.msk $0xffff, v2  }
0x9a: {  	[tilespmem:v8+s22+$0x0] =	vst.idx.add.s32.msk $0xffff, v2  }
0x9b: {  	[tilespmem:v26+s22+$0x0] =	vst.idx.add.s32.msk $0xffff, v2  }
0x9c: {  	s31 =	sadd.s32 $0x80, s31;
	s1 =	sadd.s32 $0x200, s1;
	[tilespmem:v10+s22+$0x0] =	vst.idx.add.s32.msk $0xffff, v2  }
0x9d: {  	_ = 	snop  }
0x9e: {  	p0 =	seq.s32 s29, $0x7  }
0x9f: {  	s0 =	sshll.u32 @!p0 s29, $0xF  }
0xa0: {  	s0 =	sadd.s32 @!p0 s0, s6  }
0xa1: {  	[tilespmem:v4+s22+$0x0] =	vst.idx.add.s32.msk $0xffff, v2;
	s0 =	sshrl.u32 @!p0 s0, $0x3  }
0xa2: {  	[tilespmem:v3+s22+$0x0] =	vst.idx.add.s32.msk $0xffff, v2;
	s1 =	simm.s32 @!p0 $0x0;
	s0 =	sadd.s32 @!p0 s2, s0  }
0xa3: {  	[tilespmem:s1], [sflag:$0x1] =	stream.linear.gather @!p0 [hbm4b:s0+s1], $0x4000, $0x38;
	[tilespmem:$0x9180] =	vst v63  }
0xa4: {  	s1 =	simm.s32 $0x0;
	_ =	swait.ge [sflag:s23], $0x4000  }
0xa5: {  	s4 =	sand.u32 $0x3000, s1;
	s0 =	sand.u32 $0x380, s1;
	[sflag:s23] =	ssyncset.done $0x0  }
0xa6: {  	s0 =	sor.u32 s0, s4;
	[sflag:s23] =	ssyncadd.s32 $0xFFFFC000  }
0xa7: {  	v3 =	vld [tilespmem:s0+$0x4C70]  }
0xa8: {  	v4 =	vld [tilespmem:s0+$0x4000]  }
0xa9: {  	v5 =	vld [tilespmem:s0+$0x4010]  }
0xaa: {  	v6 =	vld [tilespmem:s0+$0x4020]  }
0xab: {  	v7 =	vld [tilespmem:s0+$0x4030]  }
0xac: {  	v8 =	vld [tilespmem:s0+$0x4040]  }
0xad: {  	v9 =	vld [tilespmem:s0+$0x4050]  }
0xae: {  	v10 =	vld [tilespmem:s0+$0x4060]  }
0xaf: {  	v11 =	vld [tilespmem:s0+$0x4070]  }
0xb0: {  	v12 =	vld [tilespmem:s0+$0x4400]  }
0xb1: {  	v13 =	vld [tilespmem:s0+$0x4410]  }
0xb2: {  	v14 =	vld [tilespmem:s0+$0x4420]  }
0xb3: {  	v15 =	vld [tilespmem:s0+$0x4430]  }
0xb4: {  	v16 =	vld [tilespmem:s0+$0x4440]  }
0xb5: {  	v17 =	vld [tilespmem:s0+$0x4460]  }
0xb6: {  	v18 =	vld [tilespmem:s0+$0x4470]  }
0xb7: {  	v19 =	vld [tilespmem:s0+$0x4800]  }
0xb8: {  	v20 =	vld [tilespmem:s0+$0x4810]  }
0xb9: {  	v21 =	vld [tilespmem:s0+$0x4820]  }
0xba: {  	v22 =	vld [tilespmem:s0+$0x4830]  }
0xbb: {  	v23 =	vld [tilespmem:s0+$0x4840]  }
0xbc: {  	v24 =	vld [tilespmem:s0+$0x4850];
	v3 =	vmul.f32 $2.550000000e+02, v3  }
0xbd: {  	v25 =	vld [tilespmem:s0+$0x4860]  }
0xbe: {  	v26 =	vld [tilespmem:s0+$0x4870];
	v3 =	vadd.f32 $8.388608000e+06, v3  }
0xbf: {  	v27 =	vld [tilespmem:s0+$0x4C00];
	v4 =	vmul.f32 $2.550000000e+02, v4  }
0xc0: {  	v28 =	vld [tilespmem:s0+$0x4C10];
	v5 =	vmul.f32 $2.550000000e+02, v5;
	v3 =	vadd.s32 v1, v3  }
0xc1: {  	v29 =	vld [tilespmem:s0+$0x4C20];
	v6 =	vmul.f32 $2.550000000e+02, v6;
	v7 =	vmul.f32 $2.550000000e+02, v7;
	v4 =	vadd.f32 $8.388608000e+06, v4  }
0xc2: {  	v30 =	vld [tilespmem:s0+$0x4C30];
	v8 =	vmul.f32 $2.550000000e+02, v8;
	v9 =	vmul.f32 $2.550000000e+02, v9;
	v5 =	vadd.f32 $8.388608000e+06, v5  }
0xc3: {  	v31 =	vld [tilespmem:s0+$0x4C40];
	v10 =	vmul.f32 $2.550000000e+02, v10;
	v6 =	vadd.f32 $8.388608000e+06, v6;
	v4 =	vadd.s32 v1, v4  }
0xc4: {  	v32 =	vld [tilespmem:s0+$0x4C50];
	v11 =	vmul.f32 $2.550000000e+02, v11;
	v7 =	vadd.f32 $8.388608000e+06, v7;
	v5 =	vadd.s32 v1, v5  }
0xc5: {  	v56 =	vmul.f32 $2.550000000e+02, v14;
	v8 =	vadd.f32 $8.388608000e+06, v8;
	v6 =	vadd.s32 v1, v6;
	[tilespmem:v3+s22+$0x0] =	vst.idx.add.s32.msk $0xffff, v2  }
0xc6: {  	v58 =	vmul.f32 $2.550000000e+02, v15;
	v9 =	vadd.f32 $8.388608000e+06, v9;
	v7 =	vadd.s32 v1, v7;
	v3 =	vld [tilespmem:s0+$0x4450]  }
0xc7: {  	v33 =	vld [tilespmem:s0+$0x4C60];
	v13 =	vmul.f32 $2.550000000e+02, v13;
	v59 =	vadd.f32 $8.388608000e+06, v56;
	v8 =	vadd.s32 v1, v8  }
0xc8: {  	v12 =	vmul.f32 $2.550000000e+02, v12;
	v61 =	vadd.f32 $8.388608000e+06, v58;
	v9 =	vadd.s32 v1, v9;
	[tilespmem:v4+s22+$0x0] =	vst.idx.add.s32.msk $0xffff, v2  }
0xc9: {  	v60 =	vmul.f32 $2.550000000e+02, v16;
	v57 =	vadd.f32 $8.388608000e+06, v13;
	v62 =	vadd.s32 v1, v59;
	[tilespmem:v5+s22+$0x0] =	vst.idx.add.s32.msk $0xffff, v2  }
0xca: {  	v16 =	vmul.f32 $2.550000000e+02, v17;
	v10 =	vadd.f32 $8.388608000e+06, v10;
	v17 =	vadd.s32 v1, v61;
	[tilespmem:v6+s22+$0x0] =	vst.idx.add.s32.msk $0xffff, v2  }
0xcb: {  	v11 =	vadd.f32 $8.388608000e+06, v11;
	[tilespmem:v7+s22+$0x0] =	vst.idx.add.s32.msk $0xffff, v2;
	v7 =	vadd.s32 v1, v57;
	v3 =	vmul.f32 $2.550000000e+02, v3  }
0xcc: {  	v35 =	vmul.f32 $2.550000000e+02, v19;
	v55 =	vadd.f32 $8.388608000e+06, v12;
	v4 =	vadd.s32 v1, v10;
	[tilespmem:v8+s22+$0x0] =	vst.idx.add.s32.msk $0xffff, v2  }
0xcd: {  	v5 =	vadd.s32 v1, v11;
	[tilespmem:v9+s22+$0x0] =	vst.idx.add.s32.msk $0xffff, v2;
	v3 =	vadd.f32 $8.388608000e+06, v3  }
0xce: {  	v36 =	vmul.f32 $2.550000000e+02, v20;
	v37 =	vadd.f32 $8.388608000e+06, v35;
	v6 =	vadd.s32 v1, v55;
	[tilespmem:v62+s22+$0x0] =	vst.idx.add.s32.msk $0xffff, v2  }
0xcf: {  	v63 =	vadd.f32 $8.388608000e+06, v60;
	[tilespmem:v17+s22+$0x0] =	vst.idx.add.s32.msk $0xffff, v2;
	v3 =	vadd.s32 v1, v3  }
0xd0: {  	v39 =	vmul.f32 $2.550000000e+02, v22;
	v40 =	vadd.s32 v1, v37;
	[tilespmem:v7+s22+$0x0] =	vst.idx.add.s32.msk $0xffff, v2;
	v7 =	vadd.f32 $8.388608000e+06, v36  }
0xd1: {  	v18 =	vmul.f32 $2.550000000e+02, v18;
	v34 =	vadd.f32 $8.388608000e+06, v16;
	[tilespmem:v4+s22+$0x0] =	vst.idx.add.s32.msk $0xffff, v2;
	v4 =	vadd.s32 v1, v63  }
0xd2: {  	v38 =	vmul.f32 $2.550000000e+02, v21;
	v43 =	vadd.f32 $8.388608000e+06, v39;
	[tilespmem:v5+s22+$0x0] =	vst.idx.add.s32.msk $0xffff, v2;
	v7 =	vadd.s32 v1, v7  }
0xd3: {  	v48 =	vmul.f32 $2.550000000e+02, v26;
	v5 =	vadd.f32 $8.388608000e+06, v18;
	[tilespmem:v6+s22+$0x0] =	vst.idx.add.s32.msk $0xffff, v2;
	v6 =	vadd.s32 v1, v34  }
0xd4: {  	v42 =	vmul.f32 $2.550000000e+02, v23;
	v41 =	vadd.f32 $8.388608000e+06, v38;
	[tilespmem:v3+s22+$0x0] =	vst.idx.add.s32.msk $0xffff, v2;
	v3 =	vadd.s32 v1, v43  }
0xd5: {  	v52 =	vmul.f32 $2.550000000e+02, v28;
	v51 =	vadd.f32 $8.388608000e+06, v48;
	[tilespmem:v40+s22+$0x0] =	vst.idx.add.s32.msk $0xffff, v2;
	v5 =	vadd.s32 v1, v5  }
0xd6: {  	v44 =	vmul.f32 $2.550000000e+02, v24;
	v45 =	vadd.f32 $8.388608000e+06, v42;
	[tilespmem:v4+s22+$0x0] =	vst.idx.add.s32.msk $0xffff, v2;
	v4 =	vadd.s32 v1, v41  }
0xd7: {  	v50 =	vmul.f32 $2.550000000e+02, v27;
	v56 =	vadd.f32 $8.388608000e+06, v52;
	[tilespmem:v7+s22+$0x0] =	vst.idx.add.s32.msk $0xffff, v2;
	v7 =	vadd.s32 v1, v51  }
0xd8: {  	v46 =	vmul.f32 $2.550000000e+02, v25;
	v47 =	vadd.f32 $8.388608000e+06, v44;
	[tilespmem:v6+s22+$0x0] =	vst.idx.add.s32.msk $0xffff, v2;
	v6 =	vadd.s32 v1, v45  }
0xd9: {  	v54 =	vadd.f32 $8.388608000e+06, v50;
	v59 =	vmul.f32 $2.550000000e+02, v31;
	[tilespmem:v3+s22+$0x0] =	vst.idx.add.s32.msk $0xffff, v2;
	v3 =	vadd.s32 v1, v56  }
0xda: {  	v49 =	vadd.f32 $8.388608000e+06, v46;
	v55 =	vmul.f32 $2.550000000e+02, v29;
	[tilespmem:v5+s22+$0x0] =	vst.idx.add.s32.msk $0xffff, v2;
	v5 =	vadd.s32 v1, v47  }
0xdb: {  	v61 =	vadd.f32 $8.388608000e+06, v59;
	v57 =	vmul.f32 $2.550000000e+02, v30;
	[tilespmem:v4+s22+$0x0] =	vst.idx.add.s32.msk $0xffff, v2;
	v4 =	vadd.s32 v1, v54  }
0xdc: {  	v53 =	vadd.s32 v1, v49;
	v58 =	vadd.f32 $8.388608000e+06, v55;
	[tilespmem:v7+s22+$0x0] =	vst.idx.add.s32.msk $0xffff, v2;
	v7 =	vmul.f32 $2.550000000e+02, v32  }
0xdd: {  	v62 =	vadd.s32 v1, v61;
	v60 =	vadd.f32 $8.388608000e+06, v57;
	v63 =	vmul.f32 $2.550000000e+02, v33;
	[tilespmem:v6+s22+$0x0] =	vst.idx.add.s32.msk $0xffff, v2  }
0xde: {  	v6 =	vadd.s32 v1, v58;
	[tilespmem:v3+s22+$0x0] =	vst.idx.add.s32.msk $0xffff, v2;
	v3 =	vadd.f32 $8.388608000e+06, v7  }
0xdf: {  	[tilespmem:v5+s22+$0x0] =	vst.idx.add.s32.msk $0xffff, v2;
	v5 =	vadd.s32 v1, v60;
	v7 =	vadd.f32 $8.388608000e+06, v63  }
0xe0: {  	[tilespmem:v4+s22+$0x0] =	vst.idx.add.s32.msk $0xffff, v2;
	v4 =	vadd.s32 v1, v3  }
0xe1: {  	[tilespmem:v53+s22+$0x0] =	vst.idx.add.s32.msk $0xffff, v2;
	v3 =	vadd.s32 v1, v7  }
0xe2: {  	[tilespmem:v62+s22+$0x0] =	vst.idx.add.s32.msk $0xffff, v2  }
0xe3: {  	[tilespmem:v6+s22+$0x0] =	vst.idx.add.s32.msk $0xffff, v2  }
0xe4: {  	s30 =	simm.s32 $0x0;
	s31 =	simm.s32 $0x80;
	s1 =	simm.s32 $0x200;
	[tilespmem:v5+s22+$0x0] =	vst.idx.add.s32.msk $0xffff, v2  }
.LBB2_7:
0xe5: {  	s0 =	sand.u32 $0x3000, s1;
	s4 =	sand.u32 $0x380, s31;
	s30 =	sadd.s32 $0x20, s30;
	[tilespmem:v4+s22+$0x0] =	vst.idx.add.s32.msk $0xffff, v2  }
0xe6: {  	s0 =	sor.u32 s4, s0;
	p1 =	slt.u32 s30, $0x3E0;
	[tilespmem:v3+s22+$0x0] =	vst.idx.add.s32.msk $0xffff, v2  }
0xe7: {  	v3 =	vld [tilespmem:s0+$0x4C70]  }
0xe8: {  	v4 =	vld [tilespmem:s0+$0x4000]  }
0xe9: {  	v5 =	vld [tilespmem:s0+$0x4010]  }
0xea: {  	v6 =	vld [tilespmem:s0+$0x4020]  }
0xeb: {  	v7 =	vld [tilespmem:s0+$0x4030]  }
0xec: {  	v8 =	vld [tilespmem:s0+$0x4040];
	v3 =	vmul.f32 $2.550000000e+02, v3  }
0xed: {  	v4 =	vmul.f32 $2.550000000e+02, v4;
	v9 =	vld [tilespmem:s0+$0x4050]  }
0xee: {  	v5 =	vmul.f32 $2.550000000e+02, v5;
	v10 =	vld [tilespmem:s0+$0x4060];
	v3 =	vadd.f32 $8.388608000e+06, v3  }
0xef: {  	v4 =	vadd.f32 $8.388608000e+06, v4;
	v6 =	vmul.f32 $2.550000000e+02, v6;
	v11 =	vld [tilespmem:s0+$0x4070]  }
0xf0: {  	v5 =	vadd.f32 $8.388608000e+06, v5;
	v7 =	vmul.f32 $2.550000000e+02, v7;
	v12 =	vld [tilespmem:s0+$0x4400];
	v3 =	vadd.s32 v1, v3  }
0xf1: {  	v4 =	vadd.s32 v1, v4;
	v6 =	vadd.f32 $8.388608000e+06, v6;
	v8 =	vmul.f32 $2.550000000e+02, v8;
	v13 =	vld [tilespmem:s0+$0x4410]  }
0xf2: {  	v5 =	vadd.s32 v1, v5;
	v7 =	vadd.f32 $8.388608000e+06, v7;
	v9 =	vmul.f32 $2.550000000e+02, v9;
	v14 =	vld [tilespmem:s0+$0x4420]  }
0xf3: {  	v6 =	vadd.s32 v1, v6;
	v8 =	vadd.f32 $8.388608000e+06, v8;
	v10 =	vmul.f32 $2.550000000e+02, v10;
	v15 =	vld [tilespmem:s0+$0x4430]  }
0xf4: {  	v7 =	vadd.s32 v1, v7;
	v9 =	vadd.f32 $8.388608000e+06, v9;
	v11 =	vmul.f32 $2.550000000e+02, v11;
	v16 =	vld [tilespmem:s0+$0x4440]  }
0xf5: {  	v8 =	vadd.s32 v1, v8;
	v10 =	vadd.f32 $8.388608000e+06, v10;
	v12 =	vmul.f32 $2.550000000e+02, v12;
	[tilespmem:v3+s22+$0x0] =	vst.idx.add.s32.msk $0xffff, v2  }
0xf6: {  	v3 =	vadd.s32 v1, v9;
	v9 =	vadd.f32 $8.388608000e+06, v11;
	v11 =	vmul.f32 $2.550000000e+02, v13;
	v13 =	vld [tilespmem:s0+$0x4450]  }
0xf7: {  	v10 =	vadd.s32 v1, v10;
	v12 =	vadd.f32 $8.388608000e+06, v12;
	v14 =	vmul.f32 $2.550000000e+02, v14;
	v17 =	vld [tilespmem:s0+$0x4460]  }
0xf8: {  	v9 =	vadd.s32 v1, v9;
	v11 =	vadd.f32 $8.388608000e+06, v11;
	v15 =	vmul.f32 $2.550000000e+02, v15;
	v18 =	vld [tilespmem:s0+$0x4470]  }
0xf9: {  	v12 =	vadd.s32 v1, v12;
	v14 =	vadd.f32 $8.388608000e+06, v14;
	v16 =	vmul.f32 $2.550000000e+02, v16;
	v19 =	vld [tilespmem:s0+$0x4800]  }
0xfa: {  	v11 =	vadd.s32 v1, v11;
	v15 =	vadd.f32 $8.388608000e+06, v15;
	v20 =	vld [tilespmem:s0+$0x4810]  }
0xfb: {  	v14 =	vadd.s32 v1, v14;
	v16 =	vadd.f32 $8.388608000e+06, v16;
	v13 =	vmul.f32 $2.550000000e+02, v13;
	v21 =	vld [tilespmem:s0+$0x4820]  }
0xfc: {  	v15 =	vadd.s32 v1, v15;
	v17 =	vmul.f32 $2.550000000e+02, v17;
	v22 =	vld [tilespmem:s0+$0x4830]  }
0xfd: {  	v16 =	vadd.s32 v1, v16;
	v13 =	vadd.f32 $8.388608000e+06, v13;
	v18 =	vmul.f32 $2.550000000e+02, v18;
	v23 =	vld [tilespmem:s0+$0x4840]  }
0xfe: {  	v17 =	vadd.f32 $8.388608000e+06, v17;
	v19 =	vmul.f32 $2.550000000e+02, v19;
	v24 =	vld [tilespmem:s0+$0x4850]  }
0xff: {  	v13 =	vadd.s32 v1, v13;
	v18 =	vadd.f32 $8.388608000e+06, v18;
	v20 =	vmul.f32 $2.550000000e+02, v20;
	v25 =	vld [tilespmem:s0+$0x4860]  }
0x100: {  	v17 =	vadd.s32 v1, v17;
	v19 =	vadd.f32 $8.388608000e+06, v19;
	v21 =	vmul.f32 $2.550000000e+02, v21;
	v26 =	vld [tilespmem:s0+$0x4870]  }
0x101: {  	v18 =	vadd.s32 v1, v18;
	v20 =	vadd.f32 $8.388608000e+06, v20;
	v22 =	vmul.f32 $2.550000000e+02, v22;
	v27 =	vld [tilespmem:s0+$0x4C00]  }
0x102: {  	v19 =	vadd.s32 v1, v19;
	v21 =	vadd.f32 $8.388608000e+06, v21;
	v23 =	vmul.f32 $2.550000000e+02, v23;
	v28 =	vld [tilespmem:s0+$0x4C10]  }
0x103: {  	v20 =	vadd.s32 v1, v20;
	v22 =	vadd.f32 $8.388608000e+06, v22;
	v24 =	vmul.f32 $2.550000000e+02, v24;
	v29 =	vld [tilespmem:s0+$0x4C20]  }
0x104: {  	v21 =	vadd.s32 v1, v21;
	v23 =	vadd.f32 $8.388608000e+06, v23;
	v25 =	vmul.f32 $2.550000000e+02, v25;
	v30 =	vld [tilespmem:s0+$0x4C30]  }
0x105: {  	v22 =	vadd.s32 v1, v22;
	v24 =	vadd.f32 $8.388608000e+06, v24;
	v26 =	vmul.f32 $2.550000000e+02, v26;
	v31 =	vld [tilespmem:s0+$0x4C40]  }
0x106: {  	v23 =	vadd.s32 v1, v23;
	v25 =	vadd.f32 $8.388608000e+06, v25;
	v27 =	vmul.f32 $2.550000000e+02, v27;
	v32 =	vld [tilespmem:s0+$0x4C50]  }
0x107: {  	v24 =	vadd.s32 v1, v24;
	v26 =	vadd.f32 $8.388608000e+06, v26;
	v28 =	vmul.f32 $2.550000000e+02, v28;
	v33 =	vld [tilespmem:s0+$0x4C60]  }
0x108: {  	[tilespmem:v4+s22+$0x0] =	vst.idx.add.s32.msk $0xffff, v2;
	v25 =	vadd.s32 v1, v25;
	v4 =	vadd.f32 $8.388608000e+06, v27;
	v27 =	vmul.f32 $2.550000000e+02, v29  }
0x109: {  	[tilespmem:v5+s22+$0x0] =	vst.idx.add.s32.msk $0xffff, v2;
	v5 =	vadd.s32 v1, v26;
	v26 =	vadd.f32 $8.388608000e+06, v28;
	v28 =	vmul.f32 $2.550000000e+02, v30  }
0x10a: {  	[tilespmem:v6+s22+$0x0] =	vst.idx.add.s32.msk $0xffff, v2;
	v6 =	vadd.s32 v1, v4;
	v4 =	vadd.f32 $8.388608000e+06, v27;
	v27 =	vmul.f32 $2.550000000e+02, v31  }
0x10b: {  	[tilespmem:v7+s22+$0x0] =	vst.idx.add.s32.msk $0xffff, v2;
	v7 =	vadd.s32 v1, v26;
	v26 =	vadd.f32 $8.388608000e+06, v28;
	v28 =	vmul.f32 $2.550000000e+02, v32  }
0x10c: {  	[tilespmem:v8+s22+$0x0] =	vst.idx.add.s32.msk $0xffff, v2;
	v8 =	vadd.s32 v1, v4;
	v4 =	vadd.f32 $8.388608000e+06, v27;
	v27 =	vmul.f32 $2.550000000e+02, v33  }
0x10d: {  	[tilespmem:v3+s22+$0x0] =	vst.idx.add.s32.msk $0xffff, v2;
	v26 =	vadd.s32 v1, v26;
	v3 =	vadd.f32 $8.388608000e+06, v28  }
0x10e: {  	[tilespmem:v10+s22+$0x0] =	vst.idx.add.s32.msk $0xffff, v2;
	v10 =	vadd.s32 v1, v4;
	v27 =	vadd.f32 $8.388608000e+06, v27  }
0x10f: {  	[tilespmem:v9+s22+$0x0] =	vst.idx.add.s32.msk $0xffff, v2;
	v4 =	vadd.s32 v1, v3  }
0x110: {  	[tilespmem:v12+s22+$0x0] =	vst.idx.add.s32.msk $0xffff, v2;
	v3 =	vadd.s32 v1, v27  }
0x111: {  	[tilespmem:v11+s22+$0x0] =	vst.idx.add.s32.msk $0xffff, v2  }
0x112: {  	[tilespmem:v14+s22+$0x0] =	vst.idx.add.s32.msk $0xffff, v2  }
0x113: {  	[tilespmem:v15+s22+$0x0] =	vst.idx.add.s32.msk $0xffff, v2  }
0x114: {  	[tilespmem:v16+s22+$0x0] =	vst.idx.add.s32.msk $0xffff, v2  }
0x115: {  	[tilespmem:v13+s22+$0x0] =	vst.idx.add.s32.msk $0xffff, v2  }
0x116: {  	[tilespmem:v17+s22+$0x0] =	vst.idx.add.s32.msk $0xffff, v2  }
0x117: {  	[tilespmem:v18+s22+$0x0] =	vst.idx.add.s32.msk $0xffff, v2  }
0x118: {  	[tilespmem:v19+s22+$0x0] =	vst.idx.add.s32.msk $0xffff, v2  }
0x119: {  	[tilespmem:v20+s22+$0x0] =	vst.idx.add.s32.msk $0xffff, v2  }
0x11a: {  	[tilespmem:v21+s22+$0x0] =	vst.idx.add.s32.msk $0xffff, v2  }
0x11b: {  	[tilespmem:v22+s22+$0x0] =	vst.idx.add.s32.msk $0xffff, v2  }
0x11c: {  	[tilespmem:v23+s22+$0x0] =	vst.idx.add.s32.msk $0xffff, v2  }
0x11d: {  	[tilespmem:v24+s22+$0x0] =	vst.idx.add.s32.msk $0xffff, v2  }
0x11e: {  	[tilespmem:v25+s22+$0x0] =	vst.idx.add.s32.msk $0xffff, v2  }
0x11f: {  	[tilespmem:v5+s22+$0x0] =	vst.idx.add.s32.msk $0xffff, v2  }
.Ltmp2:
0x120: {  	[tilespmem:v6+s22+$0x0] =	vst.idx.add.s32.msk $0xffff, v2;
	(pc) =	sbr.rel @p1 .LBB2_7-.Ltmp2, $4  }
0x121: {  	[tilespmem:v7+s22+$0x0] =	vst.idx.add.s32.msk $0xffff, v2  }
0x122: {  	[tilespmem:v8+s22+$0x0] =	vst.idx.add.s32.msk $0xffff, v2  }
0x123: {  	[tilespmem:v26+s22+$0x0] =	vst.idx.add.s32.msk $0xffff, v2  }
0x124: {  	s31 =	sadd.s32 $0x80, s31;
	s1 =	sadd.s32 $0x200, s1;
	[tilespmem:v10+s22+$0x0] =	vst.idx.add.s32.msk $0xffff, v2  }
0x125: {  	_ = 	snop  }
.Ltmp3:
0x126: {  	_ = 	snop;
	(pc) =	sbr.rel @p0 .LBB2_10-.Ltmp3, $3  }
0x127: {  	_ =	sdelay $0x1  }
0x128: {  	[tilespmem:v4+s22+$0x0] =	vst.idx.add.s32.msk $0xffff, v2  }
0x129: {  	[tilespmem:v3+s22+$0x0] =	vst.idx.add.s32.msk $0xffff, v2  }
.Ltmp4:
0x12a: {  	s0 =	sshll.u32 s29, $0xF;
	(pc) =	sbr.rel .LBB2_4-.Ltmp4, $4  }
0x12b: {  	s0 =	sadd.s32 s0, s7  }
0x12c: {  	s0 =	sshrl.u32 s0, $0x3  }
0x12d: {  	s29 =	sadd.s32 $0x1, s29;
	s0 =	sadd.s32 s2, s0  }
0x12e: {  	[tilespmem:s20], [sflag:$0x2] =	stream.linear.gather [hbm4b:s0+s3], $0x4000, $0x38;
	[tilespmem:$0x9180] =	vst v63  }
.LBB2_10:
0x12f: {  	s0 =	simm.s32 $0x0  }
0x130: {  	v3 =	vld [tilespmem:s0+$0x8000]  }
0x131: {  	v4 =	vld [tilespmem:s0+$0x8101]  }
0x132: {  	v5 =	vld [tilespmem:s0+$0x8202]  }
0x133: {  	v6 =	vld [tilespmem:s0+$0x8303]  }
0x134: {  	v7 =	vld [tilespmem:s0+$0x8404]  }
0x135: {  	v8 =	vld [tilespmem:s0+$0x8505]  }
0x136: {  	v3 =	vadd.s32 v3, v4;
	v4 =	vld [tilespmem:s0+$0x8606]  }
0x137: {  	v3 =	vadd.s32 v5, v3;
	v5 =	vld [tilespmem:s0+$0x8707]  }
0x138: {  	v3 =	vadd.s32 v6, v3;
	v6 =	vld [tilespmem:s0+$0x8808]  }
0x139: {  	v3 =	vadd.s32 v7, v3;
	v7 =	vld [tilespmem:s0+$0x8909]  }
0x13a: {  	v3 =	vadd.s32 v8, v3;
	v8 =	vld [tilespmem:s0+$0x8A0A]  }
0x13b: {  	v9 =	vld [tilespmem:s0+$0x8B0B];
	v3 =	vadd.s32 v4, v3  }
0x13c: {  	v4 =	vld [tilespmem:s0+$0x8C0C];
	v3 =	vadd.s32 v5, v3  }
0x13d: {  	v5 =	vld [tilespmem:s0+$0x8D0D];
	v3 =	vadd.s32 v6, v3  }
0x13e: {  	v6 =	vld [tilespmem:s0+$0x8E0E];
	v3 =	vadd.s32 v7, v3  }
0x13f: {  	s1 =	simm.s32 $0x10;
	v7 =	vld [tilespmem:s0+$0x8F0F];
	v8 =	vadd.s32 v8, v3  }
0x140: {  	s28 =	simm.s32 $0x80;
	v3 =	vld [tilespmem:s1+$0x8000];
	v8 =	vadd.s32 v9, v8  }
.LBB2_11:
0x141: {  	p0 =	sne.s32 s28, $0x3C0;
	v9 =	vld [tilespmem:s1+$0x8101];
	v4 =	vadd.s32 v4, v8  }
0x142: {  	v8 =	vld [tilespmem:s1+$0x8202];
	v4 =	vadd.s32 v5, v4  }
0x143: {  	v5 =	vld [tilespmem:s1+$0x8303];
	v4 =	vadd.s32 v6, v4  }
0x144: {  	v6 =	vld [tilespmem:s1+$0x8404];
	v4 =	vadd.s32 v7, v4  }
0x145: {  	v7 =	vld [tilespmem:s1+$0x8505];
	[tilespmem:s0+$0x9080] =	vst v4;
	s0 =	smov.u32 s1  }
0x146: {  	v3 =	vadd.s32 v3, v9;
	v4 =	vld [tilespmem:s0+$0x8606]  }
0x147: {  	v3 =	vadd.s32 v8, v3;
	v8 =	vld [tilespmem:s0+$0x8707]  }
0x148: {  	v3 =	vadd.s32 v5, v3;
	v5 =	vld [tilespmem:s0+$0x8808]  }
0x149: {  	v3 =	vadd.s32 v6, v3;
	v6 =	vld [tilespmem:s0+$0x8909]  }
0x14a: {  	v3 =	vadd.s32 v7, v3;
	v7 =	vld [tilespmem:s0+$0x8A0A]  }
0x14b: {  	v3 =	vadd.s32 v4, v3;
	v9 =	vld [tilespmem:s0+$0x8B0B]  }
.Ltmp5:
0x14c: {  	v3 =	vadd.s32 v8, v3;
	v4 =	vld [tilespmem:s0+$0x8C0C];
	(pc) =	sbr.rel @p0 .LBB2_11-.Ltmp5, $4  }
0x14d: {  	v3 =	vadd.s32 v5, v3;
	v5 =	vld [tilespmem:s0+$0x8D0D]  }
0x14e: {  	v3 =	vadd.s32 v6, v3;
	v6 =	vld [tilespmem:s0+$0x8E0E]  }
0x14f: {  	s1 =	sshra.s32 s28, $0x2;
	v8 =	vadd.s32 v7, v3;
	v7 =	vld [tilespmem:s0+$0x8F0F]  }
0x150: {  	s28 =	sadd.s32 $0x40, s28;
	v3 =	vld [tilespmem:s1+$0x8000];
	v8 =	vadd.s32 v9, v8  }
0x151: {  	v9 =	vld [tilespmem:s1+$0x8101];
	v4 =	vadd.s32 v4, v8  }
0x152: {  	v51 =	vld [tilespmem:s1+$0x8202];
	v4 =	vadd.s32 v5, v4  }
0x153: {  	v52 =	vld [tilespmem:s1+$0x8303];
	v4 =	vadd.s32 v6, v4  }
0x154: {  	v53 =	vld [tilespmem:s1+$0x8404];
	v4 =	vadd.s32 v7, v4  }
0x155: {  	v54 =	vld [tilespmem:s1+$0x8505];
	[tilespmem:s0+$0x9080] =	vst v4  }
0x156: {  	v3 =	vadd.s32 v3, v9;
	v4 =	vld [tilespmem:s1+$0x8606]  }
0x157: {  	v55 =	vld [tilespmem:s1+$0x8707];
	v3 =	vadd.s32 v51, v3  }
0x158: {  	v56 =	vld [tilespmem:s1+$0x8808];
	v3 =	vadd.s32 v52, v3  }
0x159: {  	v57 =	vld [tilespmem:s1+$0x8909];
	v3 =	vadd.s32 v53, v3  }
0x15a: {  	v58 =	vld [tilespmem:s1+$0x8A0A];
	v3 =	vadd.s32 v54, v3  }
0x15b: {  	v59 =	vld [tilespmem:s1+$0x8B0B];
	v3 =	vadd.s32 v4, v3  }
0x15c: {  	v60 =	vld [tilespmem:s1+$0x8C0C];
	v3 =	vadd.s32 v55, v3  }
0x15d: {  	v61 =	vld [tilespmem:s1+$0x8D0D];
	v3 =	vadd.s32 v56, v3  }
0x15e: {  	v62 =	vld [tilespmem:s1+$0x8E0E];
	v3 =	vadd.s32 v57, v3  }
0x15f: {  	v63 =	vld [tilespmem:s1+$0x8F0F];
	v3 =	vadd.s32 v58, v3  }
0x160: {  	v3 =	vadd.s32 v59, v3  }
0x161: {  	v3 =	vadd.s32 v60, v3  }
0x162: {  	v3 =	vadd.s32 v61, v3  }
0x163: {  	v3 =	vadd.s32 v62, v3  }
0x164: {  	v3 =	vadd.s32 v63, v3  }
0x165: {  	s28 =	simm.s32 $0x0;
	[tilespmem:s1+$0x9080] =	vst v3  }
0x166: {  	[hbm4b:s8+s28] =	stream.linear.scatter [tilespmem:s24], [sflag:$0x3], $0x100, $0x38;
	[tilespmem:$0x9180] =	vst v63  }
0x167: {  	_ =	swait.ge [sflag:s25], $0x100  }
0x168: {  	[sflag:s25] =	ssyncset.done $0x0  }
0x169: {  	[sflag:s25] =	ssyncadd.s32 $0xFFFFFF00  }
0x16a: {  	[tilespmem:s28], [sflag:$0x1] =	stream.linear.gather [hbm4b:s9+s28], $0x4000, $0x38;
	[tilespmem:$0x9180] =	vst v63  }
0x16b: {  	s0 =	simm.s32 $0x40;
	s1 =	simm.s32 $0x0  }
0x16c: {  	[tilespmem:s20], [sflag:$0x2] =	stream.linear.gather [hbm4b:s10+s28], $0x4000, $0x38;
	[tilespmem:$0x9180] =	vst v63  }
.LBB2_13:
0x16d: {  	p0 =	sne.s32 s0, $0x4000;
	[tilespmem:s1+$0x8000] =	vst v0;
	s1 =	smov.u32 s0;
	s0 =	sadd.s32 $0x40, s0  }
.Ltmp6:
0x16e: {  	(pc) =	sbr.rel @p0 .LBB2_13-.Ltmp6, $2  }
0x16f: {  	_ =	sdelay $0x2  }
0x170: {  	s1 =	sshra.s32 s1, $0x2  }
0x171: {  	[tilespmem:s1+$0x8000] =	vst v0  }
.LBB2_15:
0x172: {  	_ =	swait.ge [sflag:s21], $0x4000;
	s0 =	simm.s32 $0x0  }
0x173: {  	[sflag:s21] =	ssyncset.done $0x0;
	s1 =	sand.u32 $0x3000, s0;
	s0 =	sand.u32 $0x380, s0  }
0x174: {  	[sflag:s21] =	ssyncadd.s32 $0xFFFFC000;
	s0 =	sor.u32 s0, s1  }
0x175: {  	v3 =	vld [tilespmem:s0+$0xC70]  }
0x176: {  	v4 =	vld [tilespmem:s0+$0x0]  }
0x177: {  	v5 =	vld [tilespmem:s0+$0x10]  }
0x178: {  	v6 =	vld [tilespmem:s0+$0x20]  }
0x179: {  	v7 =	vld [tilespmem:s0+$0x30]  }
0x17a: {  	v8 =	vld [tilespmem:s0+$0x40]  }
0x17b: {  	v9 =	vld [tilespmem:s0+$0x50]  }
0x17c: {  	v10 =	vld [tilespmem:s0+$0x60]  }
0x17d: {  	v11 =	vld [tilespmem:s0+$0x70]  }
0x17e: {  	v12 =	vld [tilespmem:s0+$0x400]  }
0x17f: {  	v13 =	vld [tilespmem:s0+$0x410]  }
0x180: {  	v14 =	vld [tilespmem:s0+$0x420]  }
0x181: {  	v15 =	vld [tilespmem:s0+$0x430]  }
0x182: {  	v16 =	vld [tilespmem:s0+$0x440]  }
0x183: {  	v17 =	vld [tilespmem:s0+$0x460]  }
0x184: {  	v18 =	vld [tilespmem:s0+$0x470]  }
0x185: {  	v19 =	vld [tilespmem:s0+$0x800]  }
0x186: {  	v20 =	vld [tilespmem:s0+$0x810]  }
0x187: {  	v21 =	vld [tilespmem:s0+$0x820]  }
0x188: {  	v22 =	vld [tilespmem:s0+$0x830]  }
0x189: {  	v23 =	vld [tilespmem:s0+$0x840]  }
0x18a: {  	v24 =	vld [tilespmem:s0+$0x850];
	v3 =	vmul.f32 $2.550000000e+02, v3  }
0x18b: {  	v25 =	vld [tilespmem:s0+$0x860]  }
0x18c: {  	v26 =	vld [tilespmem:s0+$0x870];
	v3 =	vadd.f32 $8.388608000e+06, v3  }
0x18d: {  	v27 =	vld [tilespmem:s0+$0xC00];
	v4 =	vmul.f32 $2.550000000e+02, v4  }
0x18e: {  	v28 =	vld [tilespmem:s0+$0xC10];
	v5 =	vmul.f32 $2.550000000e+02, v5;
	v3 =	vadd.s32 v1, v3  }
0x18f: {  	v29 =	vld [tilespmem:s0+$0xC20];
	v6 =	vmul.f32 $2.550000000e+02, v6;
	v7 =	vmul.f32 $2.550000000e+02, v7;
	v4 =	vadd.f32 $8.388608000e+06, v4  }
0x190: {  	v30 =	vld [tilespmem:s0+$0xC30];
	v8 =	vmul.f32 $2.550000000e+02, v8;
	v9 =	vmul.f32 $2.550000000e+02, v9;
	v5 =	vadd.f32 $8.388608000e+06, v5  }
0x191: {  	v31 =	vld [tilespmem:s0+$0xC40];
	v10 =	vmul.f32 $2.550000000e+02, v10;
	v6 =	vadd.f32 $8.388608000e+06, v6;
	v4 =	vadd.s32 v1, v4  }
0x192: {  	v32 =	vld [tilespmem:s0+$0xC50];
	v11 =	vmul.f32 $2.550000000e+02, v11;
	v7 =	vadd.f32 $8.388608000e+06, v7;
	v5 =	vadd.s32 v1, v5  }
0x193: {  	v56 =	vmul.f32 $2.550000000e+02, v14;
	v8 =	vadd.f32 $8.388608000e+06, v8;
	v6 =	vadd.s32 v1, v6;
	[tilespmem:v3+s22+$0x0] =	vst.idx.add.s32.msk $0xffff, v2  }
0x194: {  	v58 =	vmul.f32 $2.550000000e+02, v15;
	v9 =	vadd.f32 $8.388608000e+06, v9;
	v7 =	vadd.s32 v1, v7;
	v3 =	vld [tilespmem:s0+$0x450]  }
0x195: {  	v33 =	vld [tilespmem:s0+$0xC60];
	v13 =	vmul.f32 $2.550000000e+02, v13;
	v59 =	vadd.f32 $8.388608000e+06, v56;
	v8 =	vadd.s32 v1, v8  }
0x196: {  	v12 =	vmul.f32 $2.550000000e+02, v12;
	v61 =	vadd.f32 $8.388608000e+06, v58;
	v9 =	vadd.s32 v1, v9;
	[tilespmem:v4+s22+$0x0] =	vst.idx.add.s32.msk $0xffff, v2  }
0x197: {  	v60 =	vmul.f32 $2.550000000e+02, v16;
	v57 =	vadd.f32 $8.388608000e+06, v13;
	v62 =	vadd.s32 v1, v59;
	[tilespmem:v5+s22+$0x0] =	vst.idx.add.s32.msk $0xffff, v2  }
0x198: {  	v16 =	vmul.f32 $2.550000000e+02, v17;
	v10 =	vadd.f32 $8.388608000e+06, v10;
	v17 =	vadd.s32 v1, v61;
	[tilespmem:v6+s22+$0x0] =	vst.idx.add.s32.msk $0xffff, v2  }
0x199: {  	v11 =	vadd.f32 $8.388608000e+06, v11;
	[tilespmem:v7+s22+$0x0] =	vst.idx.add.s32.msk $0xffff, v2;
	v7 =	vadd.s32 v1, v57;
	v3 =	vmul.f32 $2.550000000e+02, v3  }
0x19a: {  	v35 =	vmul.f32 $2.550000000e+02, v19;
	v55 =	vadd.f32 $8.388608000e+06, v12;
	v4 =	vadd.s32 v1, v10;
	[tilespmem:v8+s22+$0x0] =	vst.idx.add.s32.msk $0xffff, v2  }
0x19b: {  	v5 =	vadd.s32 v1, v11;
	[tilespmem:v9+s22+$0x0] =	vst.idx.add.s32.msk $0xffff, v2;
	v3 =	vadd.f32 $8.388608000e+06, v3  }
0x19c: {  	v36 =	vmul.f32 $2.550000000e+02, v20;
	v37 =	vadd.f32 $8.388608000e+06, v35;
	v6 =	vadd.s32 v1, v55;
	[tilespmem:v62+s22+$0x0] =	vst.idx.add.s32.msk $0xffff, v2  }
0x19d: {  	v63 =	vadd.f32 $8.388608000e+06, v60;
	[tilespmem:v17+s22+$0x0] =	vst.idx.add.s32.msk $0xffff, v2;
	v3 =	vadd.s32 v1, v3  }
0x19e: {  	v39 =	vmul.f32 $2.550000000e+02, v22;
	v40 =	vadd.s32 v1, v37;
	[tilespmem:v7+s22+$0x0] =	vst.idx.add.s32.msk $0xffff, v2;
	v7 =	vadd.f32 $8.388608000e+06, v36  }
0x19f: {  	v18 =	vmul.f32 $2.550000000e+02, v18;
	v34 =	vadd.f32 $8.388608000e+06, v16;
	[tilespmem:v4+s22+$0x0] =	vst.idx.add.s32.msk $0xffff, v2;
	v4 =	vadd.s32 v1, v63  }
0x1a0: {  	v38 =	vmul.f32 $2.550000000e+02, v21;
	v43 =	vadd.f32 $8.388608000e+06, v39;
	[tilespmem:v5+s22+$0x0] =	vst.idx.add.s32.msk $0xffff, v2;
	v7 =	vadd.s32 v1, v7  }
0x1a1: {  	v48 =	vmul.f32 $2.550000000e+02, v26;
	v5 =	vadd.f32 $8.388608000e+06, v18;
	[tilespmem:v6+s22+$0x0] =	vst.idx.add.s32.msk $0xffff, v2;
	v6 =	vadd.s32 v1, v34  }
0x1a2: {  	v42 =	vmul.f32 $2.550000000e+02, v23;
	v41 =	vadd.f32 $8.388608000e+06, v38;
	[tilespmem:v3+s22+$0x0] =	vst.idx.add.s32.msk $0xffff, v2;
	v3 =	vadd.s32 v1, v43  }
0x1a3: {  	v52 =	vmul.f32 $2.550000000e+02, v28;
	v51 =	vadd.f32 $8.388608000e+06, v48;
	[tilespmem:v40+s22+$0x0] =	vst.idx.add.s32.msk $0xffff, v2;
	v5 =	vadd.s32 v1, v5  }
0x1a4: {  	v44 =	vmul.f32 $2.550000000e+02, v24;
	v45 =	vadd.f32 $8.388608000e+06, v42;
	[tilespmem:v4+s22+$0x0] =	vst.idx.add.s32.msk $0xffff, v2;
	v4 =	vadd.s32 v1, v41  }
0x1a5: {  	v50 =	vmul.f32 $2.550000000e+02, v27;
	v56 =	vadd.f32 $8.388608000e+06, v52;
	[tilespmem:v7+s22+$0x0] =	vst.idx.add.s32.msk $0xffff, v2;
	v7 =	vadd.s32 v1, v51  }
0x1a6: {  	v46 =	vmul.f32 $2.550000000e+02, v25;
	v47 =	vadd.f32 $8.388608000e+06, v44;
	[tilespmem:v6+s22+$0x0] =	vst.idx.add.s32.msk $0xffff, v2;
	v6 =	vadd.s32 v1, v45  }
0x1a7: {  	v54 =	vadd.f32 $8.388608000e+06, v50;
	v59 =	vmul.f32 $2.550000000e+02, v31;
	[tilespmem:v3+s22+$0x0] =	vst.idx.add.s32.msk $0xffff, v2;
	v3 =	vadd.s32 v1, v56  }
0x1a8: {  	v49 =	vadd.f32 $8.388608000e+06, v46;
	v55 =	vmul.f32 $2.550000000e+02, v29;
	[tilespmem:v5+s22+$0x0] =	vst.idx.add.s32.msk $0xffff, v2;
	v5 =	vadd.s32 v1, v47  }
0x1a9: {  	v61 =	vadd.f32 $8.388608000e+06, v59;
	v57 =	vmul.f32 $2.550000000e+02, v30;
	[tilespmem:v4+s22+$0x0] =	vst.idx.add.s32.msk $0xffff, v2;
	v4 =	vadd.s32 v1, v54  }
0x1aa: {  	v53 =	vadd.s32 v1, v49;
	v58 =	vadd.f32 $8.388608000e+06, v55;
	[tilespmem:v7+s22+$0x0] =	vst.idx.add.s32.msk $0xffff, v2;
	v7 =	vmul.f32 $2.550000000e+02, v32  }
0x1ab: {  	v62 =	vadd.s32 v1, v61;
	v60 =	vadd.f32 $8.388608000e+06, v57;
	v63 =	vmul.f32 $2.550000000e+02, v33;
	[tilespmem:v6+s22+$0x0] =	vst.idx.add.s32.msk $0xffff, v2  }
0x1ac: {  	v6 =	vadd.s32 v1, v58;
	[tilespmem:v3+s22+$0x0] =	vst.idx.add.s32.msk $0xffff, v2;
	v3 =	vadd.f32 $8.388608000e+06, v7  }
0x1ad: {  	[tilespmem:v5+s22+$0x0] =	vst.idx.add.s32.msk $0xffff, v2;
	v5 =	vadd.s32 v1, v60;
	v7 =	vadd.f32 $8.388608000e+06, v63  }
0x1ae: {  	[tilespmem:v4+s22+$0x0] =	vst.idx.add.s32.msk $0xffff, v2;
	v4 =	vadd.s32 v1, v3  }
0x1af: {  	[tilespmem:v53+s22+$0x0] =	vst.idx.add.s32.msk $0xffff, v2;
	v3 =	vadd.s32 v1, v7  }
0x1b0: {  	[tilespmem:v62+s22+$0x0] =	vst.idx.add.s32.msk $0xffff, v2  }
0x1b1: {  	[tilespmem:v6+s22+$0x0] =	vst.idx.add.s32.msk $0xffff, v2  }
0x1b2: {  	s29 =	simm.s32 $0x0;
	s30 =	simm.s32 $0x80;
	s1 =	simm.s32 $0x200;
	[tilespmem:v5+s22+$0x0] =	vst.idx.add.s32.msk $0xffff, v2  }
.LBB2_16:
0x1b3: {  	s0 =	sand.u32 $0x3000, s1;
	s4 =	sand.u32 $0x380, s30;
	s29 =	sadd.s32 $0x20, s29;
	[tilespmem:v4+s22+$0x0] =	vst.idx.add.s32.msk $0xffff, v2  }
0x1b4: {  	s0 =	sor.u32 s4, s0;
	p0 =	slt.u32 s29, $0x3E0;
	[tilespmem:v3+s22+$0x0] =	vst.idx.add.s32.msk $0xffff, v2  }
0x1b5: {  	v3 =	vld [tilespmem:s0+$0xC70]  }
0x1b6: {  	v4 =	vld [tilespmem:s0+$0x0]  }
0x1b7: {  	v5 =	vld [tilespmem:s0+$0x10]  }
0x1b8: {  	v6 =	vld [tilespmem:s0+$0x20]  }
0x1b9: {  	v7 =	vld [tilespmem:s0+$0x30]  }
0x1ba: {  	v8 =	vld [tilespmem:s0+$0x40];
	v3 =	vmul.f32 $2.550000000e+02, v3  }
0x1bb: {  	v4 =	vmul.f32 $2.550000000e+02, v4;
	v9 =	vld [tilespmem:s0+$0x50]  }
0x1bc: {  	v5 =	vmul.f32 $2.550000000e+02, v5;
	v10 =	vld [tilespmem:s0+$0x60];
	v3 =	vadd.f32 $8.388608000e+06, v3  }
0x1bd: {  	v4 =	vadd.f32 $8.388608000e+06, v4;
	v6 =	vmul.f32 $2.550000000e+02, v6;
	v11 =	vld [tilespmem:s0+$0x70]  }
0x1be: {  	v5 =	vadd.f32 $8.388608000e+06, v5;
	v7 =	vmul.f32 $2.550000000e+02, v7;
	v12 =	vld [tilespmem:s0+$0x400];
	v3 =	vadd.s32 v1, v3  }
0x1bf: {  	v4 =	vadd.s32 v1, v4;
	v6 =	vadd.f32 $8.388608000e+06, v6;
	v8 =	vmul.f32 $2.550000000e+02, v8;
	v13 =	vld [tilespmem:s0+$0x410]  }
0x1c0: {  	v5 =	vadd.s32 v1, v5;
	v7 =	vadd.f32 $8.388608000e+06, v7;
	v9 =	vmul.f32 $2.550000000e+02, v9;
	v14 =	vld [tilespmem:s0+$0x420]  }
0x1c1: {  	v6 =	vadd.s32 v1, v6;
	v8 =	vadd.f32 $8.388608000e+06, v8;
	v10 =	vmul.f32 $2.550000000e+02, v10;
	v15 =	vld [tilespmem:s0+$0x430]  }
0x1c2: {  	v7 =	vadd.s32 v1, v7;
	v9 =	vadd.f32 $8.388608000e+06, v9;
	v11 =	vmul.f32 $2.550000000e+02, v11;
	v16 =	vld [tilespmem:s0+$0x440]  }
0x1c3: {  	v8 =	vadd.s32 v1, v8;
	v10 =	vadd.f32 $8.388608000e+06, v10;
	v12 =	vmul.f32 $2.550000000e+02, v12;
	[tilespmem:v3+s22+$0x0] =	vst.idx.add.s32.msk $0xffff, v2  }
0x1c4: {  	v3 =	vadd.s32 v1, v9;
	v9 =	vadd.f32 $8.388608000e+06, v11;
	v11 =	vmul.f32 $2.550000000e+02, v13;
	v13 =	vld [tilespmem:s0+$0x450]  }
0x1c5: {  	v10 =	vadd.s32 v1, v10;
	v12 =	vadd.f32 $8.388608000e+06, v12;
	v14 =	vmul.f32 $2.550000000e+02, v14;
	v17 =	vld [tilespmem:s0+$0x460]  }
0x1c6: {  	v9 =	vadd.s32 v1, v9;
	v11 =	vadd.f32 $8.388608000e+06, v11;
	v15 =	vmul.f32 $2.550000000e+02, v15;
	v18 =	vld [tilespmem:s0+$0x470]  }
0x1c7: {  	v12 =	vadd.s32 v1, v12;
	v14 =	vadd.f32 $8.388608000e+06, v14;
	v16 =	vmul.f32 $2.550000000e+02, v16;
	v19 =	vld [tilespmem:s0+$0x800]  }
0x1c8: {  	v11 =	vadd.s32 v1, v11;
	v15 =	vadd.f32 $8.388608000e+06, v15;
	v20 =	vld [tilespmem:s0+$0x810]  }
0x1c9: {  	v14 =	vadd.s32 v1, v14;
	v16 =	vadd.f32 $8.388608000e+06, v16;
	v13 =	vmul.f32 $2.550000000e+02, v13;
	v21 =	vld [tilespmem:s0+$0x820]  }
0x1ca: {  	v15 =	vadd.s32 v1, v15;
	v17 =	vmul.f32 $2.550000000e+02, v17;
	v22 =	vld [tilespmem:s0+$0x830]  }
0x1cb: {  	v16 =	vadd.s32 v1, v16;
	v13 =	vadd.f32 $8.388608000e+06, v13;
	v18 =	vmul.f32 $2.550000000e+02, v18;
	v23 =	vld [tilespmem:s0+$0x840]  }
0x1cc: {  	v17 =	vadd.f32 $8.388608000e+06, v17;
	v19 =	vmul.f32 $2.550000000e+02, v19;
	v24 =	vld [tilespmem:s0+$0x850]  }
0x1cd: {  	v13 =	vadd.s32 v1, v13;
	v18 =	vadd.f32 $8.388608000e+06, v18;
	v20 =	vmul.f32 $2.550000000e+02, v20;
	v25 =	vld [tilespmem:s0+$0x860]  }
0x1ce: {  	v17 =	vadd.s32 v1, v17;
	v19 =	vadd.f32 $8.388608000e+06, v19;
	v21 =	vmul.f32 $2.550000000e+02, v21;
	v26 =	vld [tilespmem:s0+$0x870]  }
0x1cf: {  	v18 =	vadd.s32 v1, v18;
	v20 =	vadd.f32 $8.388608000e+06, v20;
	v22 =	vmul.f32 $2.550000000e+02, v22;
	v27 =	vld [tilespmem:s0+$0xC00]  }
0x1d0: {  	v19 =	vadd.s32 v1, v19;
	v21 =	vadd.f32 $8.388608000e+06, v21;
	v23 =	vmul.f32 $2.550000000e+02, v23;
	v28 =	vld [tilespmem:s0+$0xC10]  }
0x1d1: {  	v20 =	vadd.s32 v1, v20;
	v22 =	vadd.f32 $8.388608000e+06, v22;
	v24 =	vmul.f32 $2.550000000e+02, v24;
	v29 =	vld [tilespmem:s0+$0xC20]  }
0x1d2: {  	v21 =	vadd.s32 v1, v21;
	v23 =	vadd.f32 $8.388608000e+06, v23;
	v25 =	vmul.f32 $2.550000000e+02, v25;
	v30 =	vld [tilespmem:s0+$0xC30]  }
0x1d3: {  	v22 =	vadd.s32 v1, v22;
	v24 =	vadd.f32 $8.388608000e+06, v24;
	v26 =	vmul.f32 $2.550000000e+02, v26;
	v31 =	vld [tilespmem:s0+$0xC40]  }
0x1d4: {  	v23 =	vadd.s32 v1, v23;
	v25 =	vadd.f32 $8.388608000e+06, v25;
	v27 =	vmul.f32 $2.550000000e+02, v27;
	v32 =	vld [tilespmem:s0+$0xC50]  }
0x1d5: {  	v24 =	vadd.s32 v1, v24;
	v26 =	vadd.f32 $8.388608000e+06, v26;
	v28 =	vmul.f32 $2.550000000e+02, v28;
	v33 =	vld [tilespmem:s0+$0xC60]  }
0x1d6: {  	[tilespmem:v4+s22+$0x0] =	vst.idx.add.s32.msk $0xffff, v2;
	v25 =	vadd.s32 v1, v25;
	v4 =	vadd.f32 $8.388608000e+06, v27;
	v27 =	vmul.f32 $2.550000000e+02, v29  }
0x1d7: {  	[tilespmem:v5+s22+$0x0] =	vst.idx.add.s32.msk $0xffff, v2;
	v5 =	vadd.s32 v1, v26;
	v26 =	vadd.f32 $8.388608000e+06, v28;
	v28 =	vmul.f32 $2.550000000e+02, v30  }
0x1d8: {  	[tilespmem:v6+s22+$0x0] =	vst.idx.add.s32.msk $0xffff, v2;
	v6 =	vadd.s32 v1, v4;
	v4 =	vadd.f32 $8.388608000e+06, v27;
	v27 =	vmul.f32 $2.550000000e+02, v31  }
0x1d9: {  	[tilespmem:v7+s22+$0x0] =	vst.idx.add.s32.msk $0xffff, v2;
	v7 =	vadd.s32 v1, v26;
	v26 =	vadd.f32 $8.388608000e+06, v28;
	v28 =	vmul.f32 $2.550000000e+02, v32  }
0x1da: {  	[tilespmem:v8+s22+$0x0] =	vst.idx.add.s32.msk $0xffff, v2;
	v8 =	vadd.s32 v1, v4;
	v4 =	vadd.f32 $8.388608000e+06, v27;
	v27 =	vmul.f32 $2.550000000e+02, v33  }
0x1db: {  	[tilespmem:v3+s22+$0x0] =	vst.idx.add.s32.msk $0xffff, v2;
	v26 =	vadd.s32 v1, v26;
	v3 =	vadd.f32 $8.388608000e+06, v28  }
0x1dc: {  	[tilespmem:v10+s22+$0x0] =	vst.idx.add.s32.msk $0xffff, v2;
	v10 =	vadd.s32 v1, v4;
	v27 =	vadd.f32 $8.388608000e+06, v27  }
0x1dd: {  	[tilespmem:v9+s22+$0x0] =	vst.idx.add.s32.msk $0xffff, v2;
	v4 =	vadd.s32 v1, v3  }
0x1de: {  	[tilespmem:v12+s22+$0x0] =	vst.idx.add.s32.msk $0xffff, v2;
	v3 =	vadd.s32 v1, v27  }
0x1df: {  	[tilespmem:v11+s22+$0x0] =	vst.idx.add.s32.msk $0xffff, v2  }
0x1e0: {  	[tilespmem:v14+s22+$0x0] =	vst.idx.add.s32.msk $0xffff, v2  }
0x1e1: {  	[tilespmem:v15+s22+$0x0] =	vst.idx.add.s32.msk $0xffff, v2  }
0x1e2: {  	[tilespmem:v16+s22+$0x0] =	vst.idx.add.s32.msk $0xffff, v2  }
0x1e3: {  	[tilespmem:v13+s22+$0x0] =	vst.idx.add.s32.msk $0xffff, v2  }
0x1e4: {  	[tilespmem:v17+s22+$0x0] =	vst.idx.add.s32.msk $0xffff, v2  }
0x1e5: {  	[tilespmem:v18+s22+$0x0] =	vst.idx.add.s32.msk $0xffff, v2  }
0x1e6: {  	[tilespmem:v19+s22+$0x0] =	vst.idx.add.s32.msk $0xffff, v2  }
0x1e7: {  	[tilespmem:v20+s22+$0x0] =	vst.idx.add.s32.msk $0xffff, v2  }
0x1e8: {  	[tilespmem:v21+s22+$0x0] =	vst.idx.add.s32.msk $0xffff, v2  }
0x1e9: {  	[tilespmem:v22+s22+$0x0] =	vst.idx.add.s32.msk $0xffff, v2  }
0x1ea: {  	[tilespmem:v23+s22+$0x0] =	vst.idx.add.s32.msk $0xffff, v2  }
0x1eb: {  	[tilespmem:v24+s22+$0x0] =	vst.idx.add.s32.msk $0xffff, v2  }
0x1ec: {  	[tilespmem:v25+s22+$0x0] =	vst.idx.add.s32.msk $0xffff, v2  }
0x1ed: {  	[tilespmem:v5+s22+$0x0] =	vst.idx.add.s32.msk $0xffff, v2  }
.Ltmp7:
0x1ee: {  	[tilespmem:v6+s22+$0x0] =	vst.idx.add.s32.msk $0xffff, v2;
	(pc) =	sbr.rel @p0 .LBB2_16-.Ltmp7, $4  }
0x1ef: {  	[tilespmem:v7+s22+$0x0] =	vst.idx.add.s32.msk $0xffff, v2  }
0x1f0: {  	[tilespmem:v8+s22+$0x0] =	vst.idx.add.s32.msk $0xffff, v2  }
0x1f1: {  	[tilespmem:v26+s22+$0x0] =	vst.idx.add.s32.msk $0xffff, v2  }
0x1f2: {  	s30 =	sadd.s32 $0x80, s30;
	s1 =	sadd.s32 $0x200, s1;
	[tilespmem:v10+s22+$0x0] =	vst.idx.add.s32.msk $0xffff, v2  }
0x1f3: {  	_ = 	snop  }
0x1f4: {  	p0 =	seq.s32 s28, $0x7  }
0x1f5: {  	s0 =	sshll.u32 @!p0 s28, $0xF  }
0x1f6: {  	s0 =	sadd.s32 @!p0 s0, s11  }
0x1f7: {  	[tilespmem:v4+s22+$0x0] =	vst.idx.add.s32.msk $0xffff, v2;
	s0 =	sshrl.u32 @!p0 s0, $0x3  }
0x1f8: {  	[tilespmem:v3+s22+$0x0] =	vst.idx.add.s32.msk $0xffff, v2;
	s1 =	simm.s32 @!p0 $0x0;
	s0 =	sadd.s32 @!p0 s2, s0  }
0x1f9: {  	[tilespmem:s1], [sflag:$0x1] =	stream.linear.gather @!p0 [hbm4b:s0+s1], $0x4000, $0x38;
	[tilespmem:$0x9180] =	vst v63  }
0x1fa: {  	s4 =	simm.s32 $0x0;
	_ =	swait.ge [sflag:s23], $0x4000  }
0x1fb: {  	s31 =	sand.u32 $0x3000, s4;
	s0 =	sand.u32 $0x380, s4;
	[sflag:s23] =	ssyncset.done $0x0  }
0x1fc: {  	s0 =	sor.u32 s0, s31;
	[sflag:s23] =	ssyncadd.s32 $0xFFFFC000  }
0x1fd: {  	v3 =	vld [tilespmem:s0+$0x4C70]  }
0x1fe: {  	v4 =	vld [tilespmem:s0+$0x4000]  }
0x1ff: {  	v5 =	vld [tilespmem:s0+$0x4010]  }
0x200: {  	v6 =	vld [tilespmem:s0+$0x4020]  }
0x201: {  	v7 =	vld [tilespmem:s0+$0x4030]  }
0x202: {  	v8 =	vld [tilespmem:s0+$0x4040]  }
0x203: {  	v9 =	vld [tilespmem:s0+$0x4050]  }
0x204: {  	v10 =	vld [tilespmem:s0+$0x4060]  }
0x205: {  	v11 =	vld [tilespmem:s0+$0x4070]  }
0x206: {  	v12 =	vld [tilespmem:s0+$0x4400]  }
0x207: {  	v13 =	vld [tilespmem:s0+$0x4410]  }
0x208: {  	v14 =	vld [tilespmem:s0+$0x4420]  }
0x209: {  	v15 =	vld [tilespmem:s0+$0x4430]  }
0x20a: {  	v16 =	vld [tilespmem:s0+$0x4440]  }
0x20b: {  	v17 =	vld [tilespmem:s0+$0x4460]  }
0x20c: {  	v18 =	vld [tilespmem:s0+$0x4470]  }
0x20d: {  	v19 =	vld [tilespmem:s0+$0x4800]  }
0x20e: {  	v20 =	vld [tilespmem:s0+$0x4810]  }
0x20f: {  	v21 =	vld [tilespmem:s0+$0x4820]  }
0x210: {  	v22 =	vld [tilespmem:s0+$0x4830]  }
0x211: {  	v23 =	vld [tilespmem:s0+$0x4840]  }
0x212: {  	v24 =	vld [tilespmem:s0+$0x4850];
	v3 =	vmul.f32 $2.550000000e+02, v3  }
0x213: {  	v25 =	vld [tilespmem:s0+$0x4860]  }
0x214: {  	v26 =	vld [tilespmem:s0+$0x4870];
	v3 =	vadd.f32 $8.388608000e+06, v3  }
0x215: {  	v27 =	vld [tilespmem:s0+$0x4C00];
	v4 =	vmul.f32 $2.550000000e+02, v4  }
0x216: {  	v28 =	vld [tilespmem:s0+$0x4C10];
	v5 =	vmul.f32 $2.550000000e+02, v5;
	v3 =	vadd.s32 v1, v3  }
0x217: {  	v29 =	vld [tilespmem:s0+$0x4C20];
	v6 =	vmul.f32 $2.550000000e+02, v6;
	v7 =	vmul.f32 $2.550000000e+02, v7;
	v4 =	vadd.f32 $8.388608000e+06, v4  }
0x218: {  	v30 =	vld [tilespmem:s0+$0x4C30];
	v8 =	vmul.f32 $2.550000000e+02, v8;
	v9 =	vmul.f32 $2.550000000e+02, v9;
	v5 =	vadd.f32 $8.388608000e+06, v5  }
0x219: {  	v31 =	vld [tilespmem:s0+$0x4C40];
	v10 =	vmul.f32 $2.550000000e+02, v10;
	v6 =	vadd.f32 $8.388608000e+06, v6;
	v4 =	vadd.s32 v1, v4  }
0x21a: {  	v32 =	vld [tilespmem:s0+$0x4C50];
	v11 =	vmul.f32 $2.550000000e+02, v11;
	v7 =	vadd.f32 $8.388608000e+06, v7;
	v5 =	vadd.s32 v1, v5  }
0x21b: {  	v56 =	vmul.f32 $2.550000000e+02, v14;
	v8 =	vadd.f32 $8.388608000e+06, v8;
	v6 =	vadd.s32 v1, v6;
	[tilespmem:v3+s22+$0x0] =	vst.idx.add.s32.msk $0xffff, v2  }
0x21c: {  	v58 =	vmul.f32 $2.550000000e+02, v15;
	v9 =	vadd.f32 $8.388608000e+06, v9;
	v7 =	vadd.s32 v1, v7;
	v3 =	vld [tilespmem:s0+$0x4450]  }
0x21d: {  	v33 =	vld [tilespmem:s0+$0x4C60];
	v13 =	vmul.f32 $2.550000000e+02, v13;
	v59 =	vadd.f32 $8.388608000e+06, v56;
	v8 =	vadd.s32 v1, v8  }
0x21e: {  	v12 =	vmul.f32 $2.550000000e+02, v12;
	v61 =	vadd.f32 $8.388608000e+06, v58;
	v9 =	vadd.s32 v1, v9;
	[tilespmem:v4+s22+$0x0] =	vst.idx.add.s32.msk $0xffff, v2  }
0x21f: {  	v60 =	vmul.f32 $2.550000000e+02, v16;
	v57 =	vadd.f32 $8.388608000e+06, v13;
	v62 =	vadd.s32 v1, v59;
	[tilespmem:v5+s22+$0x0] =	vst.idx.add.s32.msk $0xffff, v2  }
0x220: {  	v16 =	vmul.f32 $2.550000000e+02, v17;
	v10 =	vadd.f32 $8.388608000e+06, v10;
	v17 =	vadd.s32 v1, v61;
	[tilespmem:v6+s22+$0x0] =	vst.idx.add.s32.msk $0xffff, v2  }
0x221: {  	v11 =	vadd.f32 $8.388608000e+06, v11;
	[tilespmem:v7+s22+$0x0] =	vst.idx.add.s32.msk $0xffff, v2;
	v7 =	vadd.s32 v1, v57;
	v3 =	vmul.f32 $2.550000000e+02, v3  }
0x222: {  	v35 =	vmul.f32 $2.550000000e+02, v19;
	v55 =	vadd.f32 $8.388608000e+06, v12;
	v4 =	vadd.s32 v1, v10;
	[tilespmem:v8+s22+$0x0] =	vst.idx.add.s32.msk $0xffff, v2  }
0x223: {  	v5 =	vadd.s32 v1, v11;
	[tilespmem:v9+s22+$0x0] =	vst.idx.add.s32.msk $0xffff, v2;
	v3 =	vadd.f32 $8.388608000e+06, v3  }
0x224: {  	v36 =	vmul.f32 $2.550000000e+02, v20;
	v37 =	vadd.f32 $8.388608000e+06, v35;
	v6 =	vadd.s32 v1, v55;
	[tilespmem:v62+s22+$0x0] =	vst.idx.add.s32.msk $0xffff, v2  }
0x225: {  	v63 =	vadd.f32 $8.388608000e+06, v60;
	[tilespmem:v17+s22+$0x0] =	vst.idx.add.s32.msk $0xffff, v2;
	v3 =	vadd.s32 v1, v3  }
0x226: {  	v39 =	vmul.f32 $2.550000000e+02, v22;
	v40 =	vadd.s32 v1, v37;
	[tilespmem:v7+s22+$0x0] =	vst.idx.add.s32.msk $0xffff, v2;
	v7 =	vadd.f32 $8.388608000e+06, v36  }
0x227: {  	v18 =	vmul.f32 $2.550000000e+02, v18;
	v34 =	vadd.f32 $8.388608000e+06, v16;
	[tilespmem:v4+s22+$0x0] =	vst.idx.add.s32.msk $0xffff, v2;
	v4 =	vadd.s32 v1, v63  }
0x228: {  	v38 =	vmul.f32 $2.550000000e+02, v21;
	v43 =	vadd.f32 $8.388608000e+06, v39;
	[tilespmem:v5+s22+$0x0] =	vst.idx.add.s32.msk $0xffff, v2;
	v7 =	vadd.s32 v1, v7  }
0x229: {  	v48 =	vmul.f32 $2.550000000e+02, v26;
	v5 =	vadd.f32 $8.388608000e+06, v18;
	[tilespmem:v6+s22+$0x0] =	vst.idx.add.s32.msk $0xffff, v2;
	v6 =	vadd.s32 v1, v34  }
0x22a: {  	v42 =	vmul.f32 $2.550000000e+02, v23;
	v41 =	vadd.f32 $8.388608000e+06, v38;
	[tilespmem:v3+s22+$0x0] =	vst.idx.add.s32.msk $0xffff, v2;
	v3 =	vadd.s32 v1, v43  }
0x22b: {  	v52 =	vmul.f32 $2.550000000e+02, v28;
	v51 =	vadd.f32 $8.388608000e+06, v48;
	[tilespmem:v40+s22+$0x0] =	vst.idx.add.s32.msk $0xffff, v2;
	v5 =	vadd.s32 v1, v5  }
0x22c: {  	v44 =	vmul.f32 $2.550000000e+02, v24;
	v45 =	vadd.f32 $8.388608000e+06, v42;
	[tilespmem:v4+s22+$0x0] =	vst.idx.add.s32.msk $0xffff, v2;
	v4 =	vadd.s32 v1, v41  }
0x22d: {  	v50 =	vmul.f32 $2.550000000e+02, v27;
	v56 =	vadd.f32 $8.388608000e+06, v52;
	[tilespmem:v7+s22+$0x0] =	vst.idx.add.s32.msk $0xffff, v2;
	v7 =	vadd.s32 v1, v51  }
0x22e: {  	v46 =	vmul.f32 $2.550000000e+02, v25;
	v47 =	vadd.f32 $8.388608000e+06, v44;
	[tilespmem:v6+s22+$0x0] =	vst.idx.add.s32.msk $0xffff, v2;
	v6 =	vadd.s32 v1, v45  }
0x22f: {  	v54 =	vadd.f32 $8.388608000e+06, v50;
	v59 =	vmul.f32 $2.550000000e+02, v31;
	[tilespmem:v3+s22+$0x0] =	vst.idx.add.s32.msk $0xffff, v2;
	v3 =	vadd.s32 v1, v56  }
0x230: {  	v49 =	vadd.f32 $8.388608000e+06, v46;
	v55 =	vmul.f32 $2.550000000e+02, v29;
	[tilespmem:v5+s22+$0x0] =	vst.idx.add.s32.msk $0xffff, v2;
	v5 =	vadd.s32 v1, v47  }
0x231: {  	v61 =	vadd.f32 $8.388608000e+06, v59;
	v57 =	vmul.f32 $2.550000000e+02, v30;
	[tilespmem:v4+s22+$0x0] =	vst.idx.add.s32.msk $0xffff, v2;
	v4 =	vadd.s32 v1, v54  }
0x232: {  	v53 =	vadd.s32 v1, v49;
	v58 =	vadd.f32 $8.388608000e+06, v55;
	[tilespmem:v7+s22+$0x0] =	vst.idx.add.s32.msk $0xffff, v2;
	v7 =	vmul.f32 $2.550000000e+02, v32  }
0x233: {  	v62 =	vadd.s32 v1, v61;
	v60 =	vadd.f32 $8.388608000e+06, v57;
	v63 =	vmul.f32 $2.550000000e+02, v33;
	[tilespmem:v6+s22+$0x0] =	vst.idx.add.s32.msk $0xffff, v2  }
0x234: {  	v6 =	vadd.s32 v1, v58;
	[tilespmem:v3+s22+$0x0] =	vst.idx.add.s32.msk $0xffff, v2;
	v3 =	vadd.f32 $8.388608000e+06, v7  }
0x235: {  	[tilespmem:v5+s22+$0x0] =	vst.idx.add.s32.msk $0xffff, v2;
	v5 =	vadd.s32 v1, v60;
	v7 =	vadd.f32 $8.388608000e+06, v63  }
0x236: {  	[tilespmem:v4+s22+$0x0] =	vst.idx.add.s32.msk $0xffff, v2;
	v4 =	vadd.s32 v1, v3  }
0x237: {  	[tilespmem:v53+s22+$0x0] =	vst.idx.add.s32.msk $0xffff, v2;
	v3 =	vadd.s32 v1, v7  }
0x238: {  	[tilespmem:v62+s22+$0x0] =	vst.idx.add.s32.msk $0xffff, v2  }
0x239: {  	[tilespmem:v6+s22+$0x0] =	vst.idx.add.s32.msk $0xffff, v2  }
0x23a: {  	s29 =	simm.s32 $0x0;
	s30 =	simm.s32 $0x80;
	s1 =	simm.s32 $0x200;
	[tilespmem:v5+s22+$0x0] =	vst.idx.add.s32.msk $0xffff, v2  }
.LBB2_18:
0x23b: {  	s0 =	sand.u32 $0x3000, s1;
	s4 =	sand.u32 $0x380, s30;
	s29 =	sadd.s32 $0x20, s29;
	[tilespmem:v4+s22+$0x0] =	vst.idx.add.s32.msk $0xffff, v2  }
0x23c: {  	s0 =	sor.u32 s4, s0;
	p1 =	slt.u32 s29, $0x3E0;
	[tilespmem:v3+s22+$0x0] =	vst.idx.add.s32.msk $0xffff, v2  }
0x23d: {  	v3 =	vld [tilespmem:s0+$0x4C70]  }
0x23e: {  	v4 =	vld [tilespmem:s0+$0x4000]  }
0x23f: {  	v5 =	vld [tilespmem:s0+$0x4010]  }
0x240: {  	v6 =	vld [tilespmem:s0+$0x4020]  }
0x241: {  	v7 =	vld [tilespmem:s0+$0x4030]  }
0x242: {  	v8 =	vld [tilespmem:s0+$0x4040];
	v3 =	vmul.f32 $2.550000000e+02, v3  }
0x243: {  	v4 =	vmul.f32 $2.550000000e+02, v4;
	v9 =	vld [tilespmem:s0+$0x4050]  }
0x244: {  	v5 =	vmul.f32 $2.550000000e+02, v5;
	v10 =	vld [tilespmem:s0+$0x4060];
	v3 =	vadd.f32 $8.388608000e+06, v3  }
0x245: {  	v4 =	vadd.f32 $8.388608000e+06, v4;
	v6 =	vmul.f32 $2.550000000e+02, v6;
	v11 =	vld [tilespmem:s0+$0x4070]  }
0x246: {  	v5 =	vadd.f32 $8.388608000e+06, v5;
	v7 =	vmul.f32 $2.550000000e+02, v7;
	v12 =	vld [tilespmem:s0+$0x4400];
	v3 =	vadd.s32 v1, v3  }
0x247: {  	v4 =	vadd.s32 v1, v4;
	v6 =	vadd.f32 $8.388608000e+06, v6;
	v8 =	vmul.f32 $2.550000000e+02, v8;
	v13 =	vld [tilespmem:s0+$0x4410]  }
0x248: {  	v5 =	vadd.s32 v1, v5;
	v7 =	vadd.f32 $8.388608000e+06, v7;
	v9 =	vmul.f32 $2.550000000e+02, v9;
	v14 =	vld [tilespmem:s0+$0x4420]  }
0x249: {  	v6 =	vadd.s32 v1, v6;
	v8 =	vadd.f32 $8.388608000e+06, v8;
	v10 =	vmul.f32 $2.550000000e+02, v10;
	v15 =	vld [tilespmem:s0+$0x4430]  }
0x24a: {  	v7 =	vadd.s32 v1, v7;
	v9 =	vadd.f32 $8.388608000e+06, v9;
	v11 =	vmul.f32 $2.550000000e+02, v11;
	v16 =	vld [tilespmem:s0+$0x4440]  }
0x24b: {  	v8 =	vadd.s32 v1, v8;
	v10 =	vadd.f32 $8.388608000e+06, v10;
	v12 =	vmul.f32 $2.550000000e+02, v12;
	[tilespmem:v3+s22+$0x0] =	vst.idx.add.s32.msk $0xffff, v2  }
0x24c: {  	v3 =	vadd.s32 v1, v9;
	v9 =	vadd.f32 $8.388608000e+06, v11;
	v11 =	vmul.f32 $2.550000000e+02, v13;
	v13 =	vld [tilespmem:s0+$0x4450]  }
0x24d: {  	v10 =	vadd.s32 v1, v10;
	v12 =	vadd.f32 $8.388608000e+06, v12;
	v14 =	vmul.f32 $2.550000000e+02, v14;
	v17 =	vld [tilespmem:s0+$0x4460]  }
0x24e: {  	v9 =	vadd.s32 v1, v9;
	v11 =	vadd.f32 $8.388608000e+06, v11;
	v15 =	vmul.f32 $2.550000000e+02, v15;
	v18 =	vld [tilespmem:s0+$0x4470]  }
0x24f: {  	v12 =	vadd.s32 v1, v12;
	v14 =	vadd.f32 $8.388608000e+06, v14;
	v16 =	vmul.f32 $2.550000000e+02, v16;
	v19 =	vld [tilespmem:s0+$0x4800]  }
0x250: {  	v11 =	vadd.s32 v1, v11;
	v15 =	vadd.f32 $8.388608000e+06, v15;
	v20 =	vld [tilespmem:s0+$0x4810]  }
0x251: {  	v14 =	vadd.s32 v1, v14;
	v16 =	vadd.f32 $8.388608000e+06, v16;
	v13 =	vmul.f32 $2.550000000e+02, v13;
	v21 =	vld [tilespmem:s0+$0x4820]  }
0x252: {  	v15 =	vadd.s32 v1, v15;
	v17 =	vmul.f32 $2.550000000e+02, v17;
	v22 =	vld [tilespmem:s0+$0x4830]  }
0x253: {  	v16 =	vadd.s32 v1, v16;
	v13 =	vadd.f32 $8.388608000e+06, v13;
	v18 =	vmul.f32 $2.550000000e+02, v18;
	v23 =	vld [tilespmem:s0+$0x4840]  }
0x254: {  	v17 =	vadd.f32 $8.388608000e+06, v17;
	v19 =	vmul.f32 $2.550000000e+02, v19;
	v24 =	vld [tilespmem:s0+$0x4850]  }
0x255: {  	v13 =	vadd.s32 v1, v13;
	v18 =	vadd.f32 $8.388608000e+06, v18;
	v20 =	vmul.f32 $2.550000000e+02, v20;
	v25 =	vld [tilespmem:s0+$0x4860]  }
0x256: {  	v17 =	vadd.s32 v1, v17;
	v19 =	vadd.f32 $8.388608000e+06, v19;
	v21 =	vmul.f32 $2.550000000e+02, v21;
	v26 =	vld [tilespmem:s0+$0x4870]  }
0x257: {  	v18 =	vadd.s32 v1, v18;
	v20 =	vadd.f32 $8.388608000e+06, v20;
	v22 =	vmul.f32 $2.550000000e+02, v22;
	v27 =	vld [tilespmem:s0+$0x4C00]  }
0x258: {  	v19 =	vadd.s32 v1, v19;
	v21 =	vadd.f32 $8.388608000e+06, v21;
	v23 =	vmul.f32 $2.550000000e+02, v23;
	v28 =	vld [tilespmem:s0+$0x4C10]  }
0x259: {  	v20 =	vadd.s32 v1, v20;
	v22 =	vadd.f32 $8.388608000e+06, v22;
	v24 =	vmul.f32 $2.550000000e+02, v24;
	v29 =	vld [tilespmem:s0+$0x4C20]  }
0x25a: {  	v21 =	vadd.s32 v1, v21;
	v23 =	vadd.f32 $8.388608000e+06, v23;
	v25 =	vmul.f32 $2.550000000e+02, v25;
	v30 =	vld [tilespmem:s0+$0x4C30]  }
0x25b: {  	v22 =	vadd.s32 v1, v22;
	v24 =	vadd.f32 $8.388608000e+06, v24;
	v26 =	vmul.f32 $2.550000000e+02, v26;
	v31 =	vld [tilespmem:s0+$0x4C40]  }
0x25c: {  	v23 =	vadd.s32 v1, v23;
	v25 =	vadd.f32 $8.388608000e+06, v25;
	v27 =	vmul.f32 $2.550000000e+02, v27;
	v32 =	vld [tilespmem:s0+$0x4C50]  }
0x25d: {  	v24 =	vadd.s32 v1, v24;
	v26 =	vadd.f32 $8.388608000e+06, v26;
	v28 =	vmul.f32 $2.550000000e+02, v28;
	v33 =	vld [tilespmem:s0+$0x4C60]  }
0x25e: {  	[tilespmem:v4+s22+$0x0] =	vst.idx.add.s32.msk $0xffff, v2;
	v25 =	vadd.s32 v1, v25;
	v4 =	vadd.f32 $8.388608000e+06, v27;
	v27 =	vmul.f32 $2.550000000e+02, v29  }
0x25f: {  	[tilespmem:v5+s22+$0x0] =	vst.idx.add.s32.msk $0xffff, v2;
	v5 =	vadd.s32 v1, v26;
	v26 =	vadd.f32 $8.388608000e+06, v28;
	v28 =	vmul.f32 $2.550000000e+02, v30  }
0x260: {  	[tilespmem:v6+s22+$0x0] =	vst.idx.add.s32.msk $0xffff, v2;
	v6 =	vadd.s32 v1, v4;
	v4 =	vadd.f32 $8.388608000e+06, v27;
	v27 =	vmul.f32 $2.550000000e+02, v31  }
0x261: {  	[tilespmem:v7+s22+$0x0] =	vst.idx.add.s32.msk $0xffff, v2;
	v7 =	vadd.s32 v1, v26;
	v26 =	vadd.f32 $8.388608000e+06, v28;
	v28 =	vmul.f32 $2.550000000e+02, v32  }
0x262: {  	[tilespmem:v8+s22+$0x0] =	vst.idx.add.s32.msk $0xffff, v2;
	v8 =	vadd.s32 v1, v4;
	v4 =	vadd.f32 $8.388608000e+06, v27;
	v27 =	vmul.f32 $2.550000000e+02, v33  }
0x263: {  	[tilespmem:v3+s22+$0x0] =	vst.idx.add.s32.msk $0xffff, v2;
	v26 =	vadd.s32 v1, v26;
	v3 =	vadd.f32 $8.388608000e+06, v28  }
0x264: {  	[tilespmem:v10+s22+$0x0] =	vst.idx.add.s32.msk $0xffff, v2;
	v10 =	vadd.s32 v1, v4;
	v27 =	vadd.f32 $8.388608000e+06, v27  }
0x265: {  	[tilespmem:v9+s22+$0x0] =	vst.idx.add.s32.msk $0xffff, v2;
	v4 =	vadd.s32 v1, v3  }
0x266: {  	[tilespmem:v12+s22+$0x0] =	vst.idx.add.s32.msk $0xffff, v2;
	v3 =	vadd.s32 v1, v27  }
0x267: {  	[tilespmem:v11+s22+$0x0] =	vst.idx.add.s32.msk $0xffff, v2  }
0x268: {  	[tilespmem:v14+s22+$0x0] =	vst.idx.add.s32.msk $0xffff, v2  }
0x269: {  	[tilespmem:v15+s22+$0x0] =	vst.idx.add.s32.msk $0xffff, v2  }
0x26a: {  	[tilespmem:v16+s22+$0x0] =	vst.idx.add.s32.msk $0xffff, v2  }
0x26b: {  	[tilespmem:v13+s22+$0x0] =	vst.idx.add.s32.msk $0xffff, v2  }
0x26c: {  	[tilespmem:v17+s22+$0x0] =	vst.idx.add.s32.msk $0xffff, v2  }
0x26d: {  	[tilespmem:v18+s22+$0x0] =	vst.idx.add.s32.msk $0xffff, v2  }
0x26e: {  	[tilespmem:v19+s22+$0x0] =	vst.idx.add.s32.msk $0xffff, v2  }
0x26f: {  	[tilespmem:v20+s22+$0x0] =	vst.idx.add.s32.msk $0xffff, v2  }
0x270: {  	[tilespmem:v21+s22+$0x0] =	vst.idx.add.s32.msk $0xffff, v2  }
0x271: {  	[tilespmem:v22+s22+$0x0] =	vst.idx.add.s32.msk $0xffff, v2  }
0x272: {  	[tilespmem:v23+s22+$0x0] =	vst.idx.add.s32.msk $0xffff, v2  }
0x273: {  	[tilespmem:v24+s22+$0x0] =	vst.idx.add.s32.msk $0xffff, v2  }
0x274: {  	[tilespmem:v25+s22+$0x0] =	vst.idx.add.s32.msk $0xffff, v2  }
0x275: {  	[tilespmem:v5+s22+$0x0] =	vst.idx.add.s32.msk $0xffff, v2  }
.Ltmp8:
0x276: {  	[tilespmem:v6+s22+$0x0] =	vst.idx.add.s32.msk $0xffff, v2;
	(pc) =	sbr.rel @p1 .LBB2_18-.Ltmp8, $4  }
0x277: {  	[tilespmem:v7+s22+$0x0] =	vst.idx.add.s32.msk $0xffff, v2  }
0x278: {  	[tilespmem:v8+s22+$0x0] =	vst.idx.add.s32.msk $0xffff, v2  }
0x279: {  	[tilespmem:v26+s22+$0x0] =	vst.idx.add.s32.msk $0xffff, v2  }
0x27a: {  	s30 =	sadd.s32 $0x80, s30;
	s1 =	sadd.s32 $0x200, s1;
	[tilespmem:v10+s22+$0x0] =	vst.idx.add.s32.msk $0xffff, v2  }
0x27b: {  	_ = 	snop  }
.Ltmp9:
0x27c: {  	_ = 	snop;
	(pc) =	sbr.rel @p0 .LBB2_21-.Ltmp9, $3  }
0x27d: {  	_ =	sdelay $0x1  }
0x27e: {  	[tilespmem:v4+s22+$0x0] =	vst.idx.add.s32.msk $0xffff, v2  }
0x27f: {  	[tilespmem:v3+s22+$0x0] =	vst.idx.add.s32.msk $0xffff, v2  }
.Ltmp10:
0x280: {  	s0 =	sshll.u32 s28, $0xF;
	(pc) =	sbr.rel .LBB2_15-.Ltmp10, $4  }
0x281: {  	s0 =	sadd.s32 s0, s12  }
0x282: {  	s0 =	sshrl.u32 s0, $0x3  }
0x283: {  	s28 =	sadd.s32 $0x1, s28;
	s0 =	sadd.s32 s2, s0  }
0x284: {  	[tilespmem:s20], [sflag:$0x2] =	stream.linear.gather [hbm4b:s0+s3], $0x4000, $0x38;
	[tilespmem:$0x9180] =	vst v63  }
.LBB2_21:
0x285: {  	s0 =	simm.s32 $0x0  }
0x286: {  	v3 =	vld [tilespmem:s0+$0x8000]  }
0x287: {  	v4 =	vld [tilespmem:s0+$0x8101]  }
0x288: {  	v5 =	vld [tilespmem:s0+$0x8202]  }
0x289: {  	v6 =	vld [tilespmem:s0+$0x8303]  }
0x28a: {  	v7 =	vld [tilespmem:s0+$0x8404]  }
0x28b: {  	v8 =	vld [tilespmem:s0+$0x8505]  }
0x28c: {  	v3 =	vadd.s32 v3, v4;
	v4 =	vld [tilespmem:s0+$0x8606]  }
0x28d: {  	v3 =	vadd.s32 v5, v3;
	v5 =	vld [tilespmem:s0+$0x8707]  }
0x28e: {  	v3 =	vadd.s32 v6, v3;
	v6 =	vld [tilespmem:s0+$0x8808]  }
0x28f: {  	v3 =	vadd.s32 v7, v3;
	v7 =	vld [tilespmem:s0+$0x8909]  }
0x290: {  	v3 =	vadd.s32 v8, v3;
	v8 =	vld [tilespmem:s0+$0x8A0A]  }
0x291: {  	v9 =	vld [tilespmem:s0+$0x8B0B];
	v3 =	vadd.s32 v4, v3  }
0x292: {  	v4 =	vld [tilespmem:s0+$0x8C0C];
	v3 =	vadd.s32 v5, v3  }
0x293: {  	v5 =	vld [tilespmem:s0+$0x8D0D];
	v3 =	vadd.s32 v6, v3  }
0x294: {  	v6 =	vld [tilespmem:s0+$0x8E0E];
	v3 =	vadd.s32 v7, v3  }
0x295: {  	s1 =	simm.s32 $0x10;
	v7 =	vld [tilespmem:s0+$0x8F0F];
	v8 =	vadd.s32 v8, v3  }
0x296: {  	s28 =	simm.s32 $0x80;
	v3 =	vld [tilespmem:s1+$0x8000];
	v8 =	vadd.s32 v9, v8  }
.LBB2_22:
0x297: {  	p0 =	sne.s32 s28, $0x3C0;
	v9 =	vld [tilespmem:s1+$0x8101];
	v4 =	vadd.s32 v4, v8  }
0x298: {  	v8 =	vld [tilespmem:s1+$0x8202];
	v4 =	vadd.s32 v5, v4  }
0x299: {  	v5 =	vld [tilespmem:s1+$0x8303];
	v4 =	vadd.s32 v6, v4  }
0x29a: {  	v6 =	vld [tilespmem:s1+$0x8404];
	v4 =	vadd.s32 v7, v4  }
0x29b: {  	v7 =	vld [tilespmem:s1+$0x8505];
	[tilespmem:s0+$0x9080] =	vst v4;
	s0 =	smov.u32 s1  }
0x29c: {  	v3 =	vadd.s32 v3, v9;
	v4 =	vld [tilespmem:s0+$0x8606]  }
0x29d: {  	v3 =	vadd.s32 v8, v3;
	v8 =	vld [tilespmem:s0+$0x8707]  }
0x29e: {  	v3 =	vadd.s32 v5, v3;
	v5 =	vld [tilespmem:s0+$0x8808]  }
0x29f: {  	v3 =	vadd.s32 v6, v3;
	v6 =	vld [tilespmem:s0+$0x8909]  }
0x2a0: {  	v3 =	vadd.s32 v7, v3;
	v7 =	vld [tilespmem:s0+$0x8A0A]  }
0x2a1: {  	v3 =	vadd.s32 v4, v3;
	v9 =	vld [tilespmem:s0+$0x8B0B]  }
.Ltmp11:
0x2a2: {  	v3 =	vadd.s32 v8, v3;
	v4 =	vld [tilespmem:s0+$0x8C0C];
	(pc) =	sbr.rel @p0 .LBB2_22-.Ltmp11, $4  }
0x2a3: {  	v3 =	vadd.s32 v5, v3;
	v5 =	vld [tilespmem:s0+$0x8D0D]  }
0x2a4: {  	v3 =	vadd.s32 v6, v3;
	v6 =	vld [tilespmem:s0+$0x8E0E]  }
0x2a5: {  	s1 =	sshra.s32 s28, $0x2;
	v8 =	vadd.s32 v7, v3;
	v7 =	vld [tilespmem:s0+$0x8F0F]  }
0x2a6: {  	s28 =	sadd.s32 $0x40, s28;
	v3 =	vld [tilespmem:s1+$0x8000];
	v8 =	vadd.s32 v9, v8  }
0x2a7: {  	v9 =	vld [tilespmem:s1+$0x8101];
	v4 =	vadd.s32 v4, v8  }
0x2a8: {  	v51 =	vld [tilespmem:s1+$0x8202];
	v4 =	vadd.s32 v5, v4  }
0x2a9: {  	v52 =	vld [tilespmem:s1+$0x8303];
	v4 =	vadd.s32 v6, v4  }
0x2aa: {  	v53 =	vld [tilespmem:s1+$0x8404];
	v4 =	vadd.s32 v7, v4  }
0x2ab: {  	v54 =	vld [tilespmem:s1+$0x8505];
	[tilespmem:s0+$0x9080] =	vst v4  }
0x2ac: {  	v3 =	vadd.s32 v3, v9;
	v4 =	vld [tilespmem:s1+$0x8606]  }
0x2ad: {  	v55 =	vld [tilespmem:s1+$0x8707];
	v3 =	vadd.s32 v51, v3  }
0x2ae: {  	v56 =	vld [tilespmem:s1+$0x8808];
	v3 =	vadd.s32 v52, v3  }
0x2af: {  	v57 =	vld [tilespmem:s1+$0x8909];
	v3 =	vadd.s32 v53, v3  }
0x2b0: {  	v58 =	vld [tilespmem:s1+$0x8A0A];
	v3 =	vadd.s32 v54, v3  }
0x2b1: {  	v59 =	vld [tilespmem:s1+$0x8B0B];
	v3 =	vadd.s32 v4, v3  }
0x2b2: {  	v60 =	vld [tilespmem:s1+$0x8C0C];
	v3 =	vadd.s32 v55, v3  }
0x2b3: {  	v61 =	vld [tilespmem:s1+$0x8D0D];
	v3 =	vadd.s32 v56, v3  }
0x2b4: {  	v62 =	vld [tilespmem:s1+$0x8E0E];
	v3 =	vadd.s32 v57, v3  }
0x2b5: {  	v63 =	vld [tilespmem:s1+$0x8F0F];
	v3 =	vadd.s32 v58, v3  }
0x2b6: {  	v3 =	vadd.s32 v59, v3  }
0x2b7: {  	v3 =	vadd.s32 v60, v3  }
0x2b8: {  	v3 =	vadd.s32 v61, v3  }
0x2b9: {  	v3 =	vadd.s32 v62, v3  }
0x2ba: {  	v3 =	vadd.s32 v63, v3  }
0x2bb: {  	s28 =	simm.s32 $0x0;
	[tilespmem:s1+$0x9080] =	vst v3  }
0x2bc: {  	[hbm4b:s13+s28] =	stream.linear.scatter [tilespmem:s24], [sflag:$0x3], $0x100, $0x38;
	[tilespmem:$0x9180] =	vst v63  }
0x2bd: {  	_ =	swait.ge [sflag:s25], $0x100  }
0x2be: {  	[sflag:s25] =	ssyncset.done $0x0  }
0x2bf: {  	[sflag:s25] =	ssyncadd.s32 $0xFFFFFF00  }
0x2c0: {  	[tilespmem:s28], [sflag:$0x1] =	stream.linear.gather [hbm4b:s14+s28], $0x4000, $0x38;
	[tilespmem:$0x9180] =	vst v63  }
0x2c1: {  	s0 =	simm.s32 $0x40;
	s1 =	simm.s32 $0x0  }
0x2c2: {  	[tilespmem:s20], [sflag:$0x2] =	stream.linear.gather [hbm4b:s15+s28], $0x4000, $0x38;
	[tilespmem:$0x9180] =	vst v63  }
.LBB2_24:
0x2c3: {  	p0 =	sne.s32 s0, $0x4000;
	[tilespmem:s1+$0x8000] =	vst v0;
	s1 =	smov.u32 s0;
	s0 =	sadd.s32 $0x40, s0  }
.Ltmp12:
0x2c4: {  	(pc) =	sbr.rel @p0 .LBB2_24-.Ltmp12, $2  }
0x2c5: {  	_ =	sdelay $0x2  }
0x2c6: {  	s1 =	sshra.s32 s1, $0x2  }
0x2c7: {  	[tilespmem:s1+$0x8000] =	vst v0  }
.LBB2_26:
0x2c8: {  	_ =	swait.ge [sflag:s21], $0x4000;
	s0 =	simm.s32 $0x0  }
0x2c9: {  	[sflag:s21] =	ssyncset.done $0x0;
	s1 =	sand.u32 $0x3000, s0;
	s0 =	sand.u32 $0x380, s0  }
0x2ca: {  	[sflag:s21] =	ssyncadd.s32 $0xFFFFC000;
	s0 =	sor.u32 s0, s1  }
0x2cb: {  	v3 =	vld [tilespmem:s0+$0xC70]  }
0x2cc: {  	v4 =	vld [tilespmem:s0+$0x0]  }
0x2cd: {  	v5 =	vld [tilespmem:s0+$0x10]  }
0x2ce: {  	v6 =	vld [tilespmem:s0+$0x20]  }
0x2cf: {  	v7 =	vld [tilespmem:s0+$0x30]  }
0x2d0: {  	v8 =	vld [tilespmem:s0+$0x40]  }
0x2d1: {  	v9 =	vld [tilespmem:s0+$0x50]  }
0x2d2: {  	v10 =	vld [tilespmem:s0+$0x60]  }
0x2d3: {  	v11 =	vld [tilespmem:s0+$0x70]  }
0x2d4: {  	v12 =	vld [tilespmem:s0+$0x400]  }
0x2d5: {  	v13 =	vld [tilespmem:s0+$0x410]  }
0x2d6: {  	v14 =	vld [tilespmem:s0+$0x420]  }
0x2d7: {  	v15 =	vld [tilespmem:s0+$0x430]  }
0x2d8: {  	v16 =	vld [tilespmem:s0+$0x440]  }
0x2d9: {  	v17 =	vld [tilespmem:s0+$0x460]  }
0x2da: {  	v18 =	vld [tilespmem:s0+$0x470]  }
0x2db: {  	v19 =	vld [tilespmem:s0+$0x800]  }
0x2dc: {  	v20 =	vld [tilespmem:s0+$0x810]  }
0x2dd: {  	v21 =	vld [tilespmem:s0+$0x820]  }
0x2de: {  	v22 =	vld [tilespmem:s0+$0x830]  }
0x2df: {  	v23 =	vld [tilespmem:s0+$0x840]  }
0x2e0: {  	v24 =	vld [tilespmem:s0+$0x850];
	v3 =	vmul.f32 $2.550000000e+02, v3  }
0x2e1: {  	v25 =	vld [tilespmem:s0+$0x860]  }
0x2e2: {  	v26 =	vld [tilespmem:s0+$0x870];
	v3 =	vadd.f32 $8.388608000e+06, v3  }
0x2e3: {  	v27 =	vld [tilespmem:s0+$0xC00];
	v4 =	vmul.f32 $2.550000000e+02, v4  }
0x2e4: {  	v28 =	vld [tilespmem:s0+$0xC10];
	v5 =	vmul.f32 $2.550000000e+02, v5;
	v3 =	vadd.s32 v1, v3  }
0x2e5: {  	v29 =	vld [tilespmem:s0+$0xC20];
	v6 =	vmul.f32 $2.550000000e+02, v6;
	v7 =	vmul.f32 $2.550000000e+02, v7;
	v4 =	vadd.f32 $8.388608000e+06, v4  }
0x2e6: {  	v30 =	vld [tilespmem:s0+$0xC30];
	v8 =	vmul.f32 $2.550000000e+02, v8;
	v9 =	vmul.f32 $2.550000000e+02, v9;
	v5 =	vadd.f32 $8.388608000e+06, v5  }
0x2e7: {  	v31 =	vld [tilespmem:s0+$0xC40];
	v10 =	vmul.f32 $2.550000000e+02, v10;
	v6 =	vadd.f32 $8.388608000e+06, v6;
	v4 =	vadd.s32 v1, v4  }
0x2e8: {  	v32 =	vld [tilespmem:s0+$0xC50];
	v11 =	vmul.f32 $2.550000000e+02, v11;
	v7 =	vadd.f32 $8.388608000e+06, v7;
	v5 =	vadd.s32 v1, v5  }
0x2e9: {  	v56 =	vmul.f32 $2.550000000e+02, v14;
	v8 =	vadd.f32 $8.388608000e+06, v8;
	v6 =	vadd.s32 v1, v6;
	[tilespmem:v3+s22+$0x0] =	vst.idx.add.s32.msk $0xffff, v2  }
0x2ea: {  	v58 =	vmul.f32 $2.550000000e+02, v15;
	v9 =	vadd.f32 $8.388608000e+06, v9;
	v7 =	vadd.s32 v1, v7;
	v3 =	vld [tilespmem:s0+$0x450]  }
0x2eb: {  	v33 =	vld [tilespmem:s0+$0xC60];
	v13 =	vmul.f32 $2.550000000e+02, v13;
	v59 =	vadd.f32 $8.388608000e+06, v56;
	v8 =	vadd.s32 v1, v8  }
0x2ec: {  	v12 =	vmul.f32 $2.550000000e+02, v12;
	v61 =	vadd.f32 $8.388608000e+06, v58;
	v9 =	vadd.s32 v1, v9;
	[tilespmem:v4+s22+$0x0] =	vst.idx.add.s32.msk $0xffff, v2  }
0x2ed: {  	v60 =	vmul.f32 $2.550000000e+02, v16;
	v57 =	vadd.f32 $8.388608000e+06, v13;
	v62 =	vadd.s32 v1, v59;
	[tilespmem:v5+s22+$0x0] =	vst.idx.add.s32.msk $0xffff, v2  }
0x2ee: {  	v16 =	vmul.f32 $2.550000000e+02, v17;
	v10 =	vadd.f32 $8.388608000e+06, v10;
	v17 =	vadd.s32 v1, v61;
	[tilespmem:v6+s22+$0x0] =	vst.idx.add.s32.msk $0xffff, v2  }
0x2ef: {  	v11 =	vadd.f32 $8.388608000e+06, v11;
	[tilespmem:v7+s22+$0x0] =	vst.idx.add.s32.msk $0xffff, v2;
	v7 =	vadd.s32 v1, v57;
	v3 =	vmul.f32 $2.550000000e+02, v3  }
0x2f0: {  	v35 =	vmul.f32 $2.550000000e+02, v19;
	v55 =	vadd.f32 $8.388608000e+06, v12;
	v4 =	vadd.s32 v1, v10;
	[tilespmem:v8+s22+$0x0] =	vst.idx.add.s32.msk $0xffff, v2  }
0x2f1: {  	v5 =	vadd.s32 v1, v11;
	[tilespmem:v9+s22+$0x0] =	vst.idx.add.s32.msk $0xffff, v2;
	v3 =	vadd.f32 $8.388608000e+06, v3  }
0x2f2: {  	v36 =	vmul.f32 $2.550000000e+02, v20;
	v37 =	vadd.f32 $8.388608000e+06, v35;
	v6 =	vadd.s32 v1, v55;
	[tilespmem:v62+s22+$0x0] =	vst.idx.add.s32.msk $0xffff, v2  }
0x2f3: {  	v63 =	vadd.f32 $8.388608000e+06, v60;
	[tilespmem:v17+s22+$0x0] =	vst.idx.add.s32.msk $0xffff, v2;
	v3 =	vadd.s32 v1, v3  }
0x2f4: {  	v39 =	vmul.f32 $2.550000000e+02, v22;
	v40 =	vadd.s32 v1, v37;
	[tilespmem:v7+s22+$0x0] =	vst.idx.add.s32.msk $0xffff, v2;
	v7 =	vadd.f32 $8.388608000e+06, v36  }
0x2f5: {  	v18 =	vmul.f32 $2.550000000e+02, v18;
	v34 =	vadd.f32 $8.388608000e+06, v16;
	[tilespmem:v4+s22+$0x0] =	vst.idx.add.s32.msk $0xffff, v2;
	v4 =	vadd.s32 v1, v63  }
0x2f6: {  	v38 =	vmul.f32 $2.550000000e+02, v21;
	v43 =	vadd.f32 $8.388608000e+06, v39;
	[tilespmem:v5+s22+$0x0] =	vst.idx.add.s32.msk $0xffff, v2;
	v7 =	vadd.s32 v1, v7  }
0x2f7: {  	v48 =	vmul.f32 $2.550000000e+02, v26;
	v5 =	vadd.f32 $8.388608000e+06, v18;
	[tilespmem:v6+s22+$0x0] =	vst.idx.add.s32.msk $0xffff, v2;
	v6 =	vadd.s32 v1, v34  }
0x2f8: {  	v42 =	vmul.f32 $2.550000000e+02, v23;
	v41 =	vadd.f32 $8.388608000e+06, v38;
	[tilespmem:v3+s22+$0x0] =	vst.idx.add.s32.msk $0xffff, v2;
	v3 =	vadd.s32 v1, v43  }
0x2f9: {  	v52 =	vmul.f32 $2.550000000e+02, v28;
	v51 =	vadd.f32 $8.388608000e+06, v48;
	[tilespmem:v40+s22+$0x0] =	vst.idx.add.s32.msk $0xffff, v2;
	v5 =	vadd.s32 v1, v5  }
0x2fa: {  	v44 =	vmul.f32 $2.550000000e+02, v24;
	v45 =	vadd.f32 $8.388608000e+06, v42;
	[tilespmem:v4+s22+$0x0] =	vst.idx.add.s32.msk $0xffff, v2;
	v4 =	vadd.s32 v1, v41  }
0x2fb: {  	v50 =	vmul.f32 $2.550000000e+02, v27;
	v56 =	vadd.f32 $8.388608000e+06, v52;
	[tilespmem:v7+s22+$0x0] =	vst.idx.add.s32.msk $0xffff, v2;
	v7 =	vadd.s32 v1, v51  }
0x2fc: {  	v46 =	vmul.f32 $2.550000000e+02, v25;
	v47 =	vadd.f32 $8.388608000e+06, v44;
	[tilespmem:v6+s22+$0x0] =	vst.idx.add.s32.msk $0xffff, v2;
	v6 =	vadd.s32 v1, v45  }
0x2fd: {  	v54 =	vadd.f32 $8.388608000e+06, v50;
	v59 =	vmul.f32 $2.550000000e+02, v31;
	[tilespmem:v3+s22+$0x0] =	vst.idx.add.s32.msk $0xffff, v2;
	v3 =	vadd.s32 v1, v56  }
0x2fe: {  	v49 =	vadd.f32 $8.388608000e+06, v46;
	v55 =	vmul.f32 $2.550000000e+02, v29;
	[tilespmem:v5+s22+$0x0] =	vst.idx.add.s32.msk $0xffff, v2;
	v5 =	vadd.s32 v1, v47  }
0x2ff: {  	v61 =	vadd.f32 $8.388608000e+06, v59;
	v57 =	vmul.f32 $2.550000000e+02, v30;
	[tilespmem:v4+s22+$0x0] =	vst.idx.add.s32.msk $0xffff, v2;
	v4 =	vadd.s32 v1, v54  }
0x300: {  	v53 =	vadd.s32 v1, v49;
	v58 =	vadd.f32 $8.388608000e+06, v55;
	[tilespmem:v7+s22+$0x0] =	vst.idx.add.s32.msk $0xffff, v2;
	v7 =	vmul.f32 $2.550000000e+02, v32  }
0x301: {  	v62 =	vadd.s32 v1, v61;
	v60 =	vadd.f32 $8.388608000e+06, v57;
	v63 =	vmul.f32 $2.550000000e+02, v33;
	[tilespmem:v6+s22+$0x0] =	vst.idx.add.s32.msk $0xffff, v2  }
0x302: {  	v6 =	vadd.s32 v1, v58;
	[tilespmem:v3+s22+$0x0] =	vst.idx.add.s32.msk $0xffff, v2;
	v3 =	vadd.f32 $8.388608000e+06, v7  }
0x303: {  	[tilespmem:v5+s22+$0x0] =	vst.idx.add.s32.msk $0xffff, v2;
	v5 =	vadd.s32 v1, v60;
	v7 =	vadd.f32 $8.388608000e+06, v63  }
0x304: {  	[tilespmem:v4+s22+$0x0] =	vst.idx.add.s32.msk $0xffff, v2;
	v4 =	vadd.s32 v1, v3  }
0x305: {  	[tilespmem:v53+s22+$0x0] =	vst.idx.add.s32.msk $0xffff, v2;
	v3 =	vadd.s32 v1, v7  }
0x306: {  	[tilespmem:v62+s22+$0x0] =	vst.idx.add.s32.msk $0xffff, v2  }
0x307: {  	[tilespmem:v6+s22+$0x0] =	vst.idx.add.s32.msk $0xffff, v2  }
0x308: {  	s29 =	simm.s32 $0x0;
	s30 =	simm.s32 $0x80;
	s1 =	simm.s32 $0x200;
	[tilespmem:v5+s22+$0x0] =	vst.idx.add.s32.msk $0xffff, v2  }
.LBB2_27:
0x309: {  	s0 =	sand.u32 $0x3000, s1;
	s4 =	sand.u32 $0x380, s30;
	s29 =	sadd.s32 $0x20, s29;
	[tilespmem:v4+s22+$0x0] =	vst.idx.add.s32.msk $0xffff, v2  }
0x30a: {  	s0 =	sor.u32 s4, s0;
	p0 =	slt.u32 s29, $0x3E0;
	[tilespmem:v3+s22+$0x0] =	vst.idx.add.s32.msk $0xffff, v2  }
0x30b: {  	v3 =	vld [tilespmem:s0+$0xC70]  }
0x30c: {  	v4 =	vld [tilespmem:s0+$0x0]  }
0x30d: {  	v5 =	vld [tilespmem:s0+$0x10]  }
0x30e: {  	v6 =	vld [tilespmem:s0+$0x20]  }
0x30f: {  	v7 =	vld [tilespmem:s0+$0x30]  }
0x310: {  	v8 =	vld [tilespmem:s0+$0x40];
	v3 =	vmul.f32 $2.550000000e+02, v3  }
0x311: {  	v4 =	vmul.f32 $2.550000000e+02, v4;
	v9 =	vld [tilespmem:s0+$0x50]  }
0x312: {  	v5 =	vmul.f32 $2.550000000e+02, v5;
	v10 =	vld [tilespmem:s0+$0x60];
	v3 =	vadd.f32 $8.388608000e+06, v3  }
0x313: {  	v4 =	vadd.f32 $8.388608000e+06, v4;
	v6 =	vmul.f32 $2.550000000e+02, v6;
	v11 =	vld [tilespmem:s0+$0x70]  }
0x314: {  	v5 =	vadd.f32 $8.388608000e+06, v5;
	v7 =	vmul.f32 $2.550000000e+02, v7;
	v12 =	vld [tilespmem:s0+$0x400];
	v3 =	vadd.s32 v1, v3  }
0x315: {  	v4 =	vadd.s32 v1, v4;
	v6 =	vadd.f32 $8.388608000e+06, v6;
	v8 =	vmul.f32 $2.550000000e+02, v8;
	v13 =	vld [tilespmem:s0+$0x410]  }
0x316: {  	v5 =	vadd.s32 v1, v5;
	v7 =	vadd.f32 $8.388608000e+06, v7;
	v9 =	vmul.f32 $2.550000000e+02, v9;
	v14 =	vld [tilespmem:s0+$0x420]  }
0x317: {  	v6 =	vadd.s32 v1, v6;
	v8 =	vadd.f32 $8.388608000e+06, v8;
	v10 =	vmul.f32 $2.550000000e+02, v10;
	v15 =	vld [tilespmem:s0+$0x430]  }
0x318: {  	v7 =	vadd.s32 v1, v7;
	v9 =	vadd.f32 $8.388608000e+06, v9;
	v11 =	vmul.f32 $2.550000000e+02, v11;
	v16 =	vld [tilespmem:s0+$0x440]  }
0x319: {  	v8 =	vadd.s32 v1, v8;
	v10 =	vadd.f32 $8.388608000e+06, v10;
	v12 =	vmul.f32 $2.550000000e+02, v12;
	[tilespmem:v3+s22+$0x0] =	vst.idx.add.s32.msk $0xffff, v2  }
0x31a: {  	v3 =	vadd.s32 v1, v9;
	v9 =	vadd.f32 $8.388608000e+06, v11;
	v11 =	vmul.f32 $2.550000000e+02, v13;
	v13 =	vld [tilespmem:s0+$0x450]  }
0x31b: {  	v10 =	vadd.s32 v1, v10;
	v12 =	vadd.f32 $8.388608000e+06, v12;
	v14 =	vmul.f32 $2.550000000e+02, v14;
	v17 =	vld [tilespmem:s0+$0x460]  }
0x31c: {  	v9 =	vadd.s32 v1, v9;
	v11 =	vadd.f32 $8.388608000e+06, v11;
	v15 =	vmul.f32 $2.550000000e+02, v15;
	v18 =	vld [tilespmem:s0+$0x470]  }
0x31d: {  	v12 =	vadd.s32 v1, v12;
	v14 =	vadd.f32 $8.388608000e+06, v14;
	v16 =	vmul.f32 $2.550000000e+02, v16;
	v19 =	vld [tilespmem:s0+$0x800]  }
0x31e: {  	v11 =	vadd.s32 v1, v11;
	v15 =	vadd.f32 $8.388608000e+06, v15;
	v20 =	vld [tilespmem:s0+$0x810]  }
0x31f: {  	v14 =	vadd.s32 v1, v14;
	v16 =	vadd.f32 $8.388608000e+06, v16;
	v13 =	vmul.f32 $2.550000000e+02, v13;
	v21 =	vld [tilespmem:s0+$0x820]  }
0x320: {  	v15 =	vadd.s32 v1, v15;
	v17 =	vmul.f32 $2.550000000e+02, v17;
	v22 =	vld [tilespmem:s0+$0x830]  }
0x321: {  	v16 =	vadd.s32 v1, v16;
	v13 =	vadd.f32 $8.388608000e+06, v13;
	v18 =	vmul.f32 $2.550000000e+02, v18;
	v23 =	vld [tilespmem:s0+$0x840]  }
0x322: {  	v17 =	vadd.f32 $8.388608000e+06, v17;
	v19 =	vmul.f32 $2.550000000e+02, v19;
	v24 =	vld [tilespmem:s0+$0x850]  }
0x323: {  	v13 =	vadd.s32 v1, v13;
	v18 =	vadd.f32 $8.388608000e+06, v18;
	v20 =	vmul.f32 $2.550000000e+02, v20;
	v25 =	vld [tilespmem:s0+$0x860]  }
0x324: {  	v17 =	vadd.s32 v1, v17;
	v19 =	vadd.f32 $8.388608000e+06, v19;
	v21 =	vmul.f32 $2.550000000e+02, v21;
	v26 =	vld [tilespmem:s0+$0x870]  }
0x325: {  	v18 =	vadd.s32 v1, v18;
	v20 =	vadd.f32 $8.388608000e+06, v20;
	v22 =	vmul.f32 $2.550000000e+02, v22;
	v27 =	vld [tilespmem:s0+$0xC00]  }
0x326: {  	v19 =	vadd.s32 v1, v19;
	v21 =	vadd.f32 $8.388608000e+06, v21;
	v23 =	vmul.f32 $2.550000000e+02, v23;
	v28 =	vld [tilespmem:s0+$0xC10]  }
0x327: {  	v20 =	vadd.s32 v1, v20;
	v22 =	vadd.f32 $8.388608000e+06, v22;
	v24 =	vmul.f32 $2.550000000e+02, v24;
	v29 =	vld [tilespmem:s0+$0xC20]  }
0x328: {  	v21 =	vadd.s32 v1, v21;
	v23 =	vadd.f32 $8.388608000e+06, v23;
	v25 =	vmul.f32 $2.550000000e+02, v25;
	v30 =	vld [tilespmem:s0+$0xC30]  }
0x329: {  	v22 =	vadd.s32 v1, v22;
	v24 =	vadd.f32 $8.388608000e+06, v24;
	v26 =	vmul.f32 $2.550000000e+02, v26;
	v31 =	vld [tilespmem:s0+$0xC40]  }
0x32a: {  	v23 =	vadd.s32 v1, v23;
	v25 =	vadd.f32 $8.388608000e+06, v25;
	v27 =	vmul.f32 $2.550000000e+02, v27;
	v32 =	vld [tilespmem:s0+$0xC50]  }
0x32b: {  	v24 =	vadd.s32 v1, v24;
	v26 =	vadd.f32 $8.388608000e+06, v26;
	v28 =	vmul.f32 $2.550000000e+02, v28;
	v33 =	vld [tilespmem:s0+$0xC60]  }
0x32c: {  	[tilespmem:v4+s22+$0x0] =	vst.idx.add.s32.msk $0xffff, v2;
	v25 =	vadd.s32 v1, v25;
	v4 =	vadd.f32 $8.388608000e+06, v27;
	v27 =	vmul.f32 $2.550000000e+02, v29  }
0x32d: {  	[tilespmem:v5+s22+$0x0] =	vst.idx.add.s32.msk $0xffff, v2;
	v5 =	vadd.s32 v1, v26;
	v26 =	vadd.f32 $8.388608000e+06, v28;
	v28 =	vmul.f32 $2.550000000e+02, v30  }
0x32e: {  	[tilespmem:v6+s22+$0x0] =	vst.idx.add.s32.msk $0xffff, v2;
	v6 =	vadd.s32 v1, v4;
	v4 =	vadd.f32 $8.388608000e+06, v27;
	v27 =	vmul.f32 $2.550000000e+02, v31  }
0x32f: {  	[tilespmem:v7+s22+$0x0] =	vst.idx.add.s32.msk $0xffff, v2;
	v7 =	vadd.s32 v1, v26;
	v26 =	vadd.f32 $8.388608000e+06, v28;
	v28 =	vmul.f32 $2.550000000e+02, v32  }
0x330: {  	[tilespmem:v8+s22+$0x0] =	vst.idx.add.s32.msk $0xffff, v2;
	v8 =	vadd.s32 v1, v4;
	v4 =	vadd.f32 $8.388608000e+06, v27;
	v27 =	vmul.f32 $2.550000000e+02, v33  }
0x331: {  	[tilespmem:v3+s22+$0x0] =	vst.idx.add.s32.msk $0xffff, v2;
	v26 =	vadd.s32 v1, v26;
	v3 =	vadd.f32 $8.388608000e+06, v28  }
0x332: {  	[tilespmem:v10+s22+$0x0] =	vst.idx.add.s32.msk $0xffff, v2;
	v10 =	vadd.s32 v1, v4;
	v27 =	vadd.f32 $8.388608000e+06, v27  }
0x333: {  	[tilespmem:v9+s22+$0x0] =	vst.idx.add.s32.msk $0xffff, v2;
	v4 =	vadd.s32 v1, v3  }
0x334: {  	[tilespmem:v12+s22+$0x0] =	vst.idx.add.s32.msk $0xffff, v2;
	v3 =	vadd.s32 v1, v27  }
0x335: {  	[tilespmem:v11+s22+$0x0] =	vst.idx.add.s32.msk $0xffff, v2  }
0x336: {  	[tilespmem:v14+s22+$0x0] =	vst.idx.add.s32.msk $0xffff, v2  }
0x337: {  	[tilespmem:v15+s22+$0x0] =	vst.idx.add.s32.msk $0xffff, v2  }
0x338: {  	[tilespmem:v16+s22+$0x0] =	vst.idx.add.s32.msk $0xffff, v2  }
0x339: {  	[tilespmem:v13+s22+$0x0] =	vst.idx.add.s32.msk $0xffff, v2  }
0x33a: {  	[tilespmem:v17+s22+$0x0] =	vst.idx.add.s32.msk $0xffff, v2  }
0x33b: {  	[tilespmem:v18+s22+$0x0] =	vst.idx.add.s32.msk $0xffff, v2  }
0x33c: {  	[tilespmem:v19+s22+$0x0] =	vst.idx.add.s32.msk $0xffff, v2  }
0x33d: {  	[tilespmem:v20+s22+$0x0] =	vst.idx.add.s32.msk $0xffff, v2  }
0x33e: {  	[tilespmem:v21+s22+$0x0] =	vst.idx.add.s32.msk $0xffff, v2  }
0x33f: {  	[tilespmem:v22+s22+$0x0] =	vst.idx.add.s32.msk $0xffff, v2  }
0x340: {  	[tilespmem:v23+s22+$0x0] =	vst.idx.add.s32.msk $0xffff, v2  }
0x341: {  	[tilespmem:v24+s22+$0x0] =	vst.idx.add.s32.msk $0xffff, v2  }
0x342: {  	[tilespmem:v25+s22+$0x0] =	vst.idx.add.s32.msk $0xffff, v2  }
0x343: {  	[tilespmem:v5+s22+$0x0] =	vst.idx.add.s32.msk $0xffff, v2  }
.Ltmp13:
0x344: {  	[tilespmem:v6+s22+$0x0] =	vst.idx.add.s32.msk $0xffff, v2;
	(pc) =	sbr.rel @p0 .LBB2_27-.Ltmp13, $4  }
0x345: {  	[tilespmem:v7+s22+$0x0] =	vst.idx.add.s32.msk $0xffff, v2  }
0x346: {  	[tilespmem:v8+s22+$0x0] =	vst.idx.add.s32.msk $0xffff, v2  }
0x347: {  	[tilespmem:v26+s22+$0x0] =	vst.idx.add.s32.msk $0xffff, v2  }
0x348: {  	s30 =	sadd.s32 $0x80, s30;
	s1 =	sadd.s32 $0x200, s1;
	[tilespmem:v10+s22+$0x0] =	vst.idx.add.s32.msk $0xffff, v2  }
0x349: {  	_ = 	snop  }
0x34a: {  	p0 =	seq.s32 s28, $0x7  }
0x34b: {  	s0 =	sshll.u32 @!p0 s28, $0xF  }
0x34c: {  	s0 =	sadd.s32 @!p0 s0, s16  }
0x34d: {  	[tilespmem:v4+s22+$0x0] =	vst.idx.add.s32.msk $0xffff, v2;
	s0 =	sshrl.u32 @!p0 s0, $0x3  }
0x34e: {  	[tilespmem:v3+s22+$0x0] =	vst.idx.add.s32.msk $0xffff, v2;
	s1 =	simm.s32 @!p0 $0x0;
	s0 =	sadd.s32 @!p0 s2, s0  }
0x34f: {  	[tilespmem:s1], [sflag:$0x1] =	stream.linear.gather @!p0 [hbm4b:s0+s1], $0x4000, $0x38;
	[tilespmem:$0x9180] =	vst v63  }
0x350: {  	s4 =	simm.s32 $0x0;
	_ =	swait.ge [sflag:s23], $0x4000  }
0x351: {  	s31 =	sand.u32 $0x3000, s4;
	s0 =	sand.u32 $0x380, s4;
	[sflag:s23] =	ssyncset.done $0x0  }
0x352: {  	s0 =	sor.u32 s0, s31;
	[sflag:s23] =	ssyncadd.s32 $0xFFFFC000  }
0x353: {  	v3 =	vld [tilespmem:s0+$0x4C70]  }
0x354: {  	v4 =	vld [tilespmem:s0+$0x4000]  }
0x355: {  	v5 =	vld [tilespmem:s0+$0x4010]  }
0x356: {  	v6 =	vld [tilespmem:s0+$0x4020]  }
0x357: {  	v7 =	vld [tilespmem:s0+$0x4030]  }
0x358: {  	v8 =	vld [tilespmem:s0+$0x4040]  }
0x359: {  	v9 =	vld [tilespmem:s0+$0x4050]  }
0x35a: {  	v10 =	vld [tilespmem:s0+$0x4060]  }
0x35b: {  	v11 =	vld [tilespmem:s0+$0x4070]  }
0x35c: {  	v12 =	vld [tilespmem:s0+$0x4400]  }
0x35d: {  	v13 =	vld [tilespmem:s0+$0x4410]  }
0x35e: {  	v14 =	vld [tilespmem:s0+$0x4420]  }
0x35f: {  	v15 =	vld [tilespmem:s0+$0x4430]  }
0x360: {  	v16 =	vld [tilespmem:s0+$0x4440]  }
0x361: {  	v17 =	vld [tilespmem:s0+$0x4460]  }
0x362: {  	v18 =	vld [tilespmem:s0+$0x4470]  }
0x363: {  	v19 =	vld [tilespmem:s0+$0x4800]  }
0x364: {  	v20 =	vld [tilespmem:s0+$0x4810]  }
0x365: {  	v21 =	vld [tilespmem:s0+$0x4820]  }
0x366: {  	v22 =	vld [tilespmem:s0+$0x4830]  }
0x367: {  	v23 =	vld [tilespmem:s0+$0x4840]  }
0x368: {  	v24 =	vld [tilespmem:s0+$0x4850];
	v3 =	vmul.f32 $2.550000000e+02, v3  }
0x369: {  	v25 =	vld [tilespmem:s0+$0x4860]  }
0x36a: {  	v26 =	vld [tilespmem:s0+$0x4870];
	v3 =	vadd.f32 $8.388608000e+06, v3  }
0x36b: {  	v27 =	vld [tilespmem:s0+$0x4C00];
	v4 =	vmul.f32 $2.550000000e+02, v4  }
0x36c: {  	v28 =	vld [tilespmem:s0+$0x4C10];
	v5 =	vmul.f32 $2.550000000e+02, v5;
	v3 =	vadd.s32 v1, v3  }
0x36d: {  	v29 =	vld [tilespmem:s0+$0x4C20];
	v6 =	vmul.f32 $2.550000000e+02, v6;
	v7 =	vmul.f32 $2.550000000e+02, v7;
	v4 =	vadd.f32 $8.388608000e+06, v4  }
0x36e: {  	v30 =	vld [tilespmem:s0+$0x4C30];
	v8 =	vmul.f32 $2.550000000e+02, v8;
	v9 =	vmul.f32 $2.550000000e+02, v9;
	v5 =	vadd.f32 $8.388608000e+06, v5  }
0x36f: {  	v31 =	vld [tilespmem:s0+$0x4C40];
	v10 =	vmul.f32 $2.550000000e+02, v10;
	v6 =	vadd.f32 $8.388608000e+06, v6;
	v4 =	vadd.s32 v1, v4  }
0x370: {  	v32 =	vld [tilespmem:s0+$0x4C50];
	v11 =	vmul.f32 $2.550000000e+02, v11;
	v7 =	vadd.f32 $8.388608000e+06, v7;
	v5 =	vadd.s32 v1, v5  }
0x371: {  	v56 =	vmul.f32 $2.550000000e+02, v14;
	v8 =	vadd.f32 $8.388608000e+06, v8;
	v6 =	vadd.s32 v1, v6;
	[tilespmem:v3+s22+$0x0] =	vst.idx.add.s32.msk $0xffff, v2  }
0x372: {  	v58 =	vmul.f32 $2.550000000e+02, v15;
	v9 =	vadd.f32 $8.388608000e+06, v9;
	v7 =	vadd.s32 v1, v7;
	v3 =	vld [tilespmem:s0+$0x4450]  }
0x373: {  	v33 =	vld [tilespmem:s0+$0x4C60];
	v13 =	vmul.f32 $2.550000000e+02, v13;
	v59 =	vadd.f32 $8.388608000e+06, v56;
	v8 =	vadd.s32 v1, v8  }
0x374: {  	v12 =	vmul.f32 $2.550000000e+02, v12;
	v61 =	vadd.f32 $8.388608000e+06, v58;
	v9 =	vadd.s32 v1, v9;
	[tilespmem:v4+s22+$0x0] =	vst.idx.add.s32.msk $0xffff, v2  }
0x375: {  	v60 =	vmul.f32 $2.550000000e+02, v16;
	v57 =	vadd.f32 $8.388608000e+06, v13;
	v62 =	vadd.s32 v1, v59;
	[tilespmem:v5+s22+$0x0] =	vst.idx.add.s32.msk $0xffff, v2  }
0x376: {  	v16 =	vmul.f32 $2.550000000e+02, v17;
	v10 =	vadd.f32 $8.388608000e+06, v10;
	v17 =	vadd.s32 v1, v61;
	[tilespmem:v6+s22+$0x0] =	vst.idx.add.s32.msk $0xffff, v2  }
0x377: {  	v11 =	vadd.f32 $8.388608000e+06, v11;
	[tilespmem:v7+s22+$0x0] =	vst.idx.add.s32.msk $0xffff, v2;
	v7 =	vadd.s32 v1, v57;
	v3 =	vmul.f32 $2.550000000e+02, v3  }
0x378: {  	v35 =	vmul.f32 $2.550000000e+02, v19;
	v55 =	vadd.f32 $8.388608000e+06, v12;
	v4 =	vadd.s32 v1, v10;
	[tilespmem:v8+s22+$0x0] =	vst.idx.add.s32.msk $0xffff, v2  }
0x379: {  	v5 =	vadd.s32 v1, v11;
	[tilespmem:v9+s22+$0x0] =	vst.idx.add.s32.msk $0xffff, v2;
	v3 =	vadd.f32 $8.388608000e+06, v3  }
0x37a: {  	v36 =	vmul.f32 $2.550000000e+02, v20;
	v37 =	vadd.f32 $8.388608000e+06, v35;
	v6 =	vadd.s32 v1, v55;
	[tilespmem:v62+s22+$0x0] =	vst.idx.add.s32.msk $0xffff, v2  }
0x37b: {  	v63 =	vadd.f32 $8.388608000e+06, v60;
	[tilespmem:v17+s22+$0x0] =	vst.idx.add.s32.msk $0xffff, v2;
	v3 =	vadd.s32 v1, v3  }
0x37c: {  	v39 =	vmul.f32 $2.550000000e+02, v22;
	v40 =	vadd.s32 v1, v37;
	[tilespmem:v7+s22+$0x0] =	vst.idx.add.s32.msk $0xffff, v2;
	v7 =	vadd.f32 $8.388608000e+06, v36  }
0x37d: {  	v18 =	vmul.f32 $2.550000000e+02, v18;
	v34 =	vadd.f32 $8.388608000e+06, v16;
	[tilespmem:v4+s22+$0x0] =	vst.idx.add.s32.msk $0xffff, v2;
	v4 =	vadd.s32 v1, v63  }
0x37e: {  	v38 =	vmul.f32 $2.550000000e+02, v21;
	v43 =	vadd.f32 $8.388608000e+06, v39;
	[tilespmem:v5+s22+$0x0] =	vst.idx.add.s32.msk $0xffff, v2;
	v7 =	vadd.s32 v1, v7  }
0x37f: {  	v48 =	vmul.f32 $2.550000000e+02, v26;
	v5 =	vadd.f32 $8.388608000e+06, v18;
	[tilespmem:v6+s22+$0x0] =	vst.idx.add.s32.msk $0xffff, v2;
	v6 =	vadd.s32 v1, v34  }
0x380: {  	v42 =	vmul.f32 $2.550000000e+02, v23;
	v41 =	vadd.f32 $8.388608000e+06, v38;
	[tilespmem:v3+s22+$0x0] =	vst.idx.add.s32.msk $0xffff, v2;
	v3 =	vadd.s32 v1, v43  }
0x381: {  	v52 =	vmul.f32 $2.550000000e+02, v28;
	v51 =	vadd.f32 $8.388608000e+06, v48;
	[tilespmem:v40+s22+$0x0] =	vst.idx.add.s32.msk $0xffff, v2;
	v5 =	vadd.s32 v1, v5  }
0x382: {  	v44 =	vmul.f32 $2.550000000e+02, v24;
	v45 =	vadd.f32 $8.388608000e+06, v42;
	[tilespmem:v4+s22+$0x0] =	vst.idx.add.s32.msk $0xffff, v2;
	v4 =	vadd.s32 v1, v41  }
0x383: {  	v50 =	vmul.f32 $2.550000000e+02, v27;
	v56 =	vadd.f32 $8.388608000e+06, v52;
	[tilespmem:v7+s22+$0x0] =	vst.idx.add.s32.msk $0xffff, v2;
	v7 =	vadd.s32 v1, v51  }
0x384: {  	v46 =	vmul.f32 $2.550000000e+02, v25;
	v47 =	vadd.f32 $8.388608000e+06, v44;
	[tilespmem:v6+s22+$0x0] =	vst.idx.add.s32.msk $0xffff, v2;
	v6 =	vadd.s32 v1, v45  }
0x385: {  	v54 =	vadd.f32 $8.388608000e+06, v50;
	v59 =	vmul.f32 $2.550000000e+02, v31;
	[tilespmem:v3+s22+$0x0] =	vst.idx.add.s32.msk $0xffff, v2;
	v3 =	vadd.s32 v1, v56  }
0x386: {  	v49 =	vadd.f32 $8.388608000e+06, v46;
	v55 =	vmul.f32 $2.550000000e+02, v29;
	[tilespmem:v5+s22+$0x0] =	vst.idx.add.s32.msk $0xffff, v2;
	v5 =	vadd.s32 v1, v47  }
0x387: {  	v61 =	vadd.f32 $8.388608000e+06, v59;
	v57 =	vmul.f32 $2.550000000e+02, v30;
	[tilespmem:v4+s22+$0x0] =	vst.idx.add.s32.msk $0xffff, v2;
	v4 =	vadd.s32 v1, v54  }
0x388: {  	v53 =	vadd.s32 v1, v49;
	v58 =	vadd.f32 $8.388608000e+06, v55;
	[tilespmem:v7+s22+$0x0] =	vst.idx.add.s32.msk $0xffff, v2;
	v7 =	vmul.f32 $2.550000000e+02, v32  }
0x389: {  	v62 =	vadd.s32 v1, v61;
	v60 =	vadd.f32 $8.388608000e+06, v57;
	v63 =	vmul.f32 $2.550000000e+02, v33;
	[tilespmem:v6+s22+$0x0] =	vst.idx.add.s32.msk $0xffff, v2  }
0x38a: {  	v6 =	vadd.s32 v1, v58;
	[tilespmem:v3+s22+$0x0] =	vst.idx.add.s32.msk $0xffff, v2;
	v3 =	vadd.f32 $8.388608000e+06, v7  }
0x38b: {  	[tilespmem:v5+s22+$0x0] =	vst.idx.add.s32.msk $0xffff, v2;
	v5 =	vadd.s32 v1, v60;
	v7 =	vadd.f32 $8.388608000e+06, v63  }
0x38c: {  	[tilespmem:v4+s22+$0x0] =	vst.idx.add.s32.msk $0xffff, v2;
	v4 =	vadd.s32 v1, v3  }
0x38d: {  	[tilespmem:v53+s22+$0x0] =	vst.idx.add.s32.msk $0xffff, v2;
	v3 =	vadd.s32 v1, v7  }
0x38e: {  	[tilespmem:v62+s22+$0x0] =	vst.idx.add.s32.msk $0xffff, v2  }
0x38f: {  	[tilespmem:v6+s22+$0x0] =	vst.idx.add.s32.msk $0xffff, v2  }
0x390: {  	s29 =	simm.s32 $0x0;
	s30 =	simm.s32 $0x80;
	s1 =	simm.s32 $0x200;
	[tilespmem:v5+s22+$0x0] =	vst.idx.add.s32.msk $0xffff, v2  }
.LBB2_29:
0x391: {  	s0 =	sand.u32 $0x3000, s1;
	s4 =	sand.u32 $0x380, s30;
	s29 =	sadd.s32 $0x20, s29;
	[tilespmem:v4+s22+$0x0] =	vst.idx.add.s32.msk $0xffff, v2  }
0x392: {  	s0 =	sor.u32 s4, s0;
	p1 =	slt.u32 s29, $0x3E0;
	[tilespmem:v3+s22+$0x0] =	vst.idx.add.s32.msk $0xffff, v2  }
0x393: {  	v3 =	vld [tilespmem:s0+$0x4C70]  }
0x394: {  	v4 =	vld [tilespmem:s0+$0x4000]  }
0x395: {  	v5 =	vld [tilespmem:s0+$0x4010]  }
0x396: {  	v6 =	vld [tilespmem:s0+$0x4020]  }
0x397: {  	v7 =	vld [tilespmem:s0+$0x4030]  }
0x398: {  	v8 =	vld [tilespmem:s0+$0x4040];
	v3 =	vmul.f32 $2.550000000e+02, v3  }
0x399: {  	v4 =	vmul.f32 $2.550000000e+02, v4;
	v9 =	vld [tilespmem:s0+$0x4050]  }
0x39a: {  	v5 =	vmul.f32 $2.550000000e+02, v5;
	v10 =	vld [tilespmem:s0+$0x4060];
	v3 =	vadd.f32 $8.388608000e+06, v3  }
0x39b: {  	v4 =	vadd.f32 $8.388608000e+06, v4;
	v6 =	vmul.f32 $2.550000000e+02, v6;
	v11 =	vld [tilespmem:s0+$0x4070]  }
0x39c: {  	v5 =	vadd.f32 $8.388608000e+06, v5;
	v7 =	vmul.f32 $2.550000000e+02, v7;
	v12 =	vld [tilespmem:s0+$0x4400];
	v3 =	vadd.s32 v1, v3  }
0x39d: {  	v4 =	vadd.s32 v1, v4;
	v6 =	vadd.f32 $8.388608000e+06, v6;
	v8 =	vmul.f32 $2.550000000e+02, v8;
	v13 =	vld [tilespmem:s0+$0x4410]  }
0x39e: {  	v5 =	vadd.s32 v1, v5;
	v7 =	vadd.f32 $8.388608000e+06, v7;
	v9 =	vmul.f32 $2.550000000e+02, v9;
	v14 =	vld [tilespmem:s0+$0x4420]  }
0x39f: {  	v6 =	vadd.s32 v1, v6;
	v8 =	vadd.f32 $8.388608000e+06, v8;
	v10 =	vmul.f32 $2.550000000e+02, v10;
	v15 =	vld [tilespmem:s0+$0x4430]  }
0x3a0: {  	v7 =	vadd.s32 v1, v7;
	v9 =	vadd.f32 $8.388608000e+06, v9;
	v11 =	vmul.f32 $2.550000000e+02, v11;
	v16 =	vld [tilespmem:s0+$0x4440]  }
0x3a1: {  	v8 =	vadd.s32 v1, v8;
	v10 =	vadd.f32 $8.388608000e+06, v10;
	v12 =	vmul.f32 $2.550000000e+02, v12;
	[tilespmem:v3+s22+$0x0] =	vst.idx.add.s32.msk $0xffff, v2  }
0x3a2: {  	v3 =	vadd.s32 v1, v9;
	v9 =	vadd.f32 $8.388608000e+06, v11;
	v11 =	vmul.f32 $2.550000000e+02, v13;
	v13 =	vld [tilespmem:s0+$0x4450]  }
0x3a3: {  	v10 =	vadd.s32 v1, v10;
	v12 =	vadd.f32 $8.388608000e+06, v12;
	v14 =	vmul.f32 $2.550000000e+02, v14;
	v17 =	vld [tilespmem:s0+$0x4460]  }
0x3a4: {  	v9 =	vadd.s32 v1, v9;
	v11 =	vadd.f32 $8.388608000e+06, v11;
	v15 =	vmul.f32 $2.550000000e+02, v15;
	v18 =	vld [tilespmem:s0+$0x4470]  }
0x3a5: {  	v12 =	vadd.s32 v1, v12;
	v14 =	vadd.f32 $8.388608000e+06, v14;
	v16 =	vmul.f32 $2.550000000e+02, v16;
	v19 =	vld [tilespmem:s0+$0x4800]  }
0x3a6: {  	v11 =	vadd.s32 v1, v11;
	v15 =	vadd.f32 $8.388608000e+06, v15;
	v20 =	vld [tilespmem:s0+$0x4810]  }
0x3a7: {  	v14 =	vadd.s32 v1, v14;
	v16 =	vadd.f32 $8.388608000e+06, v16;
	v13 =	vmul.f32 $2.550000000e+02, v13;
	v21 =	vld [tilespmem:s0+$0x4820]  }
0x3a8: {  	v15 =	vadd.s32 v1, v15;
	v17 =	vmul.f32 $2.550000000e+02, v17;
	v22 =	vld [tilespmem:s0+$0x4830]  }
0x3a9: {  	v16 =	vadd.s32 v1, v16;
	v13 =	vadd.f32 $8.388608000e+06, v13;
	v18 =	vmul.f32 $2.550000000e+02, v18;
	v23 =	vld [tilespmem:s0+$0x4840]  }
0x3aa: {  	v17 =	vadd.f32 $8.388608000e+06, v17;
	v19 =	vmul.f32 $2.550000000e+02, v19;
	v24 =	vld [tilespmem:s0+$0x4850]  }
0x3ab: {  	v13 =	vadd.s32 v1, v13;
	v18 =	vadd.f32 $8.388608000e+06, v18;
	v20 =	vmul.f32 $2.550000000e+02, v20;
	v25 =	vld [tilespmem:s0+$0x4860]  }
0x3ac: {  	v17 =	vadd.s32 v1, v17;
	v19 =	vadd.f32 $8.388608000e+06, v19;
	v21 =	vmul.f32 $2.550000000e+02, v21;
	v26 =	vld [tilespmem:s0+$0x4870]  }
0x3ad: {  	v18 =	vadd.s32 v1, v18;
	v20 =	vadd.f32 $8.388608000e+06, v20;
	v22 =	vmul.f32 $2.550000000e+02, v22;
	v27 =	vld [tilespmem:s0+$0x4C00]  }
0x3ae: {  	v19 =	vadd.s32 v1, v19;
	v21 =	vadd.f32 $8.388608000e+06, v21;
	v23 =	vmul.f32 $2.550000000e+02, v23;
	v28 =	vld [tilespmem:s0+$0x4C10]  }
0x3af: {  	v20 =	vadd.s32 v1, v20;
	v22 =	vadd.f32 $8.388608000e+06, v22;
	v24 =	vmul.f32 $2.550000000e+02, v24;
	v29 =	vld [tilespmem:s0+$0x4C20]  }
0x3b0: {  	v21 =	vadd.s32 v1, v21;
	v23 =	vadd.f32 $8.388608000e+06, v23;
	v25 =	vmul.f32 $2.550000000e+02, v25;
	v30 =	vld [tilespmem:s0+$0x4C30]  }
0x3b1: {  	v22 =	vadd.s32 v1, v22;
	v24 =	vadd.f32 $8.388608000e+06, v24;
	v26 =	vmul.f32 $2.550000000e+02, v26;
	v31 =	vld [tilespmem:s0+$0x4C40]  }
0x3b2: {  	v23 =	vadd.s32 v1, v23;
	v25 =	vadd.f32 $8.388608000e+06, v25;
	v27 =	vmul.f32 $2.550000000e+02, v27;
	v32 =	vld [tilespmem:s0+$0x4C50]  }
0x3b3: {  	v24 =	vadd.s32 v1, v24;
	v26 =	vadd.f32 $8.388608000e+06, v26;
	v28 =	vmul.f32 $2.550000000e+02, v28;
	v33 =	vld [tilespmem:s0+$0x4C60]  }
0x3b4: {  	[tilespmem:v4+s22+$0x0] =	vst.idx.add.s32.msk $0xffff, v2;
	v25 =	vadd.s32 v1, v25;
	v4 =	vadd.f32 $8.388608000e+06, v27;
	v27 =	vmul.f32 $2.550000000e+02, v29  }
0x3b5: {  	[tilespmem:v5+s22+$0x0] =	vst.idx.add.s32.msk $0xffff, v2;
	v5 =	vadd.s32 v1, v26;
	v26 =	vadd.f32 $8.388608000e+06, v28;
	v28 =	vmul.f32 $2.550000000e+02, v30  }
0x3b6: {  	[tilespmem:v6+s22+$0x0] =	vst.idx.add.s32.msk $0xffff, v2;
	v6 =	vadd.s32 v1, v4;
	v4 =	vadd.f32 $8.388608000e+06, v27;
	v27 =	vmul.f32 $2.550000000e+02, v31  }
0x3b7: {  	[tilespmem:v7+s22+$0x0] =	vst.idx.add.s32.msk $0xffff, v2;
	v7 =	vadd.s32 v1, v26;
	v26 =	vadd.f32 $8.388608000e+06, v28;
	v28 =	vmul.f32 $2.550000000e+02, v32  }
0x3b8: {  	[tilespmem:v8+s22+$0x0] =	vst.idx.add.s32.msk $0xffff, v2;
	v8 =	vadd.s32 v1, v4;
	v4 =	vadd.f32 $8.388608000e+06, v27;
	v27 =	vmul.f32 $2.550000000e+02, v33  }
0x3b9: {  	[tilespmem:v3+s22+$0x0] =	vst.idx.add.s32.msk $0xffff, v2;
	v26 =	vadd.s32 v1, v26;
	v3 =	vadd.f32 $8.388608000e+06, v28  }
0x3ba: {  	[tilespmem:v10+s22+$0x0] =	vst.idx.add.s32.msk $0xffff, v2;
	v10 =	vadd.s32 v1, v4;
	v27 =	vadd.f32 $8.388608000e+06, v27  }
0x3bb: {  	[tilespmem:v9+s22+$0x0] =	vst.idx.add.s32.msk $0xffff, v2;
	v4 =	vadd.s32 v1, v3  }
0x3bc: {  	[tilespmem:v12+s22+$0x0] =	vst.idx.add.s32.msk $0xffff, v2;
	v3 =	vadd.s32 v1, v27  }
0x3bd: {  	[tilespmem:v11+s22+$0x0] =	vst.idx.add.s32.msk $0xffff, v2  }
0x3be: {  	[tilespmem:v14+s22+$0x0] =	vst.idx.add.s32.msk $0xffff, v2  }
0x3bf: {  	[tilespmem:v15+s22+$0x0] =	vst.idx.add.s32.msk $0xffff, v2  }
0x3c0: {  	[tilespmem:v16+s22+$0x0] =	vst.idx.add.s32.msk $0xffff, v2  }
0x3c1: {  	[tilespmem:v13+s22+$0x0] =	vst.idx.add.s32.msk $0xffff, v2  }
0x3c2: {  	[tilespmem:v17+s22+$0x0] =	vst.idx.add.s32.msk $0xffff, v2  }
0x3c3: {  	[tilespmem:v18+s22+$0x0] =	vst.idx.add.s32.msk $0xffff, v2  }
0x3c4: {  	[tilespmem:v19+s22+$0x0] =	vst.idx.add.s32.msk $0xffff, v2  }
0x3c5: {  	[tilespmem:v20+s22+$0x0] =	vst.idx.add.s32.msk $0xffff, v2  }
0x3c6: {  	[tilespmem:v21+s22+$0x0] =	vst.idx.add.s32.msk $0xffff, v2  }
0x3c7: {  	[tilespmem:v22+s22+$0x0] =	vst.idx.add.s32.msk $0xffff, v2  }
0x3c8: {  	[tilespmem:v23+s22+$0x0] =	vst.idx.add.s32.msk $0xffff, v2  }
0x3c9: {  	[tilespmem:v24+s22+$0x0] =	vst.idx.add.s32.msk $0xffff, v2  }
0x3ca: {  	[tilespmem:v25+s22+$0x0] =	vst.idx.add.s32.msk $0xffff, v2  }
0x3cb: {  	[tilespmem:v5+s22+$0x0] =	vst.idx.add.s32.msk $0xffff, v2  }
.Ltmp14:
0x3cc: {  	[tilespmem:v6+s22+$0x0] =	vst.idx.add.s32.msk $0xffff, v2;
	(pc) =	sbr.rel @p1 .LBB2_29-.Ltmp14, $4  }
0x3cd: {  	[tilespmem:v7+s22+$0x0] =	vst.idx.add.s32.msk $0xffff, v2  }
0x3ce: {  	[tilespmem:v8+s22+$0x0] =	vst.idx.add.s32.msk $0xffff, v2  }
0x3cf: {  	[tilespmem:v26+s22+$0x0] =	vst.idx.add.s32.msk $0xffff, v2  }
0x3d0: {  	s30 =	sadd.s32 $0x80, s30;
	s1 =	sadd.s32 $0x200, s1;
	[tilespmem:v10+s22+$0x0] =	vst.idx.add.s32.msk $0xffff, v2  }
0x3d1: {  	_ = 	snop  }
.Ltmp15:
0x3d2: {  	_ = 	snop;
	(pc) =	sbr.rel @p0 .LBB2_32-.Ltmp15, $3  }
0x3d3: {  	_ =	sdelay $0x1  }
0x3d4: {  	[tilespmem:v4+s22+$0x0] =	vst.idx.add.s32.msk $0xffff, v2  }
0x3d5: {  	[tilespmem:v3+s22+$0x0] =	vst.idx.add.s32.msk $0xffff, v2  }
.Ltmp16:
0x3d6: {  	s0 =	sshll.u32 s28, $0xF;
	(pc) =	sbr.rel .LBB2_26-.Ltmp16, $4  }
0x3d7: {  	s0 =	sadd.s32 s0, s17  }
0x3d8: {  	s0 =	sshrl.u32 s0, $0x3  }
0x3d9: {  	s28 =	sadd.s32 $0x1, s28;
	s0 =	sadd.s32 s2, s0  }
0x3da: {  	[tilespmem:s20], [sflag:$0x2] =	stream.linear.gather [hbm4b:s0+s3], $0x4000, $0x38;
	[tilespmem:$0x9180] =	vst v63  }
.LBB2_32:
0x3db: {  	s0 =	simm.s32 $0x0  }
0x3dc: {  	v3 =	vld [tilespmem:s0+$0x8000]  }
0x3dd: {  	v4 =	vld [tilespmem:s0+$0x8101]  }
0x3de: {  	v5 =	vld [tilespmem:s0+$0x8202]  }
0x3df: {  	v6 =	vld [tilespmem:s0+$0x8303]  }
0x3e0: {  	v7 =	vld [tilespmem:s0+$0x8404]  }
0x3e1: {  	v8 =	vld [tilespmem:s0+$0x8505]  }
0x3e2: {  	v3 =	vadd.s32 v3, v4;
	v4 =	vld [tilespmem:s0+$0x8606]  }
0x3e3: {  	v3 =	vadd.s32 v5, v3;
	v5 =	vld [tilespmem:s0+$0x8707]  }
0x3e4: {  	v3 =	vadd.s32 v6, v3;
	v6 =	vld [tilespmem:s0+$0x8808]  }
0x3e5: {  	v3 =	vadd.s32 v7, v3;
	v7 =	vld [tilespmem:s0+$0x8909]  }
0x3e6: {  	v3 =	vadd.s32 v8, v3;
	v8 =	vld [tilespmem:s0+$0x8A0A]  }
0x3e7: {  	v9 =	vld [tilespmem:s0+$0x8B0B];
	v3 =	vadd.s32 v4, v3  }
0x3e8: {  	v4 =	vld [tilespmem:s0+$0x8C0C];
	v3 =	vadd.s32 v5, v3  }
0x3e9: {  	v5 =	vld [tilespmem:s0+$0x8D0D];
	v3 =	vadd.s32 v6, v3  }
0x3ea: {  	v6 =	vld [tilespmem:s0+$0x8E0E];
	v3 =	vadd.s32 v7, v3  }
0x3eb: {  	s1 =	simm.s32 $0x10;
	v7 =	vld [tilespmem:s0+$0x8F0F];
	v8 =	vadd.s32 v8, v3  }
0x3ec: {  	s28 =	simm.s32 $0x80;
	v3 =	vld [tilespmem:s1+$0x8000];
	v8 =	vadd.s32 v9, v8  }
.LBB2_33:
0x3ed: {  	p0 =	sne.s32 s28, $0x3C0;
	v9 =	vld [tilespmem:s1+$0x8101];
	v4 =	vadd.s32 v4, v8  }
0x3ee: {  	v8 =	vld [tilespmem:s1+$0x8202];
	v4 =	vadd.s32 v5, v4  }
0x3ef: {  	v5 =	vld [tilespmem:s1+$0x8303];
	v4 =	vadd.s32 v6, v4  }
0x3f0: {  	v6 =	vld [tilespmem:s1+$0x8404];
	v4 =	vadd.s32 v7, v4  }
0x3f1: {  	v7 =	vld [tilespmem:s1+$0x8505];
	[tilespmem:s0+$0x9080] =	vst v4;
	s0 =	smov.u32 s1  }
0x3f2: {  	v3 =	vadd.s32 v3, v9;
	v4 =	vld [tilespmem:s0+$0x8606]  }
0x3f3: {  	v3 =	vadd.s32 v8, v3;
	v8 =	vld [tilespmem:s0+$0x8707]  }
0x3f4: {  	v3 =	vadd.s32 v5, v3;
	v5 =	vld [tilespmem:s0+$0x8808]  }
0x3f5: {  	v3 =	vadd.s32 v6, v3;
	v6 =	vld [tilespmem:s0+$0x8909]  }
0x3f6: {  	v3 =	vadd.s32 v7, v3;
	v7 =	vld [tilespmem:s0+$0x8A0A]  }
0x3f7: {  	v3 =	vadd.s32 v4, v3;
	v9 =	vld [tilespmem:s0+$0x8B0B]  }
.Ltmp17:
0x3f8: {  	v3 =	vadd.s32 v8, v3;
	v4 =	vld [tilespmem:s0+$0x8C0C];
	(pc) =	sbr.rel @p0 .LBB2_33-.Ltmp17, $4  }
0x3f9: {  	v3 =	vadd.s32 v5, v3;
	v5 =	vld [tilespmem:s0+$0x8D0D]  }
0x3fa: {  	v3 =	vadd.s32 v6, v3;
	v6 =	vld [tilespmem:s0+$0x8E0E]  }
0x3fb: {  	s1 =	sshra.s32 s28, $0x2;
	v8 =	vadd.s32 v7, v3;
	v7 =	vld [tilespmem:s0+$0x8F0F]  }
0x3fc: {  	s28 =	sadd.s32 $0x40, s28;
	v3 =	vld [tilespmem:s1+$0x8000];
	v8 =	vadd.s32 v9, v8  }
0x3fd: {  	v9 =	vld [tilespmem:s1+$0x8101];
	v4 =	vadd.s32 v4, v8  }
0x3fe: {  	v51 =	vld [tilespmem:s1+$0x8202];
	v4 =	vadd.s32 v5, v4  }
0x3ff: {  	v52 =	vld [tilespmem:s1+$0x8303];
	v4 =	vadd.s32 v6, v4  }
0x400: {  	v53 =	vld [tilespmem:s1+$0x8404];
	v4 =	vadd.s32 v7, v4  }
0x401: {  	v54 =	vld [tilespmem:s1+$0x8505];
	[tilespmem:s0+$0x9080] =	vst v4  }
0x402: {  	v3 =	vadd.s32 v3, v9;
	v4 =	vld [tilespmem:s1+$0x8606]  }
0x403: {  	v55 =	vld [tilespmem:s1+$0x8707];
	v3 =	vadd.s32 v51, v3  }
0x404: {  	v56 =	vld [tilespmem:s1+$0x8808];
	v3 =	vadd.s32 v52, v3  }
0x405: {  	v57 =	vld [tilespmem:s1+$0x8909];
	v3 =	vadd.s32 v53, v3  }
0x406: {  	v58 =	vld [tilespmem:s1+$0x8A0A];
	v3 =	vadd.s32 v54, v3  }
0x407: {  	v59 =	vld [tilespmem:s1+$0x8B0B];
	v3 =	vadd.s32 v4, v3  }
0x408: {  	v60 =	vld [tilespmem:s1+$0x8C0C];
	v3 =	vadd.s32 v55, v3  }
0x409: {  	v61 =	vld [tilespmem:s1+$0x8D0D];
	v3 =	vadd.s32 v56, v3  }
0x40a: {  	v62 =	vld [tilespmem:s1+$0x8E0E];
	v3 =	vadd.s32 v57, v3  }
0x40b: {  	v63 =	vld [tilespmem:s1+$0x8F0F];
	v3 =	vadd.s32 v58, v3  }
0x40c: {  	v3 =	vadd.s32 v59, v3  }
0x40d: {  	v3 =	vadd.s32 v60, v3  }
0x40e: {  	v3 =	vadd.s32 v61, v3  }
0x40f: {  	s26 =	sadd.s32 $0x1, s26;
	v3 =	vadd.s32 v62, v3  }
0x410: {  	p0 =	sne.s32 s26, s19;
	v3 =	vadd.s32 v63, v3  }
.Ltmp18:
0x411: {  	[tilespmem:s1+$0x9080] =	vst v3;
	(pc) =	sbr.rel @p0 .LBB2_1-.Ltmp18, $4  }
0x412: {  	[hbm4b:s18+s3] =	stream.linear.scatter [tilespmem:s24], [sflag:$0x3], $0x100, $0x38;
	[tilespmem:$0x9180] =	vst v63  }
0x413: {  	_ =	swait.ge [sflag:s25], $0x100  }
0x414: {  	[sflag:s25] =	ssyncset.done $0x0  }
0x415: {  	[sflag:s25] =	ssyncadd.s32 $0xFFFFFF00  }
0x416: {  	_ =	sfence.sel $0x180000  }
0x417: {  	[bflag:$0x0] =	sbarrier.arrive $0xFFFF  }
0x418: {  	_ =	strace $0x90000047  }
0x419: {  	s0 =	stileid.u32;
	[bflag:$0x2] =	sbarrier.arrive $0xFFFF  }
0x41a: {  	p0 =	sne.s32 s0, $0x0;
	s0 =	rddreg [dreg:$0x2]  }
0x41b: {  	s0 =	sadd.s32 @!p0 $0x100000, s0  }
0x41c: {  	[sflag:s0] =	ssyncadd.tile.s32 @!p0 $0x1;
	_ =	shalt  }
.Lfunc_end2:
_tile_overlayer_lowered:
.L_overlay_start_2:
0x41d: {  	(tag) =	ssettag $0x2  }
0x41e: {  	s0 =	rddreg [dreg:$0x0];
	s2 =	stileid.u32  }
0x41f: {  	s1 =	rddreg [dreg:$0x1];
	p0 =	sne.s32 s2, $0x0  }
0x420: {  	s3 =	rddreg [dreg:$0x2];
	[bflag:$0x3] =	sbarrier.arrive $0xFFFF;
	s2 =	simm.s32 @!p0 $0x1C03  }
0x421: {  	[timem:s3], [sflag:s2] =	dma.local @!p0 [hbm:s0], s1  }
0x422: {  	s0 =	simm.s32 @!p0 $0x3  }
0x423: {  	_ =	swait.ge @!p0 [sflag:s0], s1  }
0x424: {  	s1 =	ssub.s32 @!p0 $0x0, s1;
	[sflag:s0] =	ssyncset.done @!p0 $0x0  }
0x425: {  	[sflag:s0] =	ssyncadd.s32 @!p0 s1  }
0x426: {  	[bflag:$0x3] =	sbarrier.arrive $0xFFFF  }
0x427: {  	_ =	shalt  }

</sc_bundles>
